<compile_context>
chip_gen: v7x
topology: tpu7x:2x2x1
jax: 0.10.2.dev20260603
libtpu: 0.0.44.dev20260713+nightly
codegen_flags: <defaults>
</compile_context>

<pallas_src>
import jax
import jax.numpy as jnp
from jax import lax
from jax.experimental import pallas as pl
from jax.experimental.pallas import tpu as pltpu
from jax.experimental.pallas import tpu_sc as plsc

N = 4096
T = 128
NT = N // T
NC = 2
NS = 16
NW = NC * NS
STEPS = 17
STRIPW = T + 16
NPACK = N * (N + 1) // 2
ACLAMP = NPACK - STRIPW
TT1 = T + 1


def _body(v_hbm, out_hbm, strip0, strip1, tile0, tile1, tt0, tt1, tpose,
          sem_in0, sem_in1, sem_out0, sem_out1):
    wid = lax.axis_index("s") * NC + lax.axis_index("c")
    iota16 = lax.iota(jnp.int32, 16)
    strips = [strip0, strip1]
    tiles = [tile0, tile1]
    tts = [tt0, tt1]
    sem_ins = [sem_in0, sem_in1]
    sem_outs = [sem_out0, sem_out1]

    def decode(mm):
        first = wid < (NT - mm)
        ti = jnp.where(first, wid, wid - NT + mm)
        tj = jnp.where(first, wid + mm, wid)
        valid = jnp.logical_or(mm < 16, wid < 16)
        return ti, tj, valid

    def row_start(i, j0):
        return i * N - (i * (i - 1)) // 2 - i + j0

    def fire(mm, par):
        ti, tj, _ = decode(mm)
        i0 = ti * T
        j0 = tj * T
        strip = strips[par]
        sem = sem_ins[par]

        s0 = row_start(i0, j0)
        d0 = N - 1 - i0

        @plsc.parallel_loop(0, T, unroll=4)
        def go(k):
            s = s0 + k * d0 - ((k * (k - 1)) >> 1)
            a = jnp.minimum((s >> 4) << 4, ACLAMP)
            a = pl.multiple_of(a, 16)
            pltpu.async_copy(
                v_hbm.at[pl.ds(a, STRIPW)],
                strip.at[pl.ds(k * STRIPW, STRIPW)],
                sem,
            )

    def wait_tilebytes(par, buf):
        pltpu.make_async_copy(
            out_hbm.at[pl.ds(0, T), pl.ds(0, T)], buf, sem_outs[par]
        ).wait()

    def step(m, par):
        pi, pj, pvalid = decode(m - 2)

        @pl.when(jnp.logical_and(m >= 2, pvalid))
        def _():
            wait_tilebytes(par, tiles[par])

            @pl.when(pi != pj)
            def _():
                wait_tilebytes(par, tiles[par])

        ni, nj, nvalid = decode(m + 1)

        @pl.when(jnp.logical_and(m + 1 < STEPS, nvalid))
        def _():
            fire(m + 1, 1 - par)

        ti, tj, valid = decode(m)

        @pl.when(valid)
        def _():
            i0 = ti * T
            j0 = tj * T
            strip = strips[par]
            tile = tiles[par]
            tile_t = tts[par]
            pltpu.make_async_copy(
                v_hbm.at[pl.ds(0, T * STRIPW)], strip, sem_ins[par]
            ).wait()

            s0 = row_start(i0, j0)
            d0 = N - 1 - i0

            @plsc.parallel_loop(0, T, unroll=2)
            def rowfix(k):
                s = s0 + k * d0 - ((k * (k - 1)) >> 1)
                a = jnp.minimum((s >> 4) << 4, ACLAMP)
                r = s - a
                krow = jnp.full((16,), k, jnp.int32)
                base = k * STRIPW + r
                for g in range(T // 16):
                    cols = g * 16 + iota16
                    vals = plsc.load_gather(strip, [base + cols])
                    tile[k, pl.ds(g * 16, 16)] = vals
                    plsc.store_scatter(tpose, [cols * TT1 + krow], vals)

            diag = ti == tj

            @pl.when(diag)
            def _():
                @plsc.parallel_loop(0, T, unroll=2)
                def merge(k):
                    for g in range(T // 16):
                        cols = g * 16 + iota16
                        a = tile[k, pl.ds(g * 16, 16)]
                        bt = plsc.load_gather(tpose, [k * TT1 + cols])
                        tile[k, pl.ds(g * 16, 16)] = jnp.where(
                            cols >= k, a, bt
                        )

            @pl.when(jnp.logical_not(diag))
            def _():
                @plsc.parallel_loop(0, T, unroll=2)
                def densify(c):
                    for g in range(T // 16):
                        vals = plsc.load_gather(
                            tpose, [c * TT1 + g * 16 + iota16]
                        )
                        tile_t[c, pl.ds(g * 16, 16)] = vals

            i0a = pl.multiple_of(i0, T)
            j0a = pl.multiple_of(j0, T)
            pltpu.async_copy(
                tile, out_hbm.at[pl.ds(i0a, T), pl.ds(j0a, T)], sem_outs[par]
            )

            @pl.when(jnp.logical_not(diag))
            def _():
                pltpu.async_copy(
                    tile_t,
                    out_hbm.at[pl.ds(j0a, T), pl.ds(i0a, T)],
                    sem_outs[par],
                )

    def two_steps(q, carry):
        step(2 * q, 0)

        @pl.when(2 * q + 1 < STEPS)
        def _():
            step(2 * q + 1, 1)

        return carry

    fire(0, 0)
    lax.fori_loop(0, (STEPS + 1) // 2, two_steps, 0)

    for mm in (STEPS - 2, STEPS - 1):
        fi, fj, fvalid = decode(mm)

        @pl.when(fvalid)
        def _():
            wait_tilebytes(mm & 1, tiles[mm & 1])

            @pl.when(fi != fj)
            def _():
                wait_tilebytes(mm & 1, tiles[mm & 1])


@jax.jit
def kernel(upper_tri_vector):
    mesh = plsc.VectorSubcoreMesh(
        core_axis_name="c", subcore_axis_name="s", num_cores=NC
    )
    fn = pl.kernel(
        _body,
        out_type=jax.ShapeDtypeStruct((N, N), jnp.float32),
        mesh=mesh,
        scratch_types=[
            pltpu.VMEM((T * STRIPW,), jnp.float32),
            pltpu.VMEM((T * STRIPW,), jnp.float32),
            pltpu.VMEM((T, T), jnp.float32),
            pltpu.VMEM((T, T), jnp.float32),
            pltpu.VMEM((T, T), jnp.float32),
            pltpu.VMEM((T, T), jnp.float32),
            pltpu.VMEM((T * TT1,), jnp.float32),
            pltpu.SemaphoreType.DMA,
            pltpu.SemaphoreType.DMA,
            pltpu.SemaphoreType.DMA,
            pltpu.SemaphoreType.DMA,
        ],
        compiler_params=pltpu.CompilerParams(needs_layout_passes=False),
    )
    return fn(upper_tri_vector)

# --- scband reference (transcript-rebuilt; emitter-appended) ---
"""Pipeline reference for scband-symmetric-matrix-layer-2-16389595201575 (READ-ONLY COPY).

The authoritative reference and input builder live on the scoring server;
editing this copy changes nothing except your own understanding.
"""

import jax, jax.numpy as jnp
import numpy as np

SIZE = 4096
_IU, _JU = np.triu_indices(SIZE)


def setup_inputs(seed: int = 0) -> dict:
    key = jax.random.key(seed)
    n = SIZE * (SIZE + 1) // 2
    upper_tri_vector = jax.random.normal(key, (n,), dtype=jnp.float32)
    return {"upper_tri_vector": upper_tri_vector}


def reference(upper_tri_vector):
    # scatter-overwrite into the upper triangle (row-major triu order matches
    # torch's boolean-mask assignment order)
    m = jnp.zeros((SIZE, SIZE), dtype=upper_tri_vector.dtype).at[_IU, _JU].set(upper_tri_vector)
    symmetric_matrix = m + m.T - jnp.diag(jnp.diag(m))
    return symmetric_matrix

if __name__ == "__main__":
    import jax
    _d = setup_inputs()
    print(jax.jit(kernel)(*tuple(_d.values())))

</pallas_src>

<mosaic_0001>
#map = affine_map<(d0, d1) -> (0)>
#map1 = affine_map<(d0, d1) -> (0, 0)>
module attributes {stable_mosaic.version = 14 : i64} {
  func.func @_body(%arg0: i32, %arg1: i32, %arg2: memref<8390656xf32, #tpu.memory_space<hbm>>, %arg3: memref<4096x4096xf32, #tpu.memory_space<hbm>>, %arg4: memref<18432xf32, #tpu.memory_space<vmem>>, %arg5: memref<18432xf32, #tpu.memory_space<vmem>>, %arg6: memref<128x128xf32, #tpu.memory_space<vmem>>, %arg7: memref<128x128xf32, #tpu.memory_space<vmem>>, %arg8: memref<128x128xf32, #tpu.memory_space<vmem>>, %arg9: memref<128x128xf32, #tpu.memory_space<vmem>>, %arg10: memref<16512xf32, #tpu.memory_space<vmem>>, %arg11: memref<!tpu.dma_semaphore, #tpu.memory_space<semaphore_mem>>, %arg12: memref<!tpu.dma_semaphore, #tpu.memory_space<semaphore_mem>>, %arg13: memref<!tpu.dma_semaphore, #tpu.memory_space<semaphore_mem>>, %arg14: memref<!tpu.dma_semaphore, #tpu.memory_space<semaphore_mem>>) attributes {dimension_semantics = [#tpu.dimension_semantics<core_parallel>, #tpu.dimension_semantics<subcore_parallel>], iteration_bounds = array<i64: 2, 16>, scalar_prefetch = 0 : i64, scratch_operands = 11 : i64, tpu.core_type = #tpu.core_type<sc_vector_subcore>, window_params = [{transform_indices = #map}, {transform_indices = #map1}]} {
    %mul3A = arith.constant 2 : i32
    %mul3A_0 = arith.muli %arg1, %mul3A : i32
    %add3A = arith.addi %mul3A_0, %arg0 : i32
    %iota3A = tpu.iota {dimensions = array<i32: 0>} : vector<16xi32>
    %lt3A = arith.constant 32 : i32
    %lt3A_1 = arith.cmpi slt, %add3A, %lt3A : i32
    %sub3A = arith.constant 32 : i32
    %sub3A_2 = arith.subi %add3A, %sub3A : i32
    %add3A_3 = arith.constant 0 : i32
    %add3A_4 = arith.addi %sub3A_2, %add3A_3 : i32
    %select_n3A = arith.select %lt3A_1, %add3A, %add3A_4 : i32
    %add3A_5 = arith.constant 0 : i32
    %add3A_6 = arith.addi %add3A, %add3A_5 : i32
    %select_n3A_7 = arith.select %lt3A_1, %add3A_6, %add3A : i32
    %lt3A_8 = arith.constant 16 : i32
    %lt3A_9 = arith.cmpi slt, %add3A, %lt3A_8 : i32
    %or3A = arith.constant true
    %or3A_10 = arith.ori %or3A, %lt3A_9 : i1
    %mul3A_11 = arith.constant 128 : i32
    %mul3A_12 = arith.muli %select_n3A, %mul3A_11 : i32
    %mul3A_13 = arith.constant 128 : i32
    %mul3A_14 = arith.muli %select_n3A_7, %mul3A_13 : i32
    %mul3A_15 = arith.constant 4096 : i32
    %mul3A_16 = arith.muli %mul3A_12, %mul3A_15 : i32
    %sub3A_17 = arith.constant 1 : i32
    %sub3A_18 = arith.subi %mul3A_12, %sub3A_17 : i32
    %mul3A_19 = arith.muli %mul3A_12, %sub3A_18 : i32
    %jit3A = arith.constant 2 : i32
    %div3A = arith.divsi %mul3A_19, %jit3A : i32
    %sign3A = arith.constant 0 : i32
    %sign3A_20 = arith.cmpi sgt, %mul3A_19, %sign3A : i32
    %sign3A_21 = arith.extui %sign3A_20 : i1 to i32
    %sign3A_22 = arith.constant 0 : i32
    %sign3A_23 = arith.cmpi slt, %mul3A_19, %sign3A_22 : i32
    %sign3A_24 = arith.extui %sign3A_23 : i1 to i32
    %sign3A_25 = arith.subi %sign3A_21, %sign3A_24 : i32
    %sign3A_26 = arith.constant 0 : i32
    %sign3A_27 = arith.cmpi sgt, %jit3A, %sign3A_26 : i32
    %sign3A_28 = arith.extui %sign3A_27 : i1 to i32
    %sign3A_29 = arith.constant 0 : i32
    %sign3A_30 = arith.cmpi slt, %jit3A, %sign3A_29 : i32
    %sign3A_31 = arith.extui %sign3A_30 : i1 to i32
    %sign3A_32 = arith.subi %sign3A_28, %sign3A_31 : i32
    %ne3A = arith.cmpi ne, %sign3A_25, %sign3A_32 : i32
    %rem3A = arith.remsi %mul3A_19, %jit3A : i32
    %ne3A_33 = arith.constant 0 : i32
    %ne3A_34 = arith.cmpi ne, %rem3A, %ne3A_33 : i32
    %and3A = arith.andi %ne3A, %ne3A_34 : i1
    %sub3A_35 = arith.constant 1 : i32
    %sub3A_36 = arith.subi %div3A, %sub3A_35 : i32
    %select_n3A_37 = arith.select %and3A, %sub3A_36, %div3A : i32
    %sub3A_38 = arith.subi %mul3A_16, %select_n3A_37 : i32
    %sub3A_39 = arith.subi %sub3A_38, %mul3A_12 : i32
    %add3A_40 = arith.addi %sub3A_39, %mul3A_14 : i32
    %sub3A_41 = arith.constant 4095 : i32
    %sub3A_42 = arith.subi %sub3A_41, %mul3A_12 : i32
    %parallel_loop3A = arith.constant 0 : i32
    %parallel_loop3A_43 = arith.constant 128 : i32
    %parallel_loop3A_44 = arith.constant 1 : i32
    scf.for %parallel_loop3A_82 = %parallel_loop3A to %parallel_loop3A_43 step %parallel_loop3A_44  : i32 {
      %parallel_loop3A_83 = arith.muli %parallel_loop3A_82, %sub3A_42 : i32
      %parallel_loop3A_84 = arith.addi %add3A_40, %parallel_loop3A_83 : i32
      %parallel_loop3A_85 = arith.constant 1 : i32
      %parallel_loop3A_86 = arith.subi %parallel_loop3A_82, %parallel_loop3A_85 : i32
      %parallel_loop3A_87 = arith.muli %parallel_loop3A_82, %parallel_loop3A_86 : i32
      %parallel_loop3A_88 = arith.constant 1 : i32
      %parallel_loop3A_89 = arith.shrsi %parallel_loop3A_87, %parallel_loop3A_88 : i32
      %parallel_loop3A_90 = arith.subi %parallel_loop3A_84, %parallel_loop3A_89 : i32
      %parallel_loop3A_91 = arith.constant 4 : i32
      %parallel_loop3A_92 = arith.shrsi %parallel_loop3A_90, %parallel_loop3A_91 : i32
      %parallel_loop3A_93 = arith.constant 4 : i32
      %parallel_loop3A_94 = arith.shli %parallel_loop3A_92, %parallel_loop3A_93 : i32
      %parallel_loop3A_95 = arith.constant 8390512 : i32
      %parallel_loop3A_96 = arith.minsi %parallel_loop3A_94, %parallel_loop3A_95 : i32
      %parallel_loop3A_97 = tpu.assume_multiple %parallel_loop3A_96, 16 : i32
      %parallel_loop3A_98 = arith.constant 144 : i32
      %parallel_loop3A_99 = arith.muli %parallel_loop3A_82, %parallel_loop3A_98 : i32
      %parallel_loop3A_100 = tpu.memref_slice %arg4[%parallel_loop3A_99] : memref<18432xf32, #tpu.memory_space<vmem>> -> memref<144xf32, #tpu.memory_space<vmem>>
      %parallel_loop3A_101 = tpu.memref_slice %arg2[%parallel_loop3A_97] : memref<8390656xf32, #tpu.memory_space<hbm>> -> memref<144xf32, #tpu.memory_space<hbm>>
      %parallel_loop3A_102 = tpu.memref_slice %arg4[%parallel_loop3A_99] : memref<18432xf32, #tpu.memory_space<vmem>> -> memref<144xf32, #tpu.memory_space<vmem>>
      %parallel_loop3A_103 = tpu.memref_slice %arg2[%parallel_loop3A_97] : memref<8390656xf32, #tpu.memory_space<hbm>> -> memref<144xf32, #tpu.memory_space<hbm>>
      tpu.enqueue_dma source(%parallel_loop3A_103 : memref<144xf32, #tpu.memory_space<hbm>>) target(%parallel_loop3A_102 : memref<144xf32, #tpu.memory_space<vmem>>) target_semaphore(%arg11 : memref<!tpu.dma_semaphore, #tpu.memory_space<semaphore_mem>>)
    } {sc.loop_unroll_factor = 4 : i64, sc.parallel_access}
    %scan3A = arith.constant 0 : i32
    %scan3A_45 = arith.constant 0 : i32
    %scan3A_46 = arith.constant 9 : i32
    %scan3A_47 = arith.addi %scan3A_45, %scan3A_46 : i32
    %scan3A_48 = arith.constant 1 : i32
    scf.for %scan3A_82 = %scan3A_45 to %scan3A_47 step %scan3A_48  : i32 {
      %mul3A_83 = arith.constant 2 : i32
      %mul3A_84 = arith.muli %mul3A_83, %scan3A_82 : i32
      %sub3A_85 = arith.constant 2 : i32
      %sub3A_86 = arith.subi %mul3A_84, %sub3A_85 : i32
      %sub3A_87 = arith.constant 32 : i32
      %sub3A_88 = arith.subi %sub3A_87, %sub3A_86 : i32
      %lt3A_89 = arith.cmpi slt, %add3A, %sub3A_88 : i32
      %sub3A_90 = arith.constant 32 : i32
      %sub3A_91 = arith.subi %add3A, %sub3A_90 : i32
      %add3A_92 = arith.addi %sub3A_91, %sub3A_86 : i32
      %select_n3A_93 = arith.select %lt3A_89, %add3A, %add3A_92 : i32
      %add3A_94 = arith.addi %add3A, %sub3A_86 : i32
      %select_n3A_95 = arith.select %lt3A_89, %add3A_94, %add3A : i32
      %lt3A_96 = arith.constant 16 : i32
      %lt3A_97 = arith.cmpi slt, %sub3A_86, %lt3A_96 : i32
      %lt3A_98 = arith.constant 16 : i32
      %lt3A_99 = arith.cmpi slt, %add3A, %lt3A_98 : i32
      %or3A_100 = arith.ori %lt3A_97, %lt3A_99 : i1
      %ge3A = arith.constant 2 : i32
      %ge3A_101 = arith.cmpi sge, %mul3A_84, %ge3A : i32
      %and3A_102 = arith.andi %ge3A_101, %or3A_100 : i1
      %convert_element_type3A_103 = arith.extui %and3A_102 : i1 to i32
      %cond3A_104 = arith.constant 0 : i32
      %cond3A_105 = arith.cmpi ne, %convert_element_type3A_103, %cond3A_104 : i32
      scf.if %cond3A_105 {
        %dma_wait3A = arith.constant 0 : i32
        %dma_wait3A_156 = arith.constant 0 : i32
        %dma_wait3A_157 = tpu.memref_slice %arg3[%dma_wait3A, %dma_wait3A_156] : memref<4096x4096xf32, #tpu.memory_space<hbm>> -> memref<128x128xf32, #tpu.memory_space<hbm>>
        %dma_wait3A_158 = arith.constant 0 : i32
        %dma_wait3A_159 = arith.constant 0 : i32
        %dma_wait3A_160 = tpu.memref_slice %arg3[%dma_wait3A_158, %dma_wait3A_159] : memref<4096x4096xf32, #tpu.memory_space<hbm>> -> memref<128x128xf32, #tpu.memory_space<hbm>>
        tpu.wait_dma2 semaphore(%arg13 : memref<!tpu.dma_semaphore, #tpu.memory_space<semaphore_mem>>) src(%dma_wait3A_160 : memref<128x128xf32, #tpu.memory_space<hbm>>) dst(%arg6 : memref<128x128xf32, #tpu.memory_space<vmem>>)
        %ne3A_161 = arith.cmpi ne, %select_n3A_93, %select_n3A_95 : i32
        %convert_element_type3A_162 = arith.extui %ne3A_161 : i1 to i32
        %cond3A_163 = arith.constant 0 : i32
        %cond3A_164 = arith.cmpi ne, %convert_element_type3A_162, %cond3A_163 : i32
        scf.if %cond3A_164 {
          %dma_wait3A_165 = arith.constant 0 : i32
          %dma_wait3A_166 = arith.constant 0 : i32
          %dma_wait3A_167 = tpu.memref_slice %arg3[%dma_wait3A_165, %dma_wait3A_166] : memref<4096x4096xf32, #tpu.memory_space<hbm>> -> memref<128x128xf32, #tpu.memory_space<hbm>>
          %dma_wait3A_168 = arith.constant 0 : i32
          %dma_wait3A_169 = arith.constant 0 : i32
          %dma_wait3A_170 = tpu.memref_slice %arg3[%dma_wait3A_168, %dma_wait3A_169] : memref<4096x4096xf32, #tpu.memory_space<hbm>> -> memref<128x128xf32, #tpu.memory_space<hbm>>
          tpu.wait_dma2 semaphore(%arg13 : memref<!tpu.dma_semaphore, #tpu.memory_space<semaphore_mem>>) src(%dma_wait3A_170 : memref<128x128xf32, #tpu.memory_space<hbm>>) dst(%arg6 : memref<128x128xf32, #tpu.memory_space<vmem>>)
        } else {
        }
      } else {
      }
      %add3A_106 = arith.constant 1 : i32
      %add3A_107 = arith.addi %mul3A_84, %add3A_106 : i32
      %sub3A_108 = arith.constant 32 : i32
      %sub3A_109 = arith.subi %sub3A_108, %add3A_107 : i32
      %lt3A_110 = arith.cmpi slt, %add3A, %sub3A_109 : i32
      %sub3A_111 = arith.constant 32 : i32
      %sub3A_112 = arith.subi %add3A, %sub3A_111 : i32
      %add3A_113 = arith.addi %sub3A_112, %add3A_107 : i32
      %select_n3A_114 = arith.select %lt3A_110, %add3A, %add3A_113 : i32
      %add3A_115 = arith.addi %add3A, %add3A_107 : i32
      %select_n3A_116 = arith.select %lt3A_110, %add3A_115, %add3A : i32
      %lt3A_117 = arith.constant 16 : i32
      %lt3A_118 = arith.cmpi slt, %add3A_107, %lt3A_117 : i32
      %lt3A_119 = arith.constant 16 : i32
      %lt3A_120 = arith.cmpi slt, %add3A, %lt3A_119 : i32
      %or3A_121 = arith.ori %lt3A_118, %lt3A_120 : i1
      %add3A_122 = arith.constant 1 : i32
      %add3A_123 = arith.addi %mul3A_84, %add3A_122 : i32
      %lt3A_124 = arith.constant 17 : i32
      %lt3A_125 = arith.cmpi slt, %add3A_123, %lt3A_124 : i32
      %and3A_126 = arith.andi %lt3A_125, %or3A_121 : i1
      %convert_element_type3A_127 = arith.extui %and3A_126 : i1 to i32
      %cond3A_128 = arith.constant 0 : i32
      %cond3A_129 = arith.cmpi ne, %convert_element_type3A_127, %cond3A_128 : i32
      scf.if %cond3A_129 {
        %add3A_156 = arith.constant 1 : i32
        %add3A_157 = arith.addi %mul3A_84, %add3A_156 : i32
        %sub3A_158 = arith.constant 32 : i32
        %sub3A_159 = arith.subi %sub3A_158, %add3A_157 : i32
        %lt3A_160 = arith.cmpi slt, %add3A, %sub3A_159 : i32
        %sub3A_161 = arith.constant 32 : i32
        %sub3A_162 = arith.subi %add3A, %sub3A_161 : i32
        %add3A_163 = arith.addi %sub3A_162, %add3A_157 : i32
        %select_n3A_164 = arith.select %lt3A_160, %add3A, %add3A_163 : i32
        %add3A_165 = arith.addi %add3A, %add3A_157 : i32
        %select_n3A_166 = arith.select %lt3A_160, %add3A_165, %add3A : i32
        %lt3A_167 = arith.constant 16 : i32
        %lt3A_168 = arith.cmpi slt, %add3A_157, %lt3A_167 : i32
        %lt3A_169 = arith.constant 16 : i32
        %lt3A_170 = arith.cmpi slt, %add3A, %lt3A_169 : i32
        %or3A_171 = arith.ori %lt3A_168, %lt3A_170 : i1
        %mul3A_172 = arith.constant 128 : i32
        %mul3A_173 = arith.muli %select_n3A_164, %mul3A_172 : i32
        %mul3A_174 = arith.constant 128 : i32
        %mul3A_175 = arith.muli %select_n3A_166, %mul3A_174 : i32
        %mul3A_176 = arith.constant 4096 : i32
        %mul3A_177 = arith.muli %mul3A_173, %mul3A_176 : i32
        %sub3A_178 = arith.constant 1 : i32
        %sub3A_179 = arith.subi %mul3A_173, %sub3A_178 : i32
        %mul3A_180 = arith.muli %mul3A_173, %sub3A_179 : i32
        %jit3A_181 = arith.constant 2 : i32
        %div3A_182 = arith.divsi %mul3A_180, %jit3A_181 : i32
        %sign3A_183 = arith.constant 0 : i32
        %sign3A_184 = arith.cmpi sgt, %mul3A_180, %sign3A_183 : i32
        %sign3A_185 = arith.extui %sign3A_184 : i1 to i32
        %sign3A_186 = arith.constant 0 : i32
        %sign3A_187 = arith.cmpi slt, %mul3A_180, %sign3A_186 : i32
        %sign3A_188 = arith.extui %sign3A_187 : i1 to i32
        %sign3A_189 = arith.subi %sign3A_185, %sign3A_188 : i32
        %sign3A_190 = arith.constant 0 : i32
        %sign3A_191 = arith.cmpi sgt, %jit3A_181, %sign3A_190 : i32
        %sign3A_192 = arith.extui %sign3A_191 : i1 to i32
        %sign3A_193 = arith.constant 0 : i32
        %sign3A_194 = arith.cmpi slt, %jit3A_181, %sign3A_193 : i32
        %sign3A_195 = arith.extui %sign3A_194 : i1 to i32
        %sign3A_196 = arith.subi %sign3A_192, %sign3A_195 : i32
        %ne3A_197 = arith.cmpi ne, %sign3A_189, %sign3A_196 : i32
        %rem3A_198 = arith.remsi %mul3A_180, %jit3A_181 : i32
        %ne3A_199 = arith.constant 0 : i32
        %ne3A_200 = arith.cmpi ne, %rem3A_198, %ne3A_199 : i32
        %and3A_201 = arith.andi %ne3A_197, %ne3A_200 : i1
        %sub3A_202 = arith.constant 1 : i32
        %sub3A_203 = arith.subi %div3A_182, %sub3A_202 : i32
        %select_n3A_204 = arith.select %and3A_201, %sub3A_203, %div3A_182 : i32
        %sub3A_205 = arith.subi %mul3A_177, %select_n3A_204 : i32
        %sub3A_206 = arith.subi %sub3A_205, %mul3A_173 : i32
        %add3A_207 = arith.addi %sub3A_206, %mul3A_175 : i32
        %sub3A_208 = arith.constant 4095 : i32
        %sub3A_209 = arith.subi %sub3A_208, %mul3A_173 : i32
        %parallel_loop3A_210 = arith.constant 0 : i32
        %parallel_loop3A_211 = arith.constant 128 : i32
        %parallel_loop3A_212 = arith.constant 1 : i32
        scf.for %parallel_loop3A_213 = %parallel_loop3A_210 to %parallel_loop3A_211 step %parallel_loop3A_212  : i32 {
          %parallel_loop3A_214 = arith.muli %parallel_loop3A_213, %sub3A_209 : i32
          %parallel_loop3A_215 = arith.addi %add3A_207, %parallel_loop3A_214 : i32
          %parallel_loop3A_216 = arith.constant 1 : i32
          %parallel_loop3A_217 = arith.subi %parallel_loop3A_213, %parallel_loop3A_216 : i32
          %parallel_loop3A_218 = arith.muli %parallel_loop3A_213, %parallel_loop3A_217 : i32
          %parallel_loop3A_219 = arith.constant 1 : i32
          %parallel_loop3A_220 = arith.shrsi %parallel_loop3A_218, %parallel_loop3A_219 : i32
          %parallel_loop3A_221 = arith.subi %parallel_loop3A_215, %parallel_loop3A_220 : i32
          %parallel_loop3A_222 = arith.constant 4 : i32
          %parallel_loop3A_223 = arith.shrsi %parallel_loop3A_221, %parallel_loop3A_222 : i32
          %parallel_loop3A_224 = arith.constant 4 : i32
          %parallel_loop3A_225 = arith.shli %parallel_loop3A_223, %parallel_loop3A_224 : i32
          %parallel_loop3A_226 = arith.constant 8390512 : i32
          %parallel_loop3A_227 = arith.minsi %parallel_loop3A_225, %parallel_loop3A_226 : i32
          %parallel_loop3A_228 = tpu.assume_multiple %parallel_loop3A_227, 16 : i32
          %parallel_loop3A_229 = arith.constant 144 : i32
          %parallel_loop3A_230 = arith.muli %parallel_loop3A_213, %parallel_loop3A_229 : i32
          %parallel_loop3A_231 = tpu.memref_slice %arg5[%parallel_loop3A_230] : memref<18432xf32, #tpu.memory_space<vmem>> -> memref<144xf32, #tpu.memory_space<vmem>>
          %parallel_loop3A_232 = tpu.memref_slice %arg2[%parallel_loop3A_228] : memref<8390656xf32, #tpu.memory_space<hbm>> -> memref<144xf32, #tpu.memory_space<hbm>>
          %parallel_loop3A_233 = tpu.memref_slice %arg5[%parallel_loop3A_230] : memref<18432xf32, #tpu.memory_space<vmem>> -> memref<144xf32, #tpu.memory_space<vmem>>
          %parallel_loop3A_234 = tpu.memref_slice %arg2[%parallel_loop3A_228] : memref<8390656xf32, #tpu.memory_space<hbm>> -> memref<144xf32, #tpu.memory_space<hbm>>
          tpu.enqueue_dma source(%parallel_loop3A_234 : memref<144xf32, #tpu.memory_space<hbm>>) target(%parallel_loop3A_233 : memref<144xf32, #tpu.memory_space<vmem>>) target_semaphore(%arg12 : memref<!tpu.dma_semaphore, #tpu.memory_space<semaphore_mem>>)
        } {sc.loop_unroll_factor = 4 : i64, sc.parallel_access}
      } else {
      }
      %sub3A_130 = arith.constant 32 : i32
      %sub3A_131 = arith.subi %sub3A_130, %mul3A_84 : i32
      %lt3A_132 = arith.cmpi slt, %add3A, %sub3A_131 : i32
      %sub3A_133 = arith.constant 32 : i32
      %sub3A_134 = arith.subi %add3A, %sub3A_133 : i32
      %add3A_135 = arith.addi %sub3A_134, %mul3A_84 : i32
      %select_n3A_136 = arith.select %lt3A_132, %add3A, %add3A_135 : i32
      %add3A_137 = arith.addi %add3A, %mul3A_84 : i32
      %select_n3A_138 = arith.select %lt3A_132, %add3A_137, %add3A : i32
      %lt3A_139 = arith.constant 16 : i32
      %lt3A_140 = arith.cmpi slt, %mul3A_84, %lt3A_139 : i32
      %lt3A_141 = arith.constant 16 : i32
      %lt3A_142 = arith.cmpi slt, %add3A, %lt3A_141 : i32
      %or3A_143 = arith.ori %lt3A_140, %lt3A_142 : i1
      %convert_element_type3A_144 = arith.extui %or3A_143 : i1 to i32
      %cond3A_145 = arith.constant 0 : i32
      %cond3A_146 = arith.cmpi ne, %convert_element_type3A_144, %cond3A_145 : i32
      scf.if %cond3A_146 {
        %mul3A_156 = arith.constant 128 : i32
        %mul3A_157 = arith.muli %select_n3A_136, %mul3A_156 : i32
        %mul3A_158 = arith.constant 128 : i32
        %mul3A_159 = arith.muli %select_n3A_138, %mul3A_158 : i32
        %dma_wait3A = arith.constant 0 : i32
        %dma_wait3A_160 = tpu.memref_slice %arg2[%dma_wait3A] : memref<8390656xf32, #tpu.memory_space<hbm>> -> memref<18432xf32, #tpu.memory_space<hbm>>
        %dma_wait3A_161 = arith.constant 0 : i32
        %dma_wait3A_162 = tpu.memref_slice %arg2[%dma_wait3A_161] : memref<8390656xf32, #tpu.memory_space<hbm>> -> memref<18432xf32, #tpu.memory_space<hbm>>
        tpu.wait_dma2 semaphore(%arg11 : memref<!tpu.dma_semaphore, #tpu.memory_space<semaphore_mem>>) src(%dma_wait3A_162 : memref<18432xf32, #tpu.memory_space<hbm>>) dst(%arg4 : memref<18432xf32, #tpu.memory_space<vmem>>)
        %mul3A_163 = arith.constant 4096 : i32
        %mul3A_164 = arith.muli %mul3A_157, %mul3A_163 : i32
        %sub3A_165 = arith.constant 1 : i32
        %sub3A_166 = arith.subi %mul3A_157, %sub3A_165 : i32
        %mul3A_167 = arith.muli %mul3A_157, %sub3A_166 : i32
        %jit3A_168 = arith.constant 2 : i32
        %div3A_169 = arith.divsi %mul3A_167, %jit3A_168 : i32
        %sign3A_170 = arith.constant 0 : i32
        %sign3A_171 = arith.cmpi sgt, %mul3A_167, %sign3A_170 : i32
        %sign3A_172 = arith.extui %sign3A_171 : i1 to i32
        %sign3A_173 = arith.constant 0 : i32
        %sign3A_174 = arith.cmpi slt, %mul3A_167, %sign3A_173 : i32
        %sign3A_175 = arith.extui %sign3A_174 : i1 to i32
        %sign3A_176 = arith.subi %sign3A_172, %sign3A_175 : i32
        %sign3A_177 = arith.constant 0 : i32
        %sign3A_178 = arith.cmpi sgt, %jit3A_168, %sign3A_177 : i32
        %sign3A_179 = arith.extui %sign3A_178 : i1 to i32
        %sign3A_180 = arith.constant 0 : i32
        %sign3A_181 = arith.cmpi slt, %jit3A_168, %sign3A_180 : i32
        %sign3A_182 = arith.extui %sign3A_181 : i1 to i32
        %sign3A_183 = arith.subi %sign3A_179, %sign3A_182 : i32
        %ne3A_184 = arith.cmpi ne, %sign3A_176, %sign3A_183 : i32
        %rem3A_185 = arith.remsi %mul3A_167, %jit3A_168 : i32
        %ne3A_186 = arith.constant 0 : i32
        %ne3A_187 = arith.cmpi ne, %rem3A_185, %ne3A_186 : i32
        %and3A_188 = arith.andi %ne3A_184, %ne3A_187 : i1
        %sub3A_189 = arith.constant 1 : i32
        %sub3A_190 = arith.subi %div3A_169, %sub3A_189 : i32
        %select_n3A_191 = arith.select %and3A_188, %sub3A_190, %div3A_169 : i32
        %sub3A_192 = arith.subi %mul3A_164, %select_n3A_191 : i32
        %sub3A_193 = arith.subi %sub3A_192, %mul3A_157 : i32
        %add3A_194 = arith.addi %sub3A_193, %mul3A_159 : i32
        %sub3A_195 = arith.constant 4095 : i32
        %sub3A_196 = arith.subi %sub3A_195, %mul3A_157 : i32
        %parallel_loop3A_197 = arith.constant 0 : i32
        %parallel_loop3A_198 = arith.constant 128 : i32
        %parallel_loop3A_199 = arith.constant 1 : i32
        scf.for %parallel_loop3A_214 = %parallel_loop3A_197 to %parallel_loop3A_198 step %parallel_loop3A_199  : i32 {
          %parallel_loop3A_215 = arith.muli %parallel_loop3A_214, %sub3A_196 : i32
          %parallel_loop3A_216 = arith.addi %add3A_194, %parallel_loop3A_215 : i32
          %parallel_loop3A_217 = arith.constant 1 : i32
          %parallel_loop3A_218 = arith.subi %parallel_loop3A_214, %parallel_loop3A_217 : i32
          %parallel_loop3A_219 = arith.muli %parallel_loop3A_214, %parallel_loop3A_218 : i32
          %parallel_loop3A_220 = arith.constant 1 : i32
          %parallel_loop3A_221 = arith.shrsi %parallel_loop3A_219, %parallel_loop3A_220 : i32
          %parallel_loop3A_222 = arith.subi %parallel_loop3A_216, %parallel_loop3A_221 : i32
          %parallel_loop3A_223 = arith.constant 4 : i32
          %parallel_loop3A_224 = arith.shrsi %parallel_loop3A_222, %parallel_loop3A_223 : i32
          %parallel_loop3A_225 = arith.constant 4 : i32
          %parallel_loop3A_226 = arith.shli %parallel_loop3A_224, %parallel_loop3A_225 : i32
          %parallel_loop3A_227 = arith.constant 8390512 : i32
          %parallel_loop3A_228 = arith.minsi %parallel_loop3A_226, %parallel_loop3A_227 : i32
          %parallel_loop3A_229 = arith.subi %parallel_loop3A_222, %parallel_loop3A_228 : i32
          %parallel_loop3A_230 = vector.broadcast %parallel_loop3A_214 : i32 to vector<16xi32>
          %parallel_loop3A_231 = arith.constant 144 : i32
          %parallel_loop3A_232 = arith.muli %parallel_loop3A_214, %parallel_loop3A_231 : i32
          %parallel_loop3A_233 = arith.addi %parallel_loop3A_232, %parallel_loop3A_229 : i32
          %parallel_loop3A_234 = arith.constant 0 : i32
          %parallel_loop3A_235 = vector.broadcast %parallel_loop3A_234 : i32 to vector<16xi32>
          %parallel_loop3A_236 = arith.addi %parallel_loop3A_235, %iota3A : vector<16xi32>
          %parallel_loop3A_237 = vector.broadcast %parallel_loop3A_233 : i32 to vector<16xi32>
          %parallel_loop3A_238 = arith.addi %parallel_loop3A_237, %parallel_loop3A_236 : vector<16xi32>
          %parallel_loop3A_239 = tpu.vector_load_idx %arg4[%parallel_loop3A_238] : memref<18432xf32, #tpu.memory_space<vmem>>[vector<16xi32>], vector<16xf32>,
          %parallel_loop3A_240 = arith.index_cast %parallel_loop3A_214 : i32 to index
          %parallel_loop3A_241 = arith.constant 0 : index
          %parallel_loop3A_242 = tpu.vector_load %arg6[%parallel_loop3A_240, %parallel_loop3A_241] {strides = array<i32>} : memref<128x128xf32, #tpu.memory_space<vmem>>, vector<16xf32>,
          tpu.vector_store %arg6[%parallel_loop3A_240, %parallel_loop3A_241], %parallel_loop3A_239 {strides = array<i32>} : memref<128x128xf32, #tpu.memory_space<vmem>>, vector<16xf32>,
          %parallel_loop3A_243 = arith.constant 129 : i32
          %parallel_loop3A_244 = vector.broadcast %parallel_loop3A_243 : i32 to vector<16xi32>
          %parallel_loop3A_245 = arith.muli %parallel_loop3A_236, %parallel_loop3A_244 : vector<16xi32>
          %parallel_loop3A_246 = arith.addi %parallel_loop3A_245, %parallel_loop3A_230 : vector<16xi32>
          tpu.vector_store_idx %arg10[%parallel_loop3A_246], %parallel_loop3A_239 : memref<16512xf32, #tpu.memory_space<vmem>>[vector<16xi32>], vector<16xf32>,
          %parallel_loop3A_247 = arith.constant 16 : i32
          %parallel_loop3A_248 = vector.broadcast %parallel_loop3A_247 : i32 to vector<16xi32>
          %parallel_loop3A_249 = arith.addi %parallel_loop3A_248, %iota3A : vector<16xi32>
          %parallel_loop3A_250 = vector.broadcast %parallel_loop3A_233 : i32 to vector<16xi32>
          %parallel_loop3A_251 = arith.addi %parallel_loop3A_250, %parallel_loop3A_249 : vector<16xi32>
          %parallel_loop3A_252 = tpu.vector_load_idx %arg4[%parallel_loop3A_251] : memref<18432xf32, #tpu.memory_space<vmem>>[vector<16xi32>], vector<16xf32>,
          %parallel_loop3A_253 = arith.index_cast %parallel_loop3A_214 : i32 to index
          %parallel_loop3A_254 = arith.constant 16 : index
          %parallel_loop3A_255 = tpu.vector_load %arg6[%parallel_loop3A_253, %parallel_loop3A_254] {strides = array<i32>} : memref<128x128xf32, #tpu.memory_space<vmem>>, vector<16xf32>,
          tpu.vector_store %arg6[%parallel_loop3A_253, %parallel_loop3A_254], %parallel_loop3A_252 {strides = array<i32>} : memref<128x128xf32, #tpu.memory_space<vmem>>, vector<16xf32>,
          %parallel_loop3A_256 = arith.constant 129 : i32
          %parallel_loop3A_257 = vector.broadcast %parallel_loop3A_256 : i32 to vector<16xi32>
          %parallel_loop3A_258 = arith.muli %parallel_loop3A_249, %parallel_loop3A_257 : vector<16xi32>
          %parallel_loop3A_259 = arith.addi %parallel_loop3A_258, %parallel_loop3A_230 : vector<16xi32>
          tpu.vector_store_idx %arg10[%parallel_loop3A_259], %parallel_loop3A_252 : memref<16512xf32, #tpu.memory_space<vmem>>[vector<16xi32>], vector<16xf32>,
          %parallel_loop3A_260 = arith.constant 32 : i32
          %parallel_loop3A_261 = vector.broadcast %parallel_loop3A_260 : i32 to vector<16xi32>
          %parallel_loop3A_262 = arith.addi %parallel_loop3A_261, %iota3A : vector<16xi32>
          %parallel_loop3A_263 = vector.broadcast %parallel_loop3A_233 : i32 to vector<16xi32>
          %parallel_loop3A_264 = arith.addi %parallel_loop3A_263, %parallel_loop3A_262 : vector<16xi32>
          %parallel_loop3A_265 = tpu.vector_load_idx %arg4[%parallel_loop3A_264] : memref<18432xf32, #tpu.memory_space<vmem>>[vector<16xi32>], vector<16xf32>,
          %parallel_loop3A_266 = arith.index_cast %parallel_loop3A_214 : i32 to index
          %parallel_loop3A_267 = arith.constant 32 : index
          %parallel_loop3A_268 = tpu.vector_load %arg6[%parallel_loop3A_266, %parallel_loop3A_267] {strides = array<i32>} : memref<128x128xf32, #tpu.memory_space<vmem>>, vector<16xf32>,
          tpu.vector_store %arg6[%parallel_loop3A_266, %parallel_loop3A_267], %parallel_loop3A_265 {strides = array<i32>} : memref<128x128xf32, #tpu.memory_space<vmem>>, vector<16xf32>,
          %parallel_loop3A_269 = arith.constant 129 : i32
          %parallel_loop3A_270 = vector.broadcast %parallel_loop3A_269 : i32 to vector<16xi32>
          %parallel_loop3A_271 = arith.muli %parallel_loop3A_262, %parallel_loop3A_270 : vector<16xi32>
          %parallel_loop3A_272 = arith.addi %parallel_loop3A_271, %parallel_loop3A_230 : vector<16xi32>
          tpu.vector_store_idx %arg10[%parallel_loop3A_272], %parallel_loop3A_265 : memref<16512xf32, #tpu.memory_space<vmem>>[vector<16xi32>], vector<16xf32>,
          %parallel_loop3A_273 = arith.constant 48 : i32
          %parallel_loop3A_274 = vector.broadcast %parallel_loop3A_273 : i32 to vector<16xi32>
          %parallel_loop3A_275 = arith.addi %parallel_loop3A_274, %iota3A : vector<16xi32>
          %parallel_loop3A_276 = vector.broadcast %parallel_loop3A_233 : i32 to vector<16xi32>
          %parallel_loop3A_277 = arith.addi %parallel_loop3A_276, %parallel_loop3A_275 : vector<16xi32>
          %parallel_loop3A_278 = tpu.vector_load_idx %arg4[%parallel_loop3A_277] : memref<18432xf32, #tpu.memory_space<vmem>>[vector<16xi32>], vector<16xf32>,
          %parallel_loop3A_279 = arith.index_cast %parallel_loop3A_214 : i32 to index
          %parallel_loop3A_280 = arith.constant 48 : index
          %parallel_loop3A_281 = tpu.vector_load %arg6[%parallel_loop3A_279, %parallel_loop3A_280] {strides = array<i32>} : memref<128x128xf32, #tpu.memory_space<vmem>>, vector<16xf32>,
          tpu.vector_store %arg6[%parallel_loop3A_279, %parallel_loop3A_280], %parallel_loop3A_278 {strides = array<i32>} : memref<128x128xf32, #tpu.memory_space<vmem>>, vector<16xf32>,
          %parallel_loop3A_282 = arith.constant 129 : i32
          %parallel_loop3A_283 = vector.broadcast %parallel_loop3A_282 : i32 to vector<16xi32>
          %parallel_loop3A_284 = arith.muli %parallel_loop3A_275, %parallel_loop3A_283 : vector<16xi32>
          %parallel_loop3A_285 = arith.addi %parallel_loop3A_284, %parallel_loop3A_230 : vector<16xi32>
          tpu.vector_store_idx %arg10[%parallel_loop3A_285], %parallel_loop3A_278 : memref<16512xf32, #tpu.memory_space<vmem>>[vector<16xi32>], vector<16xf32>,
          %parallel_loop3A_286 = arith.constant 64 : i32
          %parallel_loop3A_287 = vector.broadcast %parallel_loop3A_286 : i32 to vector<16xi32>
          %parallel_loop3A_288 = arith.addi %parallel_loop3A_287, %iota3A : vector<16xi32>
          %parallel_loop3A_289 = vector.broadcast %parallel_loop3A_233 : i32 to vector<16xi32>
          %parallel_loop3A_290 = arith.addi %parallel_loop3A_289, %parallel_loop3A_288 : vector<16xi32>
          %parallel_loop3A_291 = tpu.vector_load_idx %arg4[%parallel_loop3A_290] : memref<18432xf32, #tpu.memory_space<vmem>>[vector<16xi32>], vector<16xf32>,
          %parallel_loop3A_292 = arith.index_cast %parallel_loop3A_214 : i32 to index
          %parallel_loop3A_293 = arith.constant 64 : index
          %parallel_loop3A_294 = tpu.vector_load %arg6[%parallel_loop3A_292, %parallel_loop3A_293] {strides = array<i32>} : memref<128x128xf32, #tpu.memory_space<vmem>>, vector<16xf32>,
          tpu.vector_store %arg6[%parallel_loop3A_292, %parallel_loop3A_293], %parallel_loop3A_291 {strides = array<i32>} : memref<128x128xf32, #tpu.memory_space<vmem>>, vector<16xf32>,
          %parallel_loop3A_295 = arith.constant 129 : i32
          %parallel_loop3A_296 = vector.broadcast %parallel_loop3A_295 : i32 to vector<16xi32>
          %parallel_loop3A_297 = arith.muli %parallel_loop3A_288, %parallel_loop3A_296 : vector<16xi32>
          %parallel_loop3A_298 = arith.addi %parallel_loop3A_297, %parallel_loop3A_230 : vector<16xi32>
          tpu.vector_store_idx %arg10[%parallel_loop3A_298], %parallel_loop3A_291 : memref<16512xf32, #tpu.memory_space<vmem>>[vector<16xi32>], vector<16xf32>,
          %parallel_loop3A_299 = arith.constant 80 : i32
          %parallel_loop3A_300 = vector.broadcast %parallel_loop3A_299 : i32 to vector<16xi32>
          %parallel_loop3A_301 = arith.addi %parallel_loop3A_300, %iota3A : vector<16xi32>
          %parallel_loop3A_302 = vector.broadcast %parallel_loop3A_233 : i32 to vector<16xi32>
          %parallel_loop3A_303 = arith.addi %parallel_loop3A_302, %parallel_loop3A_301 : vector<16xi32>
          %parallel_loop3A_304 = tpu.vector_load_idx %arg4[%parallel_loop3A_303] : memref<18432xf32, #tpu.memory_space<vmem>>[vector<16xi32>], vector<16xf32>,
          %parallel_loop3A_305 = arith.index_cast %parallel_loop3A_214 : i32 to index
          %parallel_loop3A_306 = arith.constant 80 : index
          %parallel_loop3A_307 = tpu.vector_load %arg6[%parallel_loop3A_305, %parallel_loop3A_306] {strides = array<i32>} : memref<128x128xf32, #tpu.memory_space<vmem>>, vector<16xf32>,
          tpu.vector_store %arg6[%parallel_loop3A_305, %parallel_loop3A_306], %parallel_loop3A_304 {strides = array<i32>} : memref<128x128xf32, #tpu.memory_space<vmem>>, vector<16xf32>,
          %parallel_loop3A_308 = arith.constant 129 : i32
          %parallel_loop3A_309 = vector.broadcast %parallel_loop3A_308 : i32 to vector<16xi32>
          %parallel_loop3A_310 = arith.muli %parallel_loop3A_301, %parallel_loop3A_309 : vector<16xi32>
          %parallel_loop3A_311 = arith.addi %parallel_loop3A_310, %parallel_loop3A_230 : vector<16xi32>
          tpu.vector_store_idx %arg10[%parallel_loop3A_311], %parallel_loop3A_304 : memref<16512xf32, #tpu.memory_space<vmem>>[vector<16xi32>], vector<16xf32>,
          %parallel_loop3A_312 = arith.constant 96 : i32
          %parallel_loop3A_313 = vector.broadcast %parallel_loop3A_312 : i32 to vector<16xi32>
          %parallel_loop3A_314 = arith.addi %parallel_loop3A_313, %iota3A : vector<16xi32>
          %parallel_loop3A_315 = vector.broadcast %parallel_loop3A_233 : i32 to vector<16xi32>
          %parallel_loop3A_316 = arith.addi %parallel_loop3A_315, %parallel_loop3A_314 : vector<16xi32>
          %parallel_loop3A_317 = tpu.vector_load_idx %arg4[%parallel_loop3A_316] : memref<18432xf32, #tpu.memory_space<vmem>>[vector<16xi32>], vector<16xf32>,
          %parallel_loop3A_318 = arith.index_cast %parallel_loop3A_214 : i32 to index
          %parallel_loop3A_319 = arith.constant 96 : index
          %parallel_loop3A_320 = tpu.vector_load %arg6[%parallel_loop3A_318, %parallel_loop3A_319] {strides = array<i32>} : memref<128x128xf32, #tpu.memory_space<vmem>>, vector<16xf32>,
          tpu.vector_store %arg6[%parallel_loop3A_318, %parallel_loop3A_319], %parallel_loop3A_317 {strides = array<i32>} : memref<128x128xf32, #tpu.memory_space<vmem>>, vector<16xf32>,
          %parallel_loop3A_321 = arith.constant 129 : i32
          %parallel_loop3A_322 = vector.broadcast %parallel_loop3A_321 : i32 to vector<16xi32>
          %parallel_loop3A_323 = arith.muli %parallel_loop3A_314, %parallel_loop3A_322 : vector<16xi32>
          %parallel_loop3A_324 = arith.addi %parallel_loop3A_323, %parallel_loop3A_230 : vector<16xi32>
          tpu.vector_store_idx %arg10[%parallel_loop3A_324], %parallel_loop3A_317 : memref<16512xf32, #tpu.memory_space<vmem>>[vector<16xi32>], vector<16xf32>,
          %parallel_loop3A_325 = arith.constant 112 : i32
          %parallel_loop3A_326 = vector.broadcast %parallel_loop3A_325 : i32 to vector<16xi32>
          %parallel_loop3A_327 = arith.addi %parallel_loop3A_326, %iota3A : vector<16xi32>
          %parallel_loop3A_328 = vector.broadcast %parallel_loop3A_233 : i32 to vector<16xi32>
          %parallel_loop3A_329 = arith.addi %parallel_loop3A_328, %parallel_loop3A_327 : vector<16xi32>
          %parallel_loop3A_330 = tpu.vector_load_idx %arg4[%parallel_loop3A_329] : memref<18432xf32, #tpu.memory_space<vmem>>[vector<16xi32>], vector<16xf32>,
          %parallel_loop3A_331 = arith.index_cast %parallel_loop3A_214 : i32 to index
          %parallel_loop3A_332 = arith.constant 112 : index
          %parallel_loop3A_333 = tpu.vector_load %arg6[%parallel_loop3A_331, %parallel_loop3A_332] {strides = array<i32>} : memref<128x128xf32, #tpu.memory_space<vmem>>, vector<16xf32>,
          tpu.vector_store %arg6[%parallel_loop3A_331, %parallel_loop3A_332], %parallel_loop3A_330 {strides = array<i32>} : memref<128x128xf32, #tpu.memory_space<vmem>>, vector<16xf32>,
          %parallel_loop3A_334 = arith.constant 129 : i32
          %parallel_loop3A_335 = vector.broadcast %parallel_loop3A_334 : i32 to vector<16xi32>
          %parallel_loop3A_336 = arith.muli %parallel_loop3A_327, %parallel_loop3A_335 : vector<16xi32>
          %parallel_loop3A_337 = arith.addi %parallel_loop3A_336, %parallel_loop3A_230 : vector<16xi32>
          tpu.vector_store_idx %arg10[%parallel_loop3A_337], %parallel_loop3A_330 : memref<16512xf32, #tpu.memory_space<vmem>>[vector<16xi32>], vector<16xf32>,
        } {sc.loop_unroll_factor = 2 : i64, sc.parallel_access}
        %eq3A = arith.cmpi eq, %select_n3A_136, %select_n3A_138 : i32
        %convert_element_type3A_200 = arith.extui %eq3A : i1 to i32
        %cond3A_201 = arith.constant 0 : i32
        %cond3A_202 = arith.cmpi ne, %convert_element_type3A_200, %cond3A_201 : i32
        scf.if %cond3A_202 {
          %parallel_loop3A_214 = arith.constant 0 : i32
          %parallel_loop3A_215 = arith.constant 128 : i32
          %parallel_loop3A_216 = arith.constant 1 : i32
          scf.for %parallel_loop3A_217 = %parallel_loop3A_214 to %parallel_loop3A_215 step %parallel_loop3A_216  : i32 {
            %parallel_loop3A_218 = arith.constant 0 : i32
            %parallel_loop3A_219 = vector.broadcast %parallel_loop3A_218 : i32 to vector<16xi32>
            %parallel_loop3A_220 = arith.addi %parallel_loop3A_219, %iota3A : vector<16xi32>
            %parallel_loop3A_221 = arith.index_cast %parallel_loop3A_217 : i32 to index
            %parallel_loop3A_222 = arith.constant 0 : index
            %parallel_loop3A_223 = tpu.vector_load %arg6[%parallel_loop3A_221, %parallel_loop3A_222] {strides = array<i32>} : memref<128x128xf32, #tpu.memory_space<vmem>>, vector<16xf32>,
            %parallel_loop3A_224 = arith.constant 129 : i32
            %parallel_loop3A_225 = arith.muli %parallel_loop3A_217, %parallel_loop3A_224 : i32
            %parallel_loop3A_226 = vector.broadcast %parallel_loop3A_225 : i32 to vector<16xi32>
            %parallel_loop3A_227 = arith.addi %parallel_loop3A_226, %parallel_loop3A_220 : vector<16xi32>
            %parallel_loop3A_228 = tpu.vector_load_idx %arg10[%parallel_loop3A_227] : memref<16512xf32, #tpu.memory_space<vmem>>[vector<16xi32>], vector<16xf32>,
            %parallel_loop3A_229 = vector.broadcast %parallel_loop3A_217 : i32 to vector<16xi32>
            %parallel_loop3A_230 = arith.cmpi sge, %parallel_loop3A_220, %parallel_loop3A_229 : vector<16xi32>
            %parallel_loop3A_231 = arith.select %parallel_loop3A_230, %parallel_loop3A_223, %parallel_loop3A_228 : vector<16xi1>, vector<16xf32>
            %parallel_loop3A_232 = arith.index_cast %parallel_loop3A_217 : i32 to index
            %parallel_loop3A_233 = arith.constant 0 : index
            %parallel_loop3A_234 = tpu.vector_load %arg6[%parallel_loop3A_232, %parallel_loop3A_233] {strides = array<i32>} : memref<128x128xf32, #tpu.memory_space<vmem>>, vector<16xf32>,
            tpu.vector_store %arg6[%parallel_loop3A_232, %parallel_loop3A_233], %parallel_loop3A_231 {strides = array<i32>} : memref<128x128xf32, #tpu.memory_space<vmem>>, vector<16xf32>,
            %parallel_loop3A_235 = arith.constant 16 : i32
            %parallel_loop3A_236 = vector.broadcast %parallel_loop3A_235 : i32 to vector<16xi32>
            %parallel_loop3A_237 = arith.addi %parallel_loop3A_236, %iota3A : vector<16xi32>
            %parallel_loop3A_238 = arith.index_cast %parallel_loop3A_217 : i32 to index
            %parallel_loop3A_239 = arith.constant 16 : index
            %parallel_loop3A_240 = tpu.vector_load %arg6[%parallel_loop3A_238, %parallel_loop3A_239] {strides = array<i32>} : memref<128x128xf32, #tpu.memory_space<vmem>>, vector<16xf32>,
            %parallel_loop3A_241 = arith.constant 129 : i32
            %parallel_loop3A_242 = arith.muli %parallel_loop3A_217, %parallel_loop3A_241 : i32
            %parallel_loop3A_243 = vector.broadcast %parallel_loop3A_242 : i32 to vector<16xi32>
            %parallel_loop3A_244 = arith.addi %parallel_loop3A_243, %parallel_loop3A_237 : vector<16xi32>
            %parallel_loop3A_245 = tpu.vector_load_idx %arg10[%parallel_loop3A_244] : memref<16512xf32, #tpu.memory_space<vmem>>[vector<16xi32>], vector<16xf32>,
            %parallel_loop3A_246 = vector.broadcast %parallel_loop3A_217 : i32 to vector<16xi32>
            %parallel_loop3A_247 = arith.cmpi sge, %parallel_loop3A_237, %parallel_loop3A_246 : vector<16xi32>
            %parallel_loop3A_248 = arith.select %parallel_loop3A_247, %parallel_loop3A_240, %parallel_loop3A_245 : vector<16xi1>, vector<16xf32>
            %parallel_loop3A_249 = arith.index_cast %parallel_loop3A_217 : i32 to index
            %parallel_loop3A_250 = arith.constant 16 : index
            %parallel_loop3A_251 = tpu.vector_load %arg6[%parallel_loop3A_249, %parallel_loop3A_250] {strides = array<i32>} : memref<128x128xf32, #tpu.memory_space<vmem>>, vector<16xf32>,
            tpu.vector_store %arg6[%parallel_loop3A_249, %parallel_loop3A_250], %parallel_loop3A_248 {strides = array<i32>} : memref<128x128xf32, #tpu.memory_space<vmem>>, vector<16xf32>,
            %parallel_loop3A_252 = arith.constant 32 : i32
            %parallel_loop3A_253 = vector.broadcast %parallel_loop3A_252 : i32 to vector<16xi32>
            %parallel_loop3A_254 = arith.addi %parallel_loop3A_253, %iota3A : vector<16xi32>
            %parallel_loop3A_255 = arith.index_cast %parallel_loop3A_217 : i32 to index
            %parallel_loop3A_256 = arith.constant 32 : index
            %parallel_loop3A_257 = tpu.vector_load %arg6[%parallel_loop3A_255, %parallel_loop3A_256] {strides = array<i32>} : memref<128x128xf32, #tpu.memory_space<vmem>>, vector<16xf32>,
            %parallel_loop3A_258 = arith.constant 129 : i32
            %parallel_loop3A_259 = arith.muli %parallel_loop3A_217, %parallel_loop3A_258 : i32
            %parallel_loop3A_260 = vector.broadcast %parallel_loop3A_259 : i32 to vector<16xi32>
            %parallel_loop3A_261 = arith.addi %parallel_loop3A_260, %parallel_loop3A_254 : vector<16xi32>
            %parallel_loop3A_262 = tpu.vector_load_idx %arg10[%parallel_loop3A_261] : memref<16512xf32, #tpu.memory_space<vmem>>[vector<16xi32>], vector<16xf32>,
            %parallel_loop3A_263 = vector.broadcast %parallel_loop3A_217 : i32 to vector<16xi32>
            %parallel_loop3A_264 = arith.cmpi sge, %parallel_loop3A_254, %parallel_loop3A_263 : vector<16xi32>
            %parallel_loop3A_265 = arith.select %parallel_loop3A_264, %parallel_loop3A_257, %parallel_loop3A_262 : vector<16xi1>, vector<16xf32>
            %parallel_loop3A_266 = arith.index_cast %parallel_loop3A_217 : i32 to index
            %parallel_loop3A_267 = arith.constant 32 : index
            %parallel_loop3A_268 = tpu.vector_load %arg6[%parallel_loop3A_266, %parallel_loop3A_267] {strides = array<i32>} : memref<128x128xf32, #tpu.memory_space<vmem>>, vector<16xf32>,
            tpu.vector_store %arg6[%parallel_loop3A_266, %parallel_loop3A_267], %parallel_loop3A_265 {strides = array<i32>} : memref<128x128xf32, #tpu.memory_space<vmem>>, vector<16xf32>,
            %parallel_loop3A_269 = arith.constant 48 : i32
            %parallel_loop3A_270 = vector.broadcast %parallel_loop3A_269 : i32 to vector<16xi32>
            %parallel_loop3A_271 = arith.addi %parallel_loop3A_270, %iota3A : vector<16xi32>
            %parallel_loop3A_272 = arith.index_cast %parallel_loop3A_217 : i32 to index
            %parallel_loop3A_273 = arith.constant 48 : index
            %parallel_loop3A_274 = tpu.vector_load %arg6[%parallel_loop3A_272, %parallel_loop3A_273] {strides = array<i32>} : memref<128x128xf32, #tpu.memory_space<vmem>>, vector<16xf32>,
            %parallel_loop3A_275 = arith.constant 129 : i32
            %parallel_loop3A_276 = arith.muli %parallel_loop3A_217, %parallel_loop3A_275 : i32
            %parallel_loop3A_277 = vector.broadcast %parallel_loop3A_276 : i32 to vector<16xi32>
            %parallel_loop3A_278 = arith.addi %parallel_loop3A_277, %parallel_loop3A_271 : vector<16xi32>
            %parallel_loop3A_279 = tpu.vector_load_idx %arg10[%parallel_loop3A_278] : memref<16512xf32, #tpu.memory_space<vmem>>[vector<16xi32>], vector<16xf32>,
            %parallel_loop3A_280 = vector.broadcast %parallel_loop3A_217 : i32 to vector<16xi32>
            %parallel_loop3A_281 = arith.cmpi sge, %parallel_loop3A_271, %parallel_loop3A_280 : vector<16xi32>
            %parallel_loop3A_282 = arith.select %parallel_loop3A_281, %parallel_loop3A_274, %parallel_loop3A_279 : vector<16xi1>, vector<16xf32>
            %parallel_loop3A_283 = arith.index_cast %parallel_loop3A_217 : i32 to index
            %parallel_loop3A_284 = arith.constant 48 : index
            %parallel_loop3A_285 = tpu.vector_load %arg6[%parallel_loop3A_283, %parallel_loop3A_284] {strides = array<i32>} : memref<128x128xf32, #tpu.memory_space<vmem>>, vector<16xf32>,
            tpu.vector_store %arg6[%parallel_loop3A_283, %parallel_loop3A_284], %parallel_loop3A_282 {strides = array<i32>} : memref<128x128xf32, #tpu.memory_space<vmem>>, vector<16xf32>,
            %parallel_loop3A_286 = arith.constant 64 : i32
            %parallel_loop3A_287 = vector.broadcast %parallel_loop3A_286 : i32 to vector<16xi32>
            %parallel_loop3A_288 = arith.addi %parallel_loop3A_287, %iota3A : vector<16xi32>
            %parallel_loop3A_289 = arith.index_cast %parallel_loop3A_217 : i32 to index
            %parallel_loop3A_290 = arith.constant 64 : index
            %parallel_loop3A_291 = tpu.vector_load %arg6[%parallel_loop3A_289, %parallel_loop3A_290] {strides = array<i32>} : memref<128x128xf32, #tpu.memory_space<vmem>>, vector<16xf32>,
            %parallel_loop3A_292 = arith.constant 129 : i32
            %parallel_loop3A_293 = arith.muli %parallel_loop3A_217, %parallel_loop3A_292 : i32
            %parallel_loop3A_294 = vector.broadcast %parallel_loop3A_293 : i32 to vector<16xi32>
            %parallel_loop3A_295 = arith.addi %parallel_loop3A_294, %parallel_loop3A_288 : vector<16xi32>
            %parallel_loop3A_296 = tpu.vector_load_idx %arg10[%parallel_loop3A_295] : memref<16512xf32, #tpu.memory_space<vmem>>[vector<16xi32>], vector<16xf32>,
            %parallel_loop3A_297 = vector.broadcast %parallel_loop3A_217 : i32 to vector<16xi32>
            %parallel_loop3A_298 = arith.cmpi sge, %parallel_loop3A_288, %parallel_loop3A_297 : vector<16xi32>
            %parallel_loop3A_299 = arith.select %parallel_loop3A_298, %parallel_loop3A_291, %parallel_loop3A_296 : vector<16xi1>, vector<16xf32>
            %parallel_loop3A_300 = arith.index_cast %parallel_loop3A_217 : i32 to index
            %parallel_loop3A_301 = arith.constant 64 : index
            %parallel_loop3A_302 = tpu.vector_load %arg6[%parallel_loop3A_300, %parallel_loop3A_301] {strides = array<i32>} : memref<128x128xf32, #tpu.memory_space<vmem>>, vector<16xf32>,
            tpu.vector_store %arg6[%parallel_loop3A_300, %parallel_loop3A_301], %parallel_loop3A_299 {strides = array<i32>} : memref<128x128xf32, #tpu.memory_space<vmem>>, vector<16xf32>,
            %parallel_loop3A_303 = arith.constant 80 : i32
            %parallel_loop3A_304 = vector.broadcast %parallel_loop3A_303 : i32 to vector<16xi32>
            %parallel_loop3A_305 = arith.addi %parallel_loop3A_304, %iota3A : vector<16xi32>
            %parallel_loop3A_306 = arith.index_cast %parallel_loop3A_217 : i32 to index
            %parallel_loop3A_307 = arith.constant 80 : index
            %parallel_loop3A_308 = tpu.vector_load %arg6[%parallel_loop3A_306, %parallel_loop3A_307] {strides = array<i32>} : memref<128x128xf32, #tpu.memory_space<vmem>>, vector<16xf32>,
            %parallel_loop3A_309 = arith.constant 129 : i32
            %parallel_loop3A_310 = arith.muli %parallel_loop3A_217, %parallel_loop3A_309 : i32
            %parallel_loop3A_311 = vector.broadcast %parallel_loop3A_310 : i32 to vector<16xi32>
            %parallel_loop3A_312 = arith.addi %parallel_loop3A_311, %parallel_loop3A_305 : vector<16xi32>
            %parallel_loop3A_313 = tpu.vector_load_idx %arg10[%parallel_loop3A_312] : memref<16512xf32, #tpu.memory_space<vmem>>[vector<16xi32>], vector<16xf32>,
            %parallel_loop3A_314 = vector.broadcast %parallel_loop3A_217 : i32 to vector<16xi32>
            %parallel_loop3A_315 = arith.cmpi sge, %parallel_loop3A_305, %parallel_loop3A_314 : vector<16xi32>
            %parallel_loop3A_316 = arith.select %parallel_loop3A_315, %parallel_loop3A_308, %parallel_loop3A_313 : vector<16xi1>, vector<16xf32>
            %parallel_loop3A_317 = arith.index_cast %parallel_loop3A_217 : i32 to index
            %parallel_loop3A_318 = arith.constant 80 : index
            %parallel_loop3A_319 = tpu.vector_load %arg6[%parallel_loop3A_317, %parallel_loop3A_318] {strides = array<i32>} : memref<128x128xf32, #tpu.memory_space<vmem>>, vector<16xf32>,
            tpu.vector_store %arg6[%parallel_loop3A_317, %parallel_loop3A_318], %parallel_loop3A_316 {strides = array<i32>} : memref<128x128xf32, #tpu.memory_space<vmem>>, vector<16xf32>,
            %parallel_loop3A_320 = arith.constant 96 : i32
            %parallel_loop3A_321 = vector.broadcast %parallel_loop3A_320 : i32 to vector<16xi32>
            %parallel_loop3A_322 = arith.addi %parallel_loop3A_321, %iota3A : vector<16xi32>
            %parallel_loop3A_323 = arith.index_cast %parallel_loop3A_217 : i32 to index
            %parallel_loop3A_324 = arith.constant 96 : index
            %parallel_loop3A_325 = tpu.vector_load %arg6[%parallel_loop3A_323, %parallel_loop3A_324] {strides = array<i32>} : memref<128x128xf32, #tpu.memory_space<vmem>>, vector<16xf32>,
            %parallel_loop3A_326 = arith.constant 129 : i32
            %parallel_loop3A_327 = arith.muli %parallel_loop3A_217, %parallel_loop3A_326 : i32
            %parallel_loop3A_328 = vector.broadcast %parallel_loop3A_327 : i32 to vector<16xi32>
            %parallel_loop3A_329 = arith.addi %parallel_loop3A_328, %parallel_loop3A_322 : vector<16xi32>
            %parallel_loop3A_330 = tpu.vector_load_idx %arg10[%parallel_loop3A_329] : memref<16512xf32, #tpu.memory_space<vmem>>[vector<16xi32>], vector<16xf32>,
            %parallel_loop3A_331 = vector.broadcast %parallel_loop3A_217 : i32 to vector<16xi32>
            %parallel_loop3A_332 = arith.cmpi sge, %parallel_loop3A_322, %parallel_loop3A_331 : vector<16xi32>
            %parallel_loop3A_333 = arith.select %parallel_loop3A_332, %parallel_loop3A_325, %parallel_loop3A_330 : vector<16xi1>, vector<16xf32>
            %parallel_loop3A_334 = arith.index_cast %parallel_loop3A_217 : i32 to index
            %parallel_loop3A_335 = arith.constant 96 : index
            %parallel_loop3A_336 = tpu.vector_load %arg6[%parallel_loop3A_334, %parallel_loop3A_335] {strides = array<i32>} : memref<128x128xf32, #tpu.memory_space<vmem>>, vector<16xf32>,
            tpu.vector_store %arg6[%parallel_loop3A_334, %parallel_loop3A_335], %parallel_loop3A_333 {strides = array<i32>} : memref<128x128xf32, #tpu.memory_space<vmem>>, vector<16xf32>,
            %parallel_loop3A_337 = arith.constant 112 : i32
            %parallel_loop3A_338 = vector.broadcast %parallel_loop3A_337 : i32 to vector<16xi32>
            %parallel_loop3A_339 = arith.addi %parallel_loop3A_338, %iota3A : vector<16xi32>
            %parallel_loop3A_340 = arith.index_cast %parallel_loop3A_217 : i32 to index
            %parallel_loop3A_341 = arith.constant 112 : index
            %parallel_loop3A_342 = tpu.vector_load %arg6[%parallel_loop3A_340, %parallel_loop3A_341] {strides = array<i32>} : memref<128x128xf32, #tpu.memory_space<vmem>>, vector<16xf32>,
            %parallel_loop3A_343 = arith.constant 129 : i32
            %parallel_loop3A_344 = arith.muli %parallel_loop3A_217, %parallel_loop3A_343 : i32
            %parallel_loop3A_345 = vector.broadcast %parallel_loop3A_344 : i32 to vector<16xi32>
            %parallel_loop3A_346 = arith.addi %parallel_loop3A_345, %parallel_loop3A_339 : vector<16xi32>
            %parallel_loop3A_347 = tpu.vector_load_idx %arg10[%parallel_loop3A_346] : memref<16512xf32, #tpu.memory_space<vmem>>[vector<16xi32>], vector<16xf32>,
            %parallel_loop3A_348 = vector.broadcast %parallel_loop3A_217 : i32 to vector<16xi32>
            %parallel_loop3A_349 = arith.cmpi sge, %parallel_loop3A_339, %parallel_loop3A_348 : vector<16xi32>
            %parallel_loop3A_350 = arith.select %parallel_loop3A_349, %parallel_loop3A_342, %parallel_loop3A_347 : vector<16xi1>, vector<16xf32>
            %parallel_loop3A_351 = arith.index_cast %parallel_loop3A_217 : i32 to index
            %parallel_loop3A_352 = arith.constant 112 : index
            %parallel_loop3A_353 = tpu.vector_load %arg6[%parallel_loop3A_351, %parallel_loop3A_352] {strides = array<i32>} : memref<128x128xf32, #tpu.memory_space<vmem>>, vector<16xf32>,
            tpu.vector_store %arg6[%parallel_loop3A_351, %parallel_loop3A_352], %parallel_loop3A_350 {strides = array<i32>} : memref<128x128xf32, #tpu.memory_space<vmem>>, vector<16xf32>,
          } {sc.loop_unroll_factor = 2 : i64, sc.parallel_access}
        } else {
        }
        %not3A = arith.constant true
        %not3A_203 = arith.xori %eq3A, %not3A : i1
        %convert_element_type3A_204 = arith.extui %not3A_203 : i1 to i32
        %cond3A_205 = arith.constant 0 : i32
        %cond3A_206 = arith.cmpi ne, %convert_element_type3A_204, %cond3A_205 : i32
        scf.if %cond3A_206 {
          %parallel_loop3A_214 = arith.constant 0 : i32
          %parallel_loop3A_215 = arith.constant 128 : i32
          %parallel_loop3A_216 = arith.constant 1 : i32
          scf.for %parallel_loop3A_217 = %parallel_loop3A_214 to %parallel_loop3A_215 step %parallel_loop3A_216  : i32 {
            %parallel_loop3A_218 = arith.constant 129 : i32
            %parallel_loop3A_219 = arith.muli %parallel_loop3A_217, %parallel_loop3A_218 : i32
            %parallel_loop3A_220 = arith.constant 0 : i32
            %parallel_loop3A_221 = arith.addi %parallel_loop3A_219, %parallel_loop3A_220 : i32
            %parallel_loop3A_222 = vector.broadcast %parallel_loop3A_221 : i32 to vector<16xi32>
            %parallel_loop3A_223 = arith.addi %parallel_loop3A_222, %iota3A : vector<16xi32>
            %parallel_loop3A_224 = tpu.vector_load_idx %arg10[%parallel_loop3A_223] : memref<16512xf32, #tpu.memory_space<vmem>>[vector<16xi32>], vector<16xf32>,
            %parallel_loop3A_225 = arith.index_cast %parallel_loop3A_217 : i32 to index
            %parallel_loop3A_226 = arith.constant 0 : index
            %parallel_loop3A_227 = tpu.vector_load %arg8[%parallel_loop3A_225, %parallel_loop3A_226] {strides = array<i32>} : memref<128x128xf32, #tpu.memory_space<vmem>>, vector<16xf32>,
            tpu.vector_store %arg8[%parallel_loop3A_225, %parallel_loop3A_226], %parallel_loop3A_224 {strides = array<i32>} : memref<128x128xf32, #tpu.memory_space<vmem>>, vector<16xf32>,
            %parallel_loop3A_228 = arith.constant 129 : i32
            %parallel_loop3A_229 = arith.muli %parallel_loop3A_217, %parallel_loop3A_228 : i32
            %parallel_loop3A_230 = arith.constant 16 : i32
            %parallel_loop3A_231 = arith.addi %parallel_loop3A_229, %parallel_loop3A_230 : i32
            %parallel_loop3A_232 = vector.broadcast %parallel_loop3A_231 : i32 to vector<16xi32>
            %parallel_loop3A_233 = arith.addi %parallel_loop3A_232, %iota3A : vector<16xi32>
            %parallel_loop3A_234 = tpu.vector_load_idx %arg10[%parallel_loop3A_233] : memref<16512xf32, #tpu.memory_space<vmem>>[vector<16xi32>], vector<16xf32>,
            %parallel_loop3A_235 = arith.index_cast %parallel_loop3A_217 : i32 to index
            %parallel_loop3A_236 = arith.constant 16 : index
            %parallel_loop3A_237 = tpu.vector_load %arg8[%parallel_loop3A_235, %parallel_loop3A_236] {strides = array<i32>} : memref<128x128xf32, #tpu.memory_space<vmem>>, vector<16xf32>,
            tpu.vector_store %arg8[%parallel_loop3A_235, %parallel_loop3A_236], %parallel_loop3A_234 {strides = array<i32>} : memref<128x128xf32, #tpu.memory_space<vmem>>, vector<16xf32>,
            %parallel_loop3A_238 = arith.constant 129 : i32
            %parallel_loop3A_239 = arith.muli %parallel_loop3A_217, %parallel_loop3A_238 : i32
            %parallel_loop3A_240 = arith.constant 32 : i32
            %parallel_loop3A_241 = arith.addi %parallel_loop3A_239, %parallel_loop3A_240 : i32
            %parallel_loop3A_242 = vector.broadcast %parallel_loop3A_241 : i32 to vector<16xi32>
            %parallel_loop3A_243 = arith.addi %parallel_loop3A_242, %iota3A : vector<16xi32>
            %parallel_loop3A_244 = tpu.vector_load_idx %arg10[%parallel_loop3A_243] : memref<16512xf32, #tpu.memory_space<vmem>>[vector<16xi32>], vector<16xf32>,
            %parallel_loop3A_245 = arith.index_cast %parallel_loop3A_217 : i32 to index
            %parallel_loop3A_246 = arith.constant 32 : index
            %parallel_loop3A_247 = tpu.vector_load %arg8[%parallel_loop3A_245, %parallel_loop3A_246] {strides = array<i32>} : memref<128x128xf32, #tpu.memory_space<vmem>>, vector<16xf32>,
            tpu.vector_store %arg8[%parallel_loop3A_245, %parallel_loop3A_246], %parallel_loop3A_244 {strides = array<i32>} : memref<128x128xf32, #tpu.memory_space<vmem>>, vector<16xf32>,
            %parallel_loop3A_248 = arith.constant 129 : i32
            %parallel_loop3A_249 = arith.muli %parallel_loop3A_217, %parallel_loop3A_248 : i32
            %parallel_loop3A_250 = arith.constant 48 : i32
            %parallel_loop3A_251 = arith.addi %parallel_loop3A_249, %parallel_loop3A_250 : i32
            %parallel_loop3A_252 = vector.broadcast %parallel_loop3A_251 : i32 to vector<16xi32>
            %parallel_loop3A_253 = arith.addi %parallel_loop3A_252, %iota3A : vector<16xi32>
            %parallel_loop3A_254 = tpu.vector_load_idx %arg10[%parallel_loop3A_253] : memref<16512xf32, #tpu.memory_space<vmem>>[vector<16xi32>], vector<16xf32>,
            %parallel_loop3A_255 = arith.index_cast %parallel_loop3A_217 : i32 to index
            %parallel_loop3A_256 = arith.constant 48 : index
            %parallel_loop3A_257 = tpu.vector_load %arg8[%parallel_loop3A_255, %parallel_loop3A_256] {strides = array<i32>} : memref<128x128xf32, #tpu.memory_space<vmem>>, vector<16xf32>,
            tpu.vector_store %arg8[%parallel_loop3A_255, %parallel_loop3A_256], %parallel_loop3A_254 {strides = array<i32>} : memref<128x128xf32, #tpu.memory_space<vmem>>, vector<16xf32>,
            %parallel_loop3A_258 = arith.constant 129 : i32
            %parallel_loop3A_259 = arith.muli %parallel_loop3A_217, %parallel_loop3A_258 : i32
            %parallel_loop3A_260 = arith.constant 64 : i32
            %parallel_loop3A_261 = arith.addi %parallel_loop3A_259, %parallel_loop3A_260 : i32
            %parallel_loop3A_262 = vector.broadcast %parallel_loop3A_261 : i32 to vector<16xi32>
            %parallel_loop3A_263 = arith.addi %parallel_loop3A_262, %iota3A : vector<16xi32>
            %parallel_loop3A_264 = tpu.vector_load_idx %arg10[%parallel_loop3A_263] : memref<16512xf32, #tpu.memory_space<vmem>>[vector<16xi32>], vector<16xf32>,
            %parallel_loop3A_265 = arith.index_cast %parallel_loop3A_217 : i32 to index
            %parallel_loop3A_266 = arith.constant 64 : index
            %parallel_loop3A_267 = tpu.vector_load %arg8[%parallel_loop3A_265, %parallel_loop3A_266] {strides = array<i32>} : memref<128x128xf32, #tpu.memory_space<vmem>>, vector<16xf32>,
            tpu.vector_store %arg8[%parallel_loop3A_265, %parallel_loop3A_266], %parallel_loop3A_264 {strides = array<i32>} : memref<128x128xf32, #tpu.memory_space<vmem>>, vector<16xf32>,
            %parallel_loop3A_268 = arith.constant 129 : i32
            %parallel_loop3A_269 = arith.muli %parallel_loop3A_217, %parallel_loop3A_268 : i32
            %parallel_loop3A_270 = arith.constant 80 : i32
            %parallel_loop3A_271 = arith.addi %parallel_loop3A_269, %parallel_loop3A_270 : i32
            %parallel_loop3A_272 = vector.broadcast %parallel_loop3A_271 : i32 to vector<16xi32>
            %parallel_loop3A_273 = arith.addi %parallel_loop3A_272, %iota3A : vector<16xi32>
            %parallel_loop3A_274 = tpu.vector_load_idx %arg10[%parallel_loop3A_273] : memref<16512xf32, #tpu.memory_space<vmem>>[vector<16xi32>], vector<16xf32>,
            %parallel_loop3A_275 = arith.index_cast %parallel_loop3A_217 : i32 to index
            %parallel_loop3A_276 = arith.constant 80 : index
            %parallel_loop3A_277 = tpu.vector_load %arg8[%parallel_loop3A_275, %parallel_loop3A_276] {strides = array<i32>} : memref<128x128xf32, #tpu.memory_space<vmem>>, vector<16xf32>,
            tpu.vector_store %arg8[%parallel_loop3A_275, %parallel_loop3A_276], %parallel_loop3A_274 {strides = array<i32>} : memref<128x128xf32, #tpu.memory_space<vmem>>, vector<16xf32>,
            %parallel_loop3A_278 = arith.constant 129 : i32
            %parallel_loop3A_279 = arith.muli %parallel_loop3A_217, %parallel_loop3A_278 : i32
            %parallel_loop3A_280 = arith.constant 96 : i32
            %parallel_loop3A_281 = arith.addi %parallel_loop3A_279, %parallel_loop3A_280 : i32
            %parallel_loop3A_282 = vector.broadcast %parallel_loop3A_281 : i32 to vector<16xi32>
            %parallel_loop3A_283 = arith.addi %parallel_loop3A_282, %iota3A : vector<16xi32>
            %parallel_loop3A_284 = tpu.vector_load_idx %arg10[%parallel_loop3A_283] : memref<16512xf32, #tpu.memory_space<vmem>>[vector<16xi32>], vector<16xf32>,
            %parallel_loop3A_285 = arith.index_cast %parallel_loop3A_217 : i32 to index
            %parallel_loop3A_286 = arith.constant 96 : index
            %parallel_loop3A_287 = tpu.vector_load %arg8[%parallel_loop3A_285, %parallel_loop3A_286] {strides = array<i32>} : memref<128x128xf32, #tpu.memory_space<vmem>>, vector<16xf32>,
            tpu.vector_store %arg8[%parallel_loop3A_285, %parallel_loop3A_286], %parallel_loop3A_284 {strides = array<i32>} : memref<128x128xf32, #tpu.memory_space<vmem>>, vector<16xf32>,
            %parallel_loop3A_288 = arith.constant 129 : i32
            %parallel_loop3A_289 = arith.muli %parallel_loop3A_217, %parallel_loop3A_288 : i32
            %parallel_loop3A_290 = arith.constant 112 : i32
            %parallel_loop3A_291 = arith.addi %parallel_loop3A_289, %parallel_loop3A_290 : i32
            %parallel_loop3A_292 = vector.broadcast %parallel_loop3A_291 : i32 to vector<16xi32>
            %parallel_loop3A_293 = arith.addi %parallel_loop3A_292, %iota3A : vector<16xi32>
            %parallel_loop3A_294 = tpu.vector_load_idx %arg10[%parallel_loop3A_293] : memref<16512xf32, #tpu.memory_space<vmem>>[vector<16xi32>], vector<16xf32>,
            %parallel_loop3A_295 = arith.index_cast %parallel_loop3A_217 : i32 to index
            %parallel_loop3A_296 = arith.constant 112 : index
            %parallel_loop3A_297 = tpu.vector_load %arg8[%parallel_loop3A_295, %parallel_loop3A_296] {strides = array<i32>} : memref<128x128xf32, #tpu.memory_space<vmem>>, vector<16xf32>,
            tpu.vector_store %arg8[%parallel_loop3A_295, %parallel_loop3A_296], %parallel_loop3A_294 {strides = array<i32>} : memref<128x128xf32, #tpu.memory_space<vmem>>, vector<16xf32>,
          } {sc.loop_unroll_factor = 2 : i64, sc.parallel_access}
        } else {
        }
        %multiple_of3A = tpu.assume_multiple %mul3A_157, 128 : i32
        %multiple_of3A_207 = tpu.assume_multiple %mul3A_159, 128 : i32
        %dma_start3A = tpu.memref_slice %arg3[%multiple_of3A, %multiple_of3A_207] : memref<4096x4096xf32, #tpu.memory_space<hbm>> -> memref<128x128xf32, #tpu.memory_space<hbm>>
        %dma_start3A_208 = tpu.memref_slice %arg3[%multiple_of3A, %multiple_of3A_207] : memref<4096x4096xf32, #tpu.memory_space<hbm>> -> memref<128x128xf32, #tpu.memory_space<hbm>>
        tpu.enqueue_dma source(%arg6 : memref<128x128xf32, #tpu.memory_space<vmem>>) target(%dma_start3A_208 : memref<128x128xf32, #tpu.memory_space<hbm>>) target_semaphore(%arg13 : memref<!tpu.dma_semaphore, #tpu.memory_space<semaphore_mem>>)
        %not3A_209 = arith.constant true
        %not3A_210 = arith.xori %eq3A, %not3A_209 : i1
        %convert_element_type3A_211 = arith.extui %not3A_210 : i1 to i32
        %cond3A_212 = arith.constant 0 : i32
        %cond3A_213 = arith.cmpi ne, %convert_element_type3A_211, %cond3A_212 : i32
        scf.if %cond3A_213 {
          %dma_start3A_214 = tpu.memref_slice %arg3[%multiple_of3A_207, %multiple_of3A] : memref<4096x4096xf32, #tpu.memory_space<hbm>> -> memref<128x128xf32, #tpu.memory_space<hbm>>
          %dma_start3A_215 = tpu.memref_slice %arg3[%multiple_of3A_207, %multiple_of3A] : memref<4096x4096xf32, #tpu.memory_space<hbm>> -> memref<128x128xf32, #tpu.memory_space<hbm>>
          tpu.enqueue_dma source(%arg8 : memref<128x128xf32, #tpu.memory_space<vmem>>) target(%dma_start3A_215 : memref<128x128xf32, #tpu.memory_space<hbm>>) target_semaphore(%arg13 : memref<!tpu.dma_semaphore, #tpu.memory_space<semaphore_mem>>)
        } else {
        }
      } else {
      }
      %mul3A_147 = arith.constant 2 : i32
      %mul3A_148 = arith.muli %mul3A_147, %scan3A_82 : i32
      %add3A_149 = arith.constant 1 : i32
      %add3A_150 = arith.addi %mul3A_148, %add3A_149 : i32
      %lt3A_151 = arith.constant 17 : i32
      %lt3A_152 = arith.cmpi slt, %add3A_150, %lt3A_151 : i32
      %convert_element_type3A_153 = arith.extui %lt3A_152 : i1 to i32
      %cond3A_154 = arith.constant 0 : i32
      %cond3A_155 = arith.cmpi ne, %convert_element_type3A_153, %cond3A_154 : i32
      scf.if %cond3A_155 {
        %mul3A_156 = arith.constant 2 : i32
        %mul3A_157 = arith.muli %mul3A_156, %scan3A_82 : i32
        %add3A_158 = arith.constant 1 : i32
        %add3A_159 = arith.addi %mul3A_157, %add3A_158 : i32
        %sub3A_160 = arith.constant 2 : i32
        %sub3A_161 = arith.subi %add3A_159, %sub3A_160 : i32
        %sub3A_162 = arith.constant 32 : i32
        %sub3A_163 = arith.subi %sub3A_162, %sub3A_161 : i32
        %lt3A_164 = arith.cmpi slt, %add3A, %sub3A_163 : i32
        %sub3A_165 = arith.constant 32 : i32
        %sub3A_166 = arith.subi %add3A, %sub3A_165 : i32
        %add3A_167 = arith.addi %sub3A_166, %sub3A_161 : i32
        %select_n3A_168 = arith.select %lt3A_164, %add3A, %add3A_167 : i32
        %add3A_169 = arith.addi %add3A, %sub3A_161 : i32
        %select_n3A_170 = arith.select %lt3A_164, %add3A_169, %add3A : i32
        %lt3A_171 = arith.constant 16 : i32
        %lt3A_172 = arith.cmpi slt, %sub3A_161, %lt3A_171 : i32
        %lt3A_173 = arith.constant 16 : i32
        %lt3A_174 = arith.cmpi slt, %add3A, %lt3A_173 : i32
        %or3A_175 = arith.ori %lt3A_172, %lt3A_174 : i1
        %ge3A_176 = arith.constant 2 : i32
        %ge3A_177 = arith.cmpi sge, %add3A_159, %ge3A_176 : i32
        %and3A_178 = arith.andi %ge3A_177, %or3A_175 : i1
        %convert_element_type3A_179 = arith.extui %and3A_178 : i1 to i32
        %cond3A_180 = arith.constant 0 : i32
        %cond3A_181 = arith.cmpi ne, %convert_element_type3A_179, %cond3A_180 : i32
        scf.if %cond3A_181 {
          %dma_wait3A = arith.constant 0 : i32
          %dma_wait3A_223 = arith.constant 0 : i32
          %dma_wait3A_224 = tpu.memref_slice %arg3[%dma_wait3A, %dma_wait3A_223] : memref<4096x4096xf32, #tpu.memory_space<hbm>> -> memref<128x128xf32, #tpu.memory_space<hbm>>
          %dma_wait3A_225 = arith.constant 0 : i32
          %dma_wait3A_226 = arith.constant 0 : i32
          %dma_wait3A_227 = tpu.memref_slice %arg3[%dma_wait3A_225, %dma_wait3A_226] : memref<4096x4096xf32, #tpu.memory_space<hbm>> -> memref<128x128xf32, #tpu.memory_space<hbm>>
          tpu.wait_dma2 semaphore(%arg14 : memref<!tpu.dma_semaphore, #tpu.memory_space<semaphore_mem>>) src(%dma_wait3A_227 : memref<128x128xf32, #tpu.memory_space<hbm>>) dst(%arg7 : memref<128x128xf32, #tpu.memory_space<vmem>>)
          %ne3A_228 = arith.cmpi ne, %select_n3A_168, %select_n3A_170 : i32
          %convert_element_type3A_229 = arith.extui %ne3A_228 : i1 to i32
          %cond3A_230 = arith.constant 0 : i32
          %cond3A_231 = arith.cmpi ne, %convert_element_type3A_229, %cond3A_230 : i32
          scf.if %cond3A_231 {
            %dma_wait3A_232 = arith.constant 0 : i32
            %dma_wait3A_233 = arith.constant 0 : i32
            %dma_wait3A_234 = tpu.memref_slice %arg3[%dma_wait3A_232, %dma_wait3A_233] : memref<4096x4096xf32, #tpu.memory_space<hbm>> -> memref<128x128xf32, #tpu.memory_space<hbm>>
            %dma_wait3A_235 = arith.constant 0 : i32
            %dma_wait3A_236 = arith.constant 0 : i32
            %dma_wait3A_237 = tpu.memref_slice %arg3[%dma_wait3A_235, %dma_wait3A_236] : memref<4096x4096xf32, #tpu.memory_space<hbm>> -> memref<128x128xf32, #tpu.memory_space<hbm>>
            tpu.wait_dma2 semaphore(%arg14 : memref<!tpu.dma_semaphore, #tpu.memory_space<semaphore_mem>>) src(%dma_wait3A_237 : memref<128x128xf32, #tpu.memory_space<hbm>>) dst(%arg7 : memref<128x128xf32, #tpu.memory_space<vmem>>)
          } else {
          }
        } else {
        }
        %add3A_182 = arith.constant 1 : i32
        %add3A_183 = arith.addi %add3A_159, %add3A_182 : i32
        %sub3A_184 = arith.constant 32 : i32
        %sub3A_185 = arith.subi %sub3A_184, %add3A_183 : i32
        %lt3A_186 = arith.cmpi slt, %add3A, %sub3A_185 : i32
        %sub3A_187 = arith.constant 32 : i32
        %sub3A_188 = arith.subi %add3A, %sub3A_187 : i32
        %add3A_189 = arith.addi %sub3A_188, %add3A_183 : i32
        %select_n3A_190 = arith.select %lt3A_186, %add3A, %add3A_189 : i32
        %add3A_191 = arith.addi %add3A, %add3A_183 : i32
        %select_n3A_192 = arith.select %lt3A_186, %add3A_191, %add3A : i32
        %lt3A_193 = arith.constant 16 : i32
        %lt3A_194 = arith.cmpi slt, %add3A_183, %lt3A_193 : i32
        %lt3A_195 = arith.constant 16 : i32
        %lt3A_196 = arith.cmpi slt, %add3A, %lt3A_195 : i32
        %or3A_197 = arith.ori %lt3A_194, %lt3A_196 : i1
        %add3A_198 = arith.constant 1 : i32
        %add3A_199 = arith.addi %add3A_159, %add3A_198 : i32
        %lt3A_200 = arith.constant 17 : i32
        %lt3A_201 = arith.cmpi slt, %add3A_199, %lt3A_200 : i32
        %and3A_202 = arith.andi %lt3A_201, %or3A_197 : i1
        %convert_element_type3A_203 = arith.extui %and3A_202 : i1 to i32
        %cond3A_204 = arith.constant 0 : i32
        %cond3A_205 = arith.cmpi ne, %convert_element_type3A_203, %cond3A_204 : i32
        scf.if %cond3A_205 {
          %add3A_223 = arith.constant 1 : i32
          %add3A_224 = arith.addi %add3A_159, %add3A_223 : i32
          %sub3A_225 = arith.constant 32 : i32
          %sub3A_226 = arith.subi %sub3A_225, %add3A_224 : i32
          %lt3A_227 = arith.cmpi slt, %add3A, %sub3A_226 : i32
          %sub3A_228 = arith.constant 32 : i32
          %sub3A_229 = arith.subi %add3A, %sub3A_228 : i32
          %add3A_230 = arith.addi %sub3A_229, %add3A_224 : i32
          %select_n3A_231 = arith.select %lt3A_227, %add3A, %add3A_230 : i32
          %add3A_232 = arith.addi %add3A, %add3A_224 : i32
          %select_n3A_233 = arith.select %lt3A_227, %add3A_232, %add3A : i32
          %lt3A_234 = arith.constant 16 : i32
          %lt3A_235 = arith.cmpi slt, %add3A_224, %lt3A_234 : i32
          %lt3A_236 = arith.constant 16 : i32
          %lt3A_237 = arith.cmpi slt, %add3A, %lt3A_236 : i32
          %or3A_238 = arith.ori %lt3A_235, %lt3A_237 : i1
          %mul3A_239 = arith.constant 128 : i32
          %mul3A_240 = arith.muli %select_n3A_231, %mul3A_239 : i32
          %mul3A_241 = arith.constant 128 : i32
          %mul3A_242 = arith.muli %select_n3A_233, %mul3A_241 : i32
          %mul3A_243 = arith.constant 4096 : i32
          %mul3A_244 = arith.muli %mul3A_240, %mul3A_243 : i32
          %sub3A_245 = arith.constant 1 : i32
          %sub3A_246 = arith.subi %mul3A_240, %sub3A_245 : i32
          %mul3A_247 = arith.muli %mul3A_240, %sub3A_246 : i32
          %jit3A_248 = arith.constant 2 : i32
          %div3A_249 = arith.divsi %mul3A_247, %jit3A_248 : i32
          %sign3A_250 = arith.constant 0 : i32
          %sign3A_251 = arith.cmpi sgt, %mul3A_247, %sign3A_250 : i32
          %sign3A_252 = arith.extui %sign3A_251 : i1 to i32
          %sign3A_253 = arith.constant 0 : i32
          %sign3A_254 = arith.cmpi slt, %mul3A_247, %sign3A_253 : i32
          %sign3A_255 = arith.extui %sign3A_254 : i1 to i32
          %sign3A_256 = arith.subi %sign3A_252, %sign3A_255 : i32
          %sign3A_257 = arith.constant 0 : i32
          %sign3A_258 = arith.cmpi sgt, %jit3A_248, %sign3A_257 : i32
          %sign3A_259 = arith.extui %sign3A_258 : i1 to i32
          %sign3A_260 = arith.constant 0 : i32
          %sign3A_261 = arith.cmpi slt, %jit3A_248, %sign3A_260 : i32
          %sign3A_262 = arith.extui %sign3A_261 : i1 to i32
          %sign3A_263 = arith.subi %sign3A_259, %sign3A_262 : i32
          %ne3A_264 = arith.cmpi ne, %sign3A_256, %sign3A_263 : i32
          %rem3A_265 = arith.remsi %mul3A_247, %jit3A_248 : i32
          %ne3A_266 = arith.constant 0 : i32
          %ne3A_267 = arith.cmpi ne, %rem3A_265, %ne3A_266 : i32
          %and3A_268 = arith.andi %ne3A_264, %ne3A_267 : i1
          %sub3A_269 = arith.constant 1 : i32
          %sub3A_270 = arith.subi %div3A_249, %sub3A_269 : i32
          %select_n3A_271 = arith.select %and3A_268, %sub3A_270, %div3A_249 : i32
          %sub3A_272 = arith.subi %mul3A_244, %select_n3A_271 : i32
          %sub3A_273 = arith.subi %sub3A_272, %mul3A_240 : i32
          %add3A_274 = arith.addi %sub3A_273, %mul3A_242 : i32
          %sub3A_275 = arith.constant 4095 : i32
          %sub3A_276 = arith.subi %sub3A_275, %mul3A_240 : i32
          %parallel_loop3A_277 = arith.constant 0 : i32
          %parallel_loop3A_278 = arith.constant 128 : i32
          %parallel_loop3A_279 = arith.constant 1 : i32
          scf.for %parallel_loop3A_280 = %parallel_loop3A_277 to %parallel_loop3A_278 step %parallel_loop3A_279  : i32 {
            %parallel_loop3A_281 = arith.muli %parallel_loop3A_280, %sub3A_276 : i32
            %parallel_loop3A_282 = arith.addi %add3A_274, %parallel_loop3A_281 : i32
            %parallel_loop3A_283 = arith.constant 1 : i32
            %parallel_loop3A_284 = arith.subi %parallel_loop3A_280, %parallel_loop3A_283 : i32
            %parallel_loop3A_285 = arith.muli %parallel_loop3A_280, %parallel_loop3A_284 : i32
            %parallel_loop3A_286 = arith.constant 1 : i32
            %parallel_loop3A_287 = arith.shrsi %parallel_loop3A_285, %parallel_loop3A_286 : i32
            %parallel_loop3A_288 = arith.subi %parallel_loop3A_282, %parallel_loop3A_287 : i32
            %parallel_loop3A_289 = arith.constant 4 : i32
            %parallel_loop3A_290 = arith.shrsi %parallel_loop3A_288, %parallel_loop3A_289 : i32
            %parallel_loop3A_291 = arith.constant 4 : i32
            %parallel_loop3A_292 = arith.shli %parallel_loop3A_290, %parallel_loop3A_291 : i32
            %parallel_loop3A_293 = arith.constant 8390512 : i32
            %parallel_loop3A_294 = arith.minsi %parallel_loop3A_292, %parallel_loop3A_293 : i32
            %parallel_loop3A_295 = tpu.assume_multiple %parallel_loop3A_294, 16 : i32
            %parallel_loop3A_296 = arith.constant 144 : i32
            %parallel_loop3A_297 = arith.muli %parallel_loop3A_280, %parallel_loop3A_296 : i32
            %parallel_loop3A_298 = tpu.memref_slice %arg4[%parallel_loop3A_297] : memref<18432xf32, #tpu.memory_space<vmem>> -> memref<144xf32, #tpu.memory_space<vmem>>
            %parallel_loop3A_299 = tpu.memref_slice %arg2[%parallel_loop3A_295] : memref<8390656xf32, #tpu.memory_space<hbm>> -> memref<144xf32, #tpu.memory_space<hbm>>
            %parallel_loop3A_300 = tpu.memref_slice %arg4[%parallel_loop3A_297] : memref<18432xf32, #tpu.memory_space<vmem>> -> memref<144xf32, #tpu.memory_space<vmem>>
            %parallel_loop3A_301 = tpu.memref_slice %arg2[%parallel_loop3A_295] : memref<8390656xf32, #tpu.memory_space<hbm>> -> memref<144xf32, #tpu.memory_space<hbm>>
            tpu.enqueue_dma source(%parallel_loop3A_301 : memref<144xf32, #tpu.memory_space<hbm>>) target(%parallel_loop3A_300 : memref<144xf32, #tpu.memory_space<vmem>>) target_semaphore(%arg11 : memref<!tpu.dma_semaphore, #tpu.memory_space<semaphore_mem>>)
          } {sc.loop_unroll_factor = 4 : i64, sc.parallel_access}
        } else {
        }
        %sub3A_206 = arith.constant 32 : i32
        %sub3A_207 = arith.subi %sub3A_206, %add3A_159 : i32
        %lt3A_208 = arith.cmpi slt, %add3A, %sub3A_207 : i32
        %sub3A_209 = arith.constant 32 : i32
        %sub3A_210 = arith.subi %add3A, %sub3A_209 : i32
        %add3A_211 = arith.addi %sub3A_210, %add3A_159 : i32
        %select_n3A_212 = arith.select %lt3A_208, %add3A, %add3A_211 : i32
        %add3A_213 = arith.addi %add3A, %add3A_159 : i32
        %select_n3A_214 = arith.select %lt3A_208, %add3A_213, %add3A : i32
        %lt3A_215 = arith.constant 16 : i32
        %lt3A_216 = arith.cmpi slt, %add3A_159, %lt3A_215 : i32
        %lt3A_217 = arith.constant 16 : i32
        %lt3A_218 = arith.cmpi slt, %add3A, %lt3A_217 : i32
        %or3A_219 = arith.ori %lt3A_216, %lt3A_218 : i1
        %convert_element_type3A_220 = arith.extui %or3A_219 : i1 to i32
        %cond3A_221 = arith.constant 0 : i32
        %cond3A_222 = arith.cmpi ne, %convert_element_type3A_220, %cond3A_221 : i32
        scf.if %cond3A_222 {
          %mul3A_223 = arith.constant 128 : i32
          %mul3A_224 = arith.muli %select_n3A_212, %mul3A_223 : i32
          %mul3A_225 = arith.constant 128 : i32
          %mul3A_226 = arith.muli %select_n3A_214, %mul3A_225 : i32
          %dma_wait3A = arith.constant 0 : i32
          %dma_wait3A_227 = tpu.memref_slice %arg2[%dma_wait3A] : memref<8390656xf32, #tpu.memory_space<hbm>> -> memref<18432xf32, #tpu.memory_space<hbm>>
          %dma_wait3A_228 = arith.constant 0 : i32
          %dma_wait3A_229 = tpu.memref_slice %arg2[%dma_wait3A_228] : memref<8390656xf32, #tpu.memory_space<hbm>> -> memref<18432xf32, #tpu.memory_space<hbm>>
          tpu.wait_dma2 semaphore(%arg12 : memref<!tpu.dma_semaphore, #tpu.memory_space<semaphore_mem>>) src(%dma_wait3A_229 : memref<18432xf32, #tpu.memory_space<hbm>>) dst(%arg5 : memref<18432xf32, #tpu.memory_space<vmem>>)
          %mul3A_230 = arith.constant 4096 : i32
          %mul3A_231 = arith.muli %mul3A_224, %mul3A_230 : i32
          %sub3A_232 = arith.constant 1 : i32
          %sub3A_233 = arith.subi %mul3A_224, %sub3A_232 : i32
          %mul3A_234 = arith.muli %mul3A_224, %sub3A_233 : i32
          %jit3A_235 = arith.constant 2 : i32
          %div3A_236 = arith.divsi %mul3A_234, %jit3A_235 : i32
          %sign3A_237 = arith.constant 0 : i32
          %sign3A_238 = arith.cmpi sgt, %mul3A_234, %sign3A_237 : i32
          %sign3A_239 = arith.extui %sign3A_238 : i1 to i32
          %sign3A_240 = arith.constant 0 : i32
          %sign3A_241 = arith.cmpi slt, %mul3A_234, %sign3A_240 : i32
          %sign3A_242 = arith.extui %sign3A_241 : i1 to i32
          %sign3A_243 = arith.subi %sign3A_239, %sign3A_242 : i32
          %sign3A_244 = arith.constant 0 : i32
          %sign3A_245 = arith.cmpi sgt, %jit3A_235, %sign3A_244 : i32
          %sign3A_246 = arith.extui %sign3A_245 : i1 to i32
          %sign3A_247 = arith.constant 0 : i32
          %sign3A_248 = arith.cmpi slt, %jit3A_235, %sign3A_247 : i32
          %sign3A_249 = arith.extui %sign3A_248 : i1 to i32
          %sign3A_250 = arith.subi %sign3A_246, %sign3A_249 : i32
          %ne3A_251 = arith.cmpi ne, %sign3A_243, %sign3A_250 : i32
          %rem3A_252 = arith.remsi %mul3A_234, %jit3A_235 : i32
          %ne3A_253 = arith.constant 0 : i32
          %ne3A_254 = arith.cmpi ne, %rem3A_252, %ne3A_253 : i32
          %and3A_255 = arith.andi %ne3A_251, %ne3A_254 : i1
          %sub3A_256 = arith.constant 1 : i32
          %sub3A_257 = arith.subi %div3A_236, %sub3A_256 : i32
          %select_n3A_258 = arith.select %and3A_255, %sub3A_257, %div3A_236 : i32
          %sub3A_259 = arith.subi %mul3A_231, %select_n3A_258 : i32
          %sub3A_260 = arith.subi %sub3A_259, %mul3A_224 : i32
          %add3A_261 = arith.addi %sub3A_260, %mul3A_226 : i32
          %sub3A_262 = arith.constant 4095 : i32
          %sub3A_263 = arith.subi %sub3A_262, %mul3A_224 : i32
          %parallel_loop3A_264 = arith.constant 0 : i32
          %parallel_loop3A_265 = arith.constant 128 : i32
          %parallel_loop3A_266 = arith.constant 1 : i32
          scf.for %parallel_loop3A_281 = %parallel_loop3A_264 to %parallel_loop3A_265 step %parallel_loop3A_266  : i32 {
            %parallel_loop3A_282 = arith.muli %parallel_loop3A_281, %sub3A_263 : i32
            %parallel_loop3A_283 = arith.addi %add3A_261, %parallel_loop3A_282 : i32
            %parallel_loop3A_284 = arith.constant 1 : i32
            %parallel_loop3A_285 = arith.subi %parallel_loop3A_281, %parallel_loop3A_284 : i32
            %parallel_loop3A_286 = arith.muli %parallel_loop3A_281, %parallel_loop3A_285 : i32
            %parallel_loop3A_287 = arith.constant 1 : i32
            %parallel_loop3A_288 = arith.shrsi %parallel_loop3A_286, %parallel_loop3A_287 : i32
            %parallel_loop3A_289 = arith.subi %parallel_loop3A_283, %parallel_loop3A_288 : i32
            %parallel_loop3A_290 = arith.constant 4 : i32
            %parallel_loop3A_291 = arith.shrsi %parallel_loop3A_289, %parallel_loop3A_290 : i32
            %parallel_loop3A_292 = arith.constant 4 : i32
            %parallel_loop3A_293 = arith.shli %parallel_loop3A_291, %parallel_loop3A_292 : i32
            %parallel_loop3A_294 = arith.constant 8390512 : i32
            %parallel_loop3A_295 = arith.minsi %parallel_loop3A_293, %parallel_loop3A_294 : i32
            %parallel_loop3A_296 = arith.subi %parallel_loop3A_289, %parallel_loop3A_295 : i32
            %parallel_loop3A_297 = vector.broadcast %parallel_loop3A_281 : i32 to vector<16xi32>
            %parallel_loop3A_298 = arith.constant 144 : i32
            %parallel_loop3A_299 = arith.muli %parallel_loop3A_281, %parallel_loop3A_298 : i32
            %parallel_loop3A_300 = arith.addi %parallel_loop3A_299, %parallel_loop3A_296 : i32
            %parallel_loop3A_301 = arith.constant 0 : i32
            %parallel_loop3A_302 = vector.broadcast %parallel_loop3A_301 : i32 to vector<16xi32>
            %parallel_loop3A_303 = arith.addi %parallel_loop3A_302, %iota3A : vector<16xi32>
            %parallel_loop3A_304 = vector.broadcast %parallel_loop3A_300 : i32 to vector<16xi32>
            %parallel_loop3A_305 = arith.addi %parallel_loop3A_304, %parallel_loop3A_303 : vector<16xi32>
            %parallel_loop3A_306 = tpu.vector_load_idx %arg5[%parallel_loop3A_305] : memref<18432xf32, #tpu.memory_space<vmem>>[vector<16xi32>], vector<16xf32>,
            %parallel_loop3A_307 = arith.index_cast %parallel_loop3A_281 : i32 to index
            %parallel_loop3A_308 = arith.constant 0 : index
            %parallel_loop3A_309 = tpu.vector_load %arg7[%parallel_loop3A_307, %parallel_loop3A_308] {strides = array<i32>} : memref<128x128xf32, #tpu.memory_space<vmem>>, vector<16xf32>,
            tpu.vector_store %arg7[%parallel_loop3A_307, %parallel_loop3A_308], %parallel_loop3A_306 {strides = array<i32>} : memref<128x128xf32, #tpu.memory_space<vmem>>, vector<16xf32>,
            %parallel_loop3A_310 = arith.constant 129 : i32
            %parallel_loop3A_311 = vector.broadcast %parallel_loop3A_310 : i32 to vector<16xi32>
            %parallel_loop3A_312 = arith.muli %parallel_loop3A_303, %parallel_loop3A_311 : vector<16xi32>
            %parallel_loop3A_313 = arith.addi %parallel_loop3A_312, %parallel_loop3A_297 : vector<16xi32>
            tpu.vector_store_idx %arg10[%parallel_loop3A_313], %parallel_loop3A_306 : memref<16512xf32, #tpu.memory_space<vmem>>[vector<16xi32>], vector<16xf32>,
            %parallel_loop3A_314 = arith.constant 16 : i32
            %parallel_loop3A_315 = vector.broadcast %parallel_loop3A_314 : i32 to vector<16xi32>
            %parallel_loop3A_316 = arith.addi %parallel_loop3A_315, %iota3A : vector<16xi32>
            %parallel_loop3A_317 = vector.broadcast %parallel_loop3A_300 : i32 to vector<16xi32>
            %parallel_loop3A_318 = arith.addi %parallel_loop3A_317, %parallel_loop3A_316 : vector<16xi32>
            %parallel_loop3A_319 = tpu.vector_load_idx %arg5[%parallel_loop3A_318] : memref<18432xf32, #tpu.memory_space<vmem>>[vector<16xi32>], vector<16xf32>,
            %parallel_loop3A_320 = arith.index_cast %parallel_loop3A_281 : i32 to index
            %parallel_loop3A_321 = arith.constant 16 : index
            %parallel_loop3A_322 = tpu.vector_load %arg7[%parallel_loop3A_320, %parallel_loop3A_321] {strides = array<i32>} : memref<128x128xf32, #tpu.memory_space<vmem>>, vector<16xf32>,
            tpu.vector_store %arg7[%parallel_loop3A_320, %parallel_loop3A_321], %parallel_loop3A_319 {strides = array<i32>} : memref<128x128xf32, #tpu.memory_space<vmem>>, vector<16xf32>,
            %parallel_loop3A_323 = arith.constant 129 : i32
            %parallel_loop3A_324 = vector.broadcast %parallel_loop3A_323 : i32 to vector<16xi32>
            %parallel_loop3A_325 = arith.muli %parallel_loop3A_316, %parallel_loop3A_324 : vector<16xi32>
            %parallel_loop3A_326 = arith.addi %parallel_loop3A_325, %parallel_loop3A_297 : vector<16xi32>
            tpu.vector_store_idx %arg10[%parallel_loop3A_326], %parallel_loop3A_319 : memref<16512xf32, #tpu.memory_space<vmem>>[vector<16xi32>], vector<16xf32>,
            %parallel_loop3A_327 = arith.constant 32 : i32
            %parallel_loop3A_328 = vector.broadcast %parallel_loop3A_327 : i32 to vector<16xi32>
            %parallel_loop3A_329 = arith.addi %parallel_loop3A_328, %iota3A : vector<16xi32>
            %parallel_loop3A_330 = vector.broadcast %parallel_loop3A_300 : i32 to vector<16xi32>
            %parallel_loop3A_331 = arith.addi %parallel_loop3A_330, %parallel_loop3A_329 : vector<16xi32>
            %parallel_loop3A_332 = tpu.vector_load_idx %arg5[%parallel_loop3A_331] : memref<18432xf32, #tpu.memory_space<vmem>>[vector<16xi32>], vector<16xf32>,
            %parallel_loop3A_333 = arith.index_cast %parallel_loop3A_281 : i32 to index
            %parallel_loop3A_334 = arith.constant 32 : index
            %parallel_loop3A_335 = tpu.vector_load %arg7[%parallel_loop3A_333, %parallel_loop3A_334] {strides = array<i32>} : memref<128x128xf32, #tpu.memory_space<vmem>>, vector<16xf32>,
            tpu.vector_store %arg7[%parallel_loop3A_333, %parallel_loop3A_334], %parallel_loop3A_332 {strides = array<i32>} : memref<128x128xf32, #tpu.memory_space<vmem>>, vector<16xf32>,
            %parallel_loop3A_336 = arith.constant 129 : i32
            %parallel_loop3A_337 = vector.broadcast %parallel_loop3A_336 : i32 to vector<16xi32>
            %parallel_loop3A_338 = arith.muli %parallel_loop3A_329, %parallel_loop3A_337 : vector<16xi32>
            %parallel_loop3A_339 = arith.addi %parallel_loop3A_338, %parallel_loop3A_297 : vector<16xi32>
            tpu.vector_store_idx %arg10[%parallel_loop3A_339], %parallel_loop3A_332 : memref<16512xf32, #tpu.memory_space<vmem>>[vector<16xi32>], vector<16xf32>,
            %parallel_loop3A_340 = arith.constant 48 : i32
            %parallel_loop3A_341 = vector.broadcast %parallel_loop3A_340 : i32 to vector<16xi32>
            %parallel_loop3A_342 = arith.addi %parallel_loop3A_341, %iota3A : vector<16xi32>
            %parallel_loop3A_343 = vector.broadcast %parallel_loop3A_300 : i32 to vector<16xi32>
            %parallel_loop3A_344 = arith.addi %parallel_loop3A_343, %parallel_loop3A_342 : vector<16xi32>
            %parallel_loop3A_345 = tpu.vector_load_idx %arg5[%parallel_loop3A_344] : memref<18432xf32, #tpu.memory_space<vmem>>[vector<16xi32>], vector<16xf32>,
            %parallel_loop3A_346 = arith.index_cast %parallel_loop3A_281 : i32 to index
            %parallel_loop3A_347 = arith.constant 48 : index
            %parallel_loop3A_348 = tpu.vector_load %arg7[%parallel_loop3A_346, %parallel_loop3A_347] {strides = array<i32>} : memref<128x128xf32, #tpu.memory_space<vmem>>, vector<16xf32>,
            tpu.vector_store %arg7[%parallel_loop3A_346, %parallel_loop3A_347], %parallel_loop3A_345 {strides = array<i32>} : memref<128x128xf32, #tpu.memory_space<vmem>>, vector<16xf32>,
            %parallel_loop3A_349 = arith.constant 129 : i32
            %parallel_loop3A_350 = vector.broadcast %parallel_loop3A_349 : i32 to vector<16xi32>
            %parallel_loop3A_351 = arith.muli %parallel_loop3A_342, %parallel_loop3A_350 : vector<16xi32>
            %parallel_loop3A_352 = arith.addi %parallel_loop3A_351, %parallel_loop3A_297 : vector<16xi32>
            tpu.vector_store_idx %arg10[%parallel_loop3A_352], %parallel_loop3A_345 : memref<16512xf32, #tpu.memory_space<vmem>>[vector<16xi32>], vector<16xf32>,
            %parallel_loop3A_353 = arith.constant 64 : i32
            %parallel_loop3A_354 = vector.broadcast %parallel_loop3A_353 : i32 to vector<16xi32>
            %parallel_loop3A_355 = arith.addi %parallel_loop3A_354, %iota3A : vector<16xi32>
            %parallel_loop3A_356 = vector.broadcast %parallel_loop3A_300 : i32 to vector<16xi32>
            %parallel_loop3A_357 = arith.addi %parallel_loop3A_356, %parallel_loop3A_355 : vector<16xi32>
            %parallel_loop3A_358 = tpu.vector_load_idx %arg5[%parallel_loop3A_357] : memref<18432xf32, #tpu.memory_space<vmem>>[vector<16xi32>], vector<16xf32>,
            %parallel_loop3A_359 = arith.index_cast %parallel_loop3A_281 : i32 to index
            %parallel_loop3A_360 = arith.constant 64 : index
            %parallel_loop3A_361 = tpu.vector_load %arg7[%parallel_loop3A_359, %parallel_loop3A_360] {strides = array<i32>} : memref<128x128xf32, #tpu.memory_space<vmem>>, vector<16xf32>,
            tpu.vector_store %arg7[%parallel_loop3A_359, %parallel_loop3A_360], %parallel_loop3A_358 {strides = array<i32>} : memref<128x128xf32, #tpu.memory_space<vmem>>, vector<16xf32>,
            %parallel_loop3A_362 = arith.constant 129 : i32
            %parallel_loop3A_363 = vector.broadcast %parallel_loop3A_362 : i32 to vector<16xi32>
            %parallel_loop3A_364 = arith.muli %parallel_loop3A_355, %parallel_loop3A_363 : vector<16xi32>
            %parallel_loop3A_365 = arith.addi %parallel_loop3A_364, %parallel_loop3A_297 : vector<16xi32>
            tpu.vector_store_idx %arg10[%parallel_loop3A_365], %parallel_loop3A_358 : memref<16512xf32, #tpu.memory_space<vmem>>[vector<16xi32>], vector<16xf32>,
            %parallel_loop3A_366 = arith.constant 80 : i32
            %parallel_loop3A_367 = vector.broadcast %parallel_loop3A_366 : i32 to vector<16xi32>
            %parallel_loop3A_368 = arith.addi %parallel_loop3A_367, %iota3A : vector<16xi32>
            %parallel_loop3A_369 = vector.broadcast %parallel_loop3A_300 : i32 to vector<16xi32>
            %parallel_loop3A_370 = arith.addi %parallel_loop3A_369, %parallel_loop3A_368 : vector<16xi32>
            %parallel_loop3A_371 = tpu.vector_load_idx %arg5[%parallel_loop3A_370] : memref<18432xf32, #tpu.memory_space<vmem>>[vector<16xi32>], vector<16xf32>,
            %parallel_loop3A_372 = arith.index_cast %parallel_loop3A_281 : i32 to index
            %parallel_loop3A_373 = arith.constant 80 : index
            %parallel_loop3A_374 = tpu.vector_load %arg7[%parallel_loop3A_372, %parallel_loop3A_373] {strides = array<i32>} : memref<128x128xf32, #tpu.memory_space<vmem>>, vector<16xf32>,
            tpu.vector_store %arg7[%parallel_loop3A_372, %parallel_loop3A_373], %parallel_loop3A_371 {strides = array<i32>} : memref<128x128xf32, #tpu.memory_space<vmem>>, vector<16xf32>,
            %parallel_loop3A_375 = arith.constant 129 : i32
            %parallel_loop3A_376 = vector.broadcast %parallel_loop3A_375 : i32 to vector<16xi32>
            %parallel_loop3A_377 = arith.muli %parallel_loop3A_368, %parallel_loop3A_376 : vector<16xi32>
            %parallel_loop3A_378 = arith.addi %parallel_loop3A_377, %parallel_loop3A_297 : vector<16xi32>
            tpu.vector_store_idx %arg10[%parallel_loop3A_378], %parallel_loop3A_371 : memref<16512xf32, #tpu.memory_space<vmem>>[vector<16xi32>], vector<16xf32>,
            %parallel_loop3A_379 = arith.constant 96 : i32
            %parallel_loop3A_380 = vector.broadcast %parallel_loop3A_379 : i32 to vector<16xi32>
            %parallel_loop3A_381 = arith.addi %parallel_loop3A_380, %iota3A : vector<16xi32>
            %parallel_loop3A_382 = vector.broadcast %parallel_loop3A_300 : i32 to vector<16xi32>
            %parallel_loop3A_383 = arith.addi %parallel_loop3A_382, %parallel_loop3A_381 : vector<16xi32>
            %parallel_loop3A_384 = tpu.vector_load_idx %arg5[%parallel_loop3A_383] : memref<18432xf32, #tpu.memory_space<vmem>>[vector<16xi32>], vector<16xf32>,
            %parallel_loop3A_385 = arith.index_cast %parallel_loop3A_281 : i32 to index
            %parallel_loop3A_386 = arith.constant 96 : index
            %parallel_loop3A_387 = tpu.vector_load %arg7[%parallel_loop3A_385, %parallel_loop3A_386] {strides = array<i32>} : memref<128x128xf32, #tpu.memory_space<vmem>>, vector<16xf32>,
            tpu.vector_store %arg7[%parallel_loop3A_385, %parallel_loop3A_386], %parallel_loop3A_384 {strides = array<i32>} : memref<128x128xf32, #tpu.memory_space<vmem>>, vector<16xf32>,
            %parallel_loop3A_388 = arith.constant 129 : i32
            %parallel_loop3A_389 = vector.broadcast %parallel_loop3A_388 : i32 to vector<16xi32>
            %parallel_loop3A_390 = arith.muli %parallel_loop3A_381, %parallel_loop3A_389 : vector<16xi32>
            %parallel_loop3A_391 = arith.addi %parallel_loop3A_390, %parallel_loop3A_297 : vector<16xi32>
            tpu.vector_store_idx %arg10[%parallel_loop3A_391], %parallel_loop3A_384 : memref<16512xf32, #tpu.memory_space<vmem>>[vector<16xi32>], vector<16xf32>,
            %parallel_loop3A_392 = arith.constant 112 : i32
            %parallel_loop3A_393 = vector.broadcast %parallel_loop3A_392 : i32 to vector<16xi32>
            %parallel_loop3A_394 = arith.addi %parallel_loop3A_393, %iota3A : vector<16xi32>
            %parallel_loop3A_395 = vector.broadcast %parallel_loop3A_300 : i32 to vector<16xi32>
            %parallel_loop3A_396 = arith.addi %parallel_loop3A_395, %parallel_loop3A_394 : vector<16xi32>
            %parallel_loop3A_397 = tpu.vector_load_idx %arg5[%parallel_loop3A_396] : memref<18432xf32, #tpu.memory_space<vmem>>[vector<16xi32>], vector<16xf32>,
            %parallel_loop3A_398 = arith.index_cast %parallel_loop3A_281 : i32 to index
            %parallel_loop3A_399 = arith.constant 112 : index
            %parallel_loop3A_400 = tpu.vector_load %arg7[%parallel_loop3A_398, %parallel_loop3A_399] {strides = array<i32>} : memref<128x128xf32, #tpu.memory_space<vmem>>, vector<16xf32>,
            tpu.vector_store %arg7[%parallel_loop3A_398, %parallel_loop3A_399], %parallel_loop3A_397 {strides = array<i32>} : memref<128x128xf32, #tpu.memory_space<vmem>>, vector<16xf32>,
            %parallel_loop3A_401 = arith.constant 129 : i32
            %parallel_loop3A_402 = vector.broadcast %parallel_loop3A_401 : i32 to vector<16xi32>
            %parallel_loop3A_403 = arith.muli %parallel_loop3A_394, %parallel_loop3A_402 : vector<16xi32>
            %parallel_loop3A_404 = arith.addi %parallel_loop3A_403, %parallel_loop3A_297 : vector<16xi32>
            tpu.vector_store_idx %arg10[%parallel_loop3A_404], %parallel_loop3A_397 : memref<16512xf32, #tpu.memory_space<vmem>>[vector<16xi32>], vector<16xf32>,
          } {sc.loop_unroll_factor = 2 : i64, sc.parallel_access}
          %eq3A = arith.cmpi eq, %select_n3A_212, %select_n3A_214 : i32
          %convert_element_type3A_267 = arith.extui %eq3A : i1 to i32
          %cond3A_268 = arith.constant 0 : i32
          %cond3A_269 = arith.cmpi ne, %convert_element_type3A_267, %cond3A_268 : i32
          scf.if %cond3A_269 {
            %parallel_loop3A_281 = arith.constant 0 : i32
            %parallel_loop3A_282 = arith.constant 128 : i32
            %parallel_loop3A_283 = arith.constant 1 : i32
            scf.for %parallel_loop3A_284 = %parallel_loop3A_281 to %parallel_loop3A_282 step %parallel_loop3A_283  : i32 {
              %parallel_loop3A_285 = arith.constant 0 : i32
              %parallel_loop3A_286 = vector.broadcast %parallel_loop3A_285 : i32 to vector<16xi32>
              %parallel_loop3A_287 = arith.addi %parallel_loop3A_286, %iota3A : vector<16xi32>
              %parallel_loop3A_288 = arith.index_cast %parallel_loop3A_284 : i32 to index
              %parallel_loop3A_289 = arith.constant 0 : index
              %parallel_loop3A_290 = tpu.vector_load %arg7[%parallel_loop3A_288, %parallel_loop3A_289] {strides = array<i32>} : memref<128x128xf32, #tpu.memory_space<vmem>>, vector<16xf32>,
              %parallel_loop3A_291 = arith.constant 129 : i32
              %parallel_loop3A_292 = arith.muli %parallel_loop3A_284, %parallel_loop3A_291 : i32
              %parallel_loop3A_293 = vector.broadcast %parallel_loop3A_292 : i32 to vector<16xi32>
              %parallel_loop3A_294 = arith.addi %parallel_loop3A_293, %parallel_loop3A_287 : vector<16xi32>
              %parallel_loop3A_295 = tpu.vector_load_idx %arg10[%parallel_loop3A_294] : memref<16512xf32, #tpu.memory_space<vmem>>[vector<16xi32>], vector<16xf32>,
              %parallel_loop3A_296 = vector.broadcast %parallel_loop3A_284 : i32 to vector<16xi32>
              %parallel_loop3A_297 = arith.cmpi sge, %parallel_loop3A_287, %parallel_loop3A_296 : vector<16xi32>
              %parallel_loop3A_298 = arith.select %parallel_loop3A_297, %parallel_loop3A_290, %parallel_loop3A_295 : vector<16xi1>, vector<16xf32>
              %parallel_loop3A_299 = arith.index_cast %parallel_loop3A_284 : i32 to index
              %parallel_loop3A_300 = arith.constant 0 : index
              %parallel_loop3A_301 = tpu.vector_load %arg7[%parallel_loop3A_299, %parallel_loop3A_300] {strides = array<i32>} : memref<128x128xf32, #tpu.memory_space<vmem>>, vector<16xf32>,
              tpu.vector_store %arg7[%parallel_loop3A_299, %parallel_loop3A_300], %parallel_loop3A_298 {strides = array<i32>} : memref<128x128xf32, #tpu.memory_space<vmem>>, vector<16xf32>,
              %parallel_loop3A_302 = arith.constant 16 : i32
              %parallel_loop3A_303 = vector.broadcast %parallel_loop3A_302 : i32 to vector<16xi32>
              %parallel_loop3A_304 = arith.addi %parallel_loop3A_303, %iota3A : vector<16xi32>
              %parallel_loop3A_305 = arith.index_cast %parallel_loop3A_284 : i32 to index
              %parallel_loop3A_306 = arith.constant 16 : index
              %parallel_loop3A_307 = tpu.vector_load %arg7[%parallel_loop3A_305, %parallel_loop3A_306] {strides = array<i32>} : memref<128x128xf32, #tpu.memory_space<vmem>>, vector<16xf32>,
              %parallel_loop3A_308 = arith.constant 129 : i32
              %parallel_loop3A_309 = arith.muli %parallel_loop3A_284, %parallel_loop3A_308 : i32
              %parallel_loop3A_310 = vector.broadcast %parallel_loop3A_309 : i32 to vector<16xi32>
              %parallel_loop3A_311 = arith.addi %parallel_loop3A_310, %parallel_loop3A_304 : vector<16xi32>
              %parallel_loop3A_312 = tpu.vector_load_idx %arg10[%parallel_loop3A_311] : memref<16512xf32, #tpu.memory_space<vmem>>[vector<16xi32>], vector<16xf32>,
              %parallel_loop3A_313 = vector.broadcast %parallel_loop3A_284 : i32 to vector<16xi32>
              %parallel_loop3A_314 = arith.cmpi sge, %parallel_loop3A_304, %parallel_loop3A_313 : vector<16xi32>
              %parallel_loop3A_315 = arith.select %parallel_loop3A_314, %parallel_loop3A_307, %parallel_loop3A_312 : vector<16xi1>, vector<16xf32>
              %parallel_loop3A_316 = arith.index_cast %parallel_loop3A_284 : i32 to index
              %parallel_loop3A_317 = arith.constant 16 : index
              %parallel_loop3A_318 = tpu.vector_load %arg7[%parallel_loop3A_316, %parallel_loop3A_317] {strides = array<i32>} : memref<128x128xf32, #tpu.memory_space<vmem>>, vector<16xf32>,
              tpu.vector_store %arg7[%parallel_loop3A_316, %parallel_loop3A_317], %parallel_loop3A_315 {strides = array<i32>} : memref<128x128xf32, #tpu.memory_space<vmem>>, vector<16xf32>,
              %parallel_loop3A_319 = arith.constant 32 : i32
              %parallel_loop3A_320 = vector.broadcast %parallel_loop3A_319 : i32 to vector<16xi32>
              %parallel_loop3A_321 = arith.addi %parallel_loop3A_320, %iota3A : vector<16xi32>
              %parallel_loop3A_322 = arith.index_cast %parallel_loop3A_284 : i32 to index
              %parallel_loop3A_323 = arith.constant 32 : index
              %parallel_loop3A_324 = tpu.vector_load %arg7[%parallel_loop3A_322, %parallel_loop3A_323] {strides = array<i32>} : memref<128x128xf32, #tpu.memory_space<vmem>>, vector<16xf32>,
              %parallel_loop3A_325 = arith.constant 129 : i32
              %parallel_loop3A_326 = arith.muli %parallel_loop3A_284, %parallel_loop3A_325 : i32
              %parallel_loop3A_327 = vector.broadcast %parallel_loop3A_326 : i32 to vector<16xi32>
              %parallel_loop3A_328 = arith.addi %parallel_loop3A_327, %parallel_loop3A_321 : vector<16xi32>
              %parallel_loop3A_329 = tpu.vector_load_idx %arg10[%parallel_loop3A_328] : memref<16512xf32, #tpu.memory_space<vmem>>[vector<16xi32>], vector<16xf32>,
              %parallel_loop3A_330 = vector.broadcast %parallel_loop3A_284 : i32 to vector<16xi32>
              %parallel_loop3A_331 = arith.cmpi sge, %parallel_loop3A_321, %parallel_loop3A_330 : vector<16xi32>
              %parallel_loop3A_332 = arith.select %parallel_loop3A_331, %parallel_loop3A_324, %parallel_loop3A_329 : vector<16xi1>, vector<16xf32>
              %parallel_loop3A_333 = arith.index_cast %parallel_loop3A_284 : i32 to index
              %parallel_loop3A_334 = arith.constant 32 : index
              %parallel_loop3A_335 = tpu.vector_load %arg7[%parallel_loop3A_333, %parallel_loop3A_334] {strides = array<i32>} : memref<128x128xf32, #tpu.memory_space<vmem>>, vector<16xf32>,
              tpu.vector_store %arg7[%parallel_loop3A_333, %parallel_loop3A_334], %parallel_loop3A_332 {strides = array<i32>} : memref<128x128xf32, #tpu.memory_space<vmem>>, vector<16xf32>,
              %parallel_loop3A_336 = arith.constant 48 : i32
              %parallel_loop3A_337 = vector.broadcast %parallel_loop3A_336 : i32 to vector<16xi32>
              %parallel_loop3A_338 = arith.addi %parallel_loop3A_337, %iota3A : vector<16xi32>
              %parallel_loop3A_339 = arith.index_cast %parallel_loop3A_284 : i32 to index
              %parallel_loop3A_340 = arith.constant 48 : index
              %parallel_loop3A_341 = tpu.vector_load %arg7[%parallel_loop3A_339, %parallel_loop3A_340] {strides = array<i32>} : memref<128x128xf32, #tpu.memory_space<vmem>>, vector<16xf32>,
              %parallel_loop3A_342 = arith.constant 129 : i32
              %parallel_loop3A_343 = arith.muli %parallel_loop3A_284, %parallel_loop3A_342 : i32
              %parallel_loop3A_344 = vector.broadcast %parallel_loop3A_343 : i32 to vector<16xi32>
              %parallel_loop3A_345 = arith.addi %parallel_loop3A_344, %parallel_loop3A_338 : vector<16xi32>
              %parallel_loop3A_346 = tpu.vector_load_idx %arg10[%parallel_loop3A_345] : memref<16512xf32, #tpu.memory_space<vmem>>[vector<16xi32>], vector<16xf32>,
              %parallel_loop3A_347 = vector.broadcast %parallel_loop3A_284 : i32 to vector<16xi32>
              %parallel_loop3A_348 = arith.cmpi sge, %parallel_loop3A_338, %parallel_loop3A_347 : vector<16xi32>
              %parallel_loop3A_349 = arith.select %parallel_loop3A_348, %parallel_loop3A_341, %parallel_loop3A_346 : vector<16xi1>, vector<16xf32>
              %parallel_loop3A_350 = arith.index_cast %parallel_loop3A_284 : i32 to index
              %parallel_loop3A_351 = arith.constant 48 : index
              %parallel_loop3A_352 = tpu.vector_load %arg7[%parallel_loop3A_350, %parallel_loop3A_351] {strides = array<i32>} : memref<128x128xf32, #tpu.memory_space<vmem>>, vector<16xf32>,
              tpu.vector_store %arg7[%parallel_loop3A_350, %parallel_loop3A_351], %parallel_loop3A_349 {strides = array<i32>} : memref<128x128xf32, #tpu.memory_space<vmem>>, vector<16xf32>,
              %parallel_loop3A_353 = arith.constant 64 : i32
              %parallel_loop3A_354 = vector.broadcast %parallel_loop3A_353 : i32 to vector<16xi32>
              %parallel_loop3A_355 = arith.addi %parallel_loop3A_354, %iota3A : vector<16xi32>
              %parallel_loop3A_356 = arith.index_cast %parallel_loop3A_284 : i32 to index
              %parallel_loop3A_357 = arith.constant 64 : index
              %parallel_loop3A_358 = tpu.vector_load %arg7[%parallel_loop3A_356, %parallel_loop3A_357] {strides = array<i32>} : memref<128x128xf32, #tpu.memory_space<vmem>>, vector<16xf32>,
              %parallel_loop3A_359 = arith.constant 129 : i32
              %parallel_loop3A_360 = arith.muli %parallel_loop3A_284, %parallel_loop3A_359 : i32
              %parallel_loop3A_361 = vector.broadcast %parallel_loop3A_360 : i32 to vector<16xi32>
              %parallel_loop3A_362 = arith.addi %parallel_loop3A_361, %parallel_loop3A_355 : vector<16xi32>
              %parallel_loop3A_363 = tpu.vector_load_idx %arg10[%parallel_loop3A_362] : memref<16512xf32, #tpu.memory_space<vmem>>[vector<16xi32>], vector<16xf32>,
              %parallel_loop3A_364 = vector.broadcast %parallel_loop3A_284 : i32 to vector<16xi32>
              %parallel_loop3A_365 = arith.cmpi sge, %parallel_loop3A_355, %parallel_loop3A_364 : vector<16xi32>
              %parallel_loop3A_366 = arith.select %parallel_loop3A_365, %parallel_loop3A_358, %parallel_loop3A_363 : vector<16xi1>, vector<16xf32>
              %parallel_loop3A_367 = arith.index_cast %parallel_loop3A_284 : i32 to index
              %parallel_loop3A_368 = arith.constant 64 : index
              %parallel_loop3A_369 = tpu.vector_load %arg7[%parallel_loop3A_367, %parallel_loop3A_368] {strides = array<i32>} : memref<128x128xf32, #tpu.memory_space<vmem>>, vector<16xf32>,
              tpu.vector_store %arg7[%parallel_loop3A_367, %parallel_loop3A_368], %parallel_loop3A_366 {strides = array<i32>} : memref<128x128xf32, #tpu.memory_space<vmem>>, vector<16xf32>,
              %parallel_loop3A_370 = arith.constant 80 : i32
              %parallel_loop3A_371 = vector.broadcast %parallel_loop3A_370 : i32 to vector<16xi32>
              %parallel_loop3A_372 = arith.addi %parallel_loop3A_371, %iota3A : vector<16xi32>
              %parallel_loop3A_373 = arith.index_cast %parallel_loop3A_284 : i32 to index
              %parallel_loop3A_374 = arith.constant 80 : index
              %parallel_loop3A_375 = tpu.vector_load %arg7[%parallel_loop3A_373, %parallel_loop3A_374] {strides = array<i32>} : memref<128x128xf32, #tpu.memory_space<vmem>>, vector<16xf32>,
              %parallel_loop3A_376 = arith.constant 129 : i32
              %parallel_loop3A_377 = arith.muli %parallel_loop3A_284, %parallel_loop3A_376 : i32
              %parallel_loop3A_378 = vector.broadcast %parallel_loop3A_377 : i32 to vector<16xi32>
              %parallel_loop3A_379 = arith.addi %parallel_loop3A_378, %parallel_loop3A_372 : vector<16xi32>
              %parallel_loop3A_380 = tpu.vector_load_idx %arg10[%parallel_loop3A_379] : memref<16512xf32, #tpu.memory_space<vmem>>[vector<16xi32>], vector<16xf32>,
              %parallel_loop3A_381 = vector.broadcast %parallel_loop3A_284 : i32 to vector<16xi32>
              %parallel_loop3A_382 = arith.cmpi sge, %parallel_loop3A_372, %parallel_loop3A_381 : vector<16xi32>
              %parallel_loop3A_383 = arith.select %parallel_loop3A_382, %parallel_loop3A_375, %parallel_loop3A_380 : vector<16xi1>, vector<16xf32>
              %parallel_loop3A_384 = arith.index_cast %parallel_loop3A_284 : i32 to index
              %parallel_loop3A_385 = arith.constant 80 : index
              %parallel_loop3A_386 = tpu.vector_load %arg7[%parallel_loop3A_384, %parallel_loop3A_385] {strides = array<i32>} : memref<128x128xf32, #tpu.memory_space<vmem>>, vector<16xf32>,
              tpu.vector_store %arg7[%parallel_loop3A_384, %parallel_loop3A_385], %parallel_loop3A_383 {strides = array<i32>} : memref<128x128xf32, #tpu.memory_space<vmem>>, vector<16xf32>,
              %parallel_loop3A_387 = arith.constant 96 : i32
              %parallel_loop3A_388 = vector.broadcast %parallel_loop3A_387 : i32 to vector<16xi32>
              %parallel_loop3A_389 = arith.addi %parallel_loop3A_388, %iota3A : vector<16xi32>
              %parallel_loop3A_390 = arith.index_cast %parallel_loop3A_284 : i32 to index
              %parallel_loop3A_391 = arith.constant 96 : index
              %parallel_loop3A_392 = tpu.vector_load %arg7[%parallel_loop3A_390, %parallel_loop3A_391] {strides = array<i32>} : memref<128x128xf32, #tpu.memory_space<vmem>>, vector<16xf32>,
              %parallel_loop3A_393 = arith.constant 129 : i32
              %parallel_loop3A_394 = arith.muli %parallel_loop3A_284, %parallel_loop3A_393 : i32
              %parallel_loop3A_395 = vector.broadcast %parallel_loop3A_394 : i32 to vector<16xi32>
              %parallel_loop3A_396 = arith.addi %parallel_loop3A_395, %parallel_loop3A_389 : vector<16xi32>
              %parallel_loop3A_397 = tpu.vector_load_idx %arg10[%parallel_loop3A_396] : memref<16512xf32, #tpu.memory_space<vmem>>[vector<16xi32>], vector<16xf32>,
              %parallel_loop3A_398 = vector.broadcast %parallel_loop3A_284 : i32 to vector<16xi32>
              %parallel_loop3A_399 = arith.cmpi sge, %parallel_loop3A_389, %parallel_loop3A_398 : vector<16xi32>
              %parallel_loop3A_400 = arith.select %parallel_loop3A_399, %parallel_loop3A_392, %parallel_loop3A_397 : vector<16xi1>, vector<16xf32>
              %parallel_loop3A_401 = arith.index_cast %parallel_loop3A_284 : i32 to index
              %parallel_loop3A_402 = arith.constant 96 : index
              %parallel_loop3A_403 = tpu.vector_load %arg7[%parallel_loop3A_401, %parallel_loop3A_402] {strides = array<i32>} : memref<128x128xf32, #tpu.memory_space<vmem>>, vector<16xf32>,
              tpu.vector_store %arg7[%parallel_loop3A_401, %parallel_loop3A_402], %parallel_loop3A_400 {strides = array<i32>} : memref<128x128xf32, #tpu.memory_space<vmem>>, vector<16xf32>,
              %parallel_loop3A_404 = arith.constant 112 : i32
              %parallel_loop3A_405 = vector.broadcast %parallel_loop3A_404 : i32 to vector<16xi32>
              %parallel_loop3A_406 = arith.addi %parallel_loop3A_405, %iota3A : vector<16xi32>
              %parallel_loop3A_407 = arith.index_cast %parallel_loop3A_284 : i32 to index
              %parallel_loop3A_408 = arith.constant 112 : index
              %parallel_loop3A_409 = tpu.vector_load %arg7[%parallel_loop3A_407, %parallel_loop3A_408] {strides = array<i32>} : memref<128x128xf32, #tpu.memory_space<vmem>>, vector<16xf32>,
              %parallel_loop3A_410 = arith.constant 129 : i32
              %parallel_loop3A_411 = arith.muli %parallel_loop3A_284, %parallel_loop3A_410 : i32
              %parallel_loop3A_412 = vector.broadcast %parallel_loop3A_411 : i32 to vector<16xi32>
              %parallel_loop3A_413 = arith.addi %parallel_loop3A_412, %parallel_loop3A_406 : vector<16xi32>
              %parallel_loop3A_414 = tpu.vector_load_idx %arg10[%parallel_loop3A_413] : memref<16512xf32, #tpu.memory_space<vmem>>[vector<16xi32>], vector<16xf32>,
              %parallel_loop3A_415 = vector.broadcast %parallel_loop3A_284 : i32 to vector<16xi32>
              %parallel_loop3A_416 = arith.cmpi sge, %parallel_loop3A_406, %parallel_loop3A_415 : vector<16xi32>
              %parallel_loop3A_417 = arith.select %parallel_loop3A_416, %parallel_loop3A_409, %parallel_loop3A_414 : vector<16xi1>, vector<16xf32>
              %parallel_loop3A_418 = arith.index_cast %parallel_loop3A_284 : i32 to index
              %parallel_loop3A_419 = arith.constant 112 : index
              %parallel_loop3A_420 = tpu.vector_load %arg7[%parallel_loop3A_418, %parallel_loop3A_419] {strides = array<i32>} : memref<128x128xf32, #tpu.memory_space<vmem>>, vector<16xf32>,
              tpu.vector_store %arg7[%parallel_loop3A_418, %parallel_loop3A_419], %parallel_loop3A_417 {strides = array<i32>} : memref<128x128xf32, #tpu.memory_space<vmem>>, vector<16xf32>,
            } {sc.loop_unroll_factor = 2 : i64, sc.parallel_access}
          } else {
          }
          %not3A = arith.constant true
          %not3A_270 = arith.xori %eq3A, %not3A : i1
          %convert_element_type3A_271 = arith.extui %not3A_270 : i1 to i32
          %cond3A_272 = arith.constant 0 : i32
          %cond3A_273 = arith.cmpi ne, %convert_element_type3A_271, %cond3A_272 : i32
          scf.if %cond3A_273 {
            %parallel_loop3A_281 = arith.constant 0 : i32
            %parallel_loop3A_282 = arith.constant 128 : i32
            %parallel_loop3A_283 = arith.constant 1 : i32
            scf.for %parallel_loop3A_284 = %parallel_loop3A_281 to %parallel_loop3A_282 step %parallel_loop3A_283  : i32 {
              %parallel_loop3A_285 = arith.constant 129 : i32
              %parallel_loop3A_286 = arith.muli %parallel_loop3A_284, %parallel_loop3A_285 : i32
              %parallel_loop3A_287 = arith.constant 0 : i32
              %parallel_loop3A_288 = arith.addi %parallel_loop3A_286, %parallel_loop3A_287 : i32
              %parallel_loop3A_289 = vector.broadcast %parallel_loop3A_288 : i32 to vector<16xi32>
              %parallel_loop3A_290 = arith.addi %parallel_loop3A_289, %iota3A : vector<16xi32>
              %parallel_loop3A_291 = tpu.vector_load_idx %arg10[%parallel_loop3A_290] : memref<16512xf32, #tpu.memory_space<vmem>>[vector<16xi32>], vector<16xf32>,
              %parallel_loop3A_292 = arith.index_cast %parallel_loop3A_284 : i32 to index
              %parallel_loop3A_293 = arith.constant 0 : index
              %parallel_loop3A_294 = tpu.vector_load %arg9[%parallel_loop3A_292, %parallel_loop3A_293] {strides = array<i32>} : memref<128x128xf32, #tpu.memory_space<vmem>>, vector<16xf32>,
              tpu.vector_store %arg9[%parallel_loop3A_292, %parallel_loop3A_293], %parallel_loop3A_291 {strides = array<i32>} : memref<128x128xf32, #tpu.memory_space<vmem>>, vector<16xf32>,
              %parallel_loop3A_295 = arith.constant 129 : i32
              %parallel_loop3A_296 = arith.muli %parallel_loop3A_284, %parallel_loop3A_295 : i32
              %parallel_loop3A_297 = arith.constant 16 : i32
              %parallel_loop3A_298 = arith.addi %parallel_loop3A_296, %parallel_loop3A_297 : i32
              %parallel_loop3A_299 = vector.broadcast %parallel_loop3A_298 : i32 to vector<16xi32>
              %parallel_loop3A_300 = arith.addi %parallel_loop3A_299, %iota3A : vector<16xi32>
              %parallel_loop3A_301 = tpu.vector_load_idx %arg10[%parallel_loop3A_300] : memref<16512xf32, #tpu.memory_space<vmem>>[vector<16xi32>], vector<16xf32>,
              %parallel_loop3A_302 = arith.index_cast %parallel_loop3A_284 : i32 to index
              %parallel_loop3A_303 = arith.constant 16 : index
              %parallel_loop3A_304 = tpu.vector_load %arg9[%parallel_loop3A_302, %parallel_loop3A_303] {strides = array<i32>} : memref<128x128xf32, #tpu.memory_space<vmem>>, vector<16xf32>,
              tpu.vector_store %arg9[%parallel_loop3A_302, %parallel_loop3A_303], %parallel_loop3A_301 {strides = array<i32>} : memref<128x128xf32, #tpu.memory_space<vmem>>, vector<16xf32>,
              %parallel_loop3A_305 = arith.constant 129 : i32
              %parallel_loop3A_306 = arith.muli %parallel_loop3A_284, %parallel_loop3A_305 : i32
              %parallel_loop3A_307 = arith.constant 32 : i32
              %parallel_loop3A_308 = arith.addi %parallel_loop3A_306, %parallel_loop3A_307 : i32
              %parallel_loop3A_309 = vector.broadcast %parallel_loop3A_308 : i32 to vector<16xi32>
              %parallel_loop3A_310 = arith.addi %parallel_loop3A_309, %iota3A : vector<16xi32>
              %parallel_loop3A_311 = tpu.vector_load_idx %arg10[%parallel_loop3A_310] : memref<16512xf32, #tpu.memory_space<vmem>>[vector<16xi32>], vector<16xf32>,
              %parallel_loop3A_312 = arith.index_cast %parallel_loop3A_284 : i32 to index
              %parallel_loop3A_313 = arith.constant 32 : index
              %parallel_loop3A_314 = tpu.vector_load %arg9[%parallel_loop3A_312, %parallel_loop3A_313] {strides = array<i32>} : memref<128x128xf32, #tpu.memory_space<vmem>>, vector<16xf32>,
              tpu.vector_store %arg9[%parallel_loop3A_312, %parallel_loop3A_313], %parallel_loop3A_311 {strides = array<i32>} : memref<128x128xf32, #tpu.memory_space<vmem>>, vector<16xf32>,
              %parallel_loop3A_315 = arith.constant 129 : i32
              %parallel_loop3A_316 = arith.muli %parallel_loop3A_284, %parallel_loop3A_315 : i32
              %parallel_loop3A_317 = arith.constant 48 : i32
              %parallel_loop3A_318 = arith.addi %parallel_loop3A_316, %parallel_loop3A_317 : i32
              %parallel_loop3A_319 = vector.broadcast %parallel_loop3A_318 : i32 to vector<16xi32>
              %parallel_loop3A_320 = arith.addi %parallel_loop3A_319, %iota3A : vector<16xi32>
              %parallel_loop3A_321 = tpu.vector_load_idx %arg10[%parallel_loop3A_320] : memref<16512xf32, #tpu.memory_space<vmem>>[vector<16xi32>], vector<16xf32>,
              %parallel_loop3A_322 = arith.index_cast %parallel_loop3A_284 : i32 to index
              %parallel_loop3A_323 = arith.constant 48 : index
              %parallel_loop3A_324 = tpu.vector_load %arg9[%parallel_loop3A_322, %parallel_loop3A_323] {strides = array<i32>} : memref<128x128xf32, #tpu.memory_space<vmem>>, vector<16xf32>,
              tpu.vector_store %arg9[%parallel_loop3A_322, %parallel_loop3A_323], %parallel_loop3A_321 {strides = array<i32>} : memref<128x128xf32, #tpu.memory_space<vmem>>, vector<16xf32>,
              %parallel_loop3A_325 = arith.constant 129 : i32
              %parallel_loop3A_326 = arith.muli %parallel_loop3A_284, %parallel_loop3A_325 : i32
              %parallel_loop3A_327 = arith.constant 64 : i32
              %parallel_loop3A_328 = arith.addi %parallel_loop3A_326, %parallel_loop3A_327 : i32
              %parallel_loop3A_329 = vector.broadcast %parallel_loop3A_328 : i32 to vector<16xi32>
              %parallel_loop3A_330 = arith.addi %parallel_loop3A_329, %iota3A : vector<16xi32>
              %parallel_loop3A_331 = tpu.vector_load_idx %arg10[%parallel_loop3A_330] : memref<16512xf32, #tpu.memory_space<vmem>>[vector<16xi32>], vector<16xf32>,
              %parallel_loop3A_332 = arith.index_cast %parallel_loop3A_284 : i32 to index
              %parallel_loop3A_333 = arith.constant 64 : index
              %parallel_loop3A_334 = tpu.vector_load %arg9[%parallel_loop3A_332, %parallel_loop3A_333] {strides = array<i32>} : memref<128x128xf32, #tpu.memory_space<vmem>>, vector<16xf32>,
              tpu.vector_store %arg9[%parallel_loop3A_332, %parallel_loop3A_333], %parallel_loop3A_331 {strides = array<i32>} : memref<128x128xf32, #tpu.memory_space<vmem>>, vector<16xf32>,
              %parallel_loop3A_335 = arith.constant 129 : i32
              %parallel_loop3A_336 = arith.muli %parallel_loop3A_284, %parallel_loop3A_335 : i32
              %parallel_loop3A_337 = arith.constant 80 : i32
              %parallel_loop3A_338 = arith.addi %parallel_loop3A_336, %parallel_loop3A_337 : i32
              %parallel_loop3A_339 = vector.broadcast %parallel_loop3A_338 : i32 to vector<16xi32>
              %parallel_loop3A_340 = arith.addi %parallel_loop3A_339, %iota3A : vector<16xi32>
              %parallel_loop3A_341 = tpu.vector_load_idx %arg10[%parallel_loop3A_340] : memref<16512xf32, #tpu.memory_space<vmem>>[vector<16xi32>], vector<16xf32>,
              %parallel_loop3A_342 = arith.index_cast %parallel_loop3A_284 : i32 to index
              %parallel_loop3A_343 = arith.constant 80 : index
              %parallel_loop3A_344 = tpu.vector_load %arg9[%parallel_loop3A_342, %parallel_loop3A_343] {strides = array<i32>} : memref<128x128xf32, #tpu.memory_space<vmem>>, vector<16xf32>,
              tpu.vector_store %arg9[%parallel_loop3A_342, %parallel_loop3A_343], %parallel_loop3A_341 {strides = array<i32>} : memref<128x128xf32, #tpu.memory_space<vmem>>, vector<16xf32>,
              %parallel_loop3A_345 = arith.constant 129 : i32
              %parallel_loop3A_346 = arith.muli %parallel_loop3A_284, %parallel_loop3A_345 : i32
              %parallel_loop3A_347 = arith.constant 96 : i32
              %parallel_loop3A_348 = arith.addi %parallel_loop3A_346, %parallel_loop3A_347 : i32
              %parallel_loop3A_349 = vector.broadcast %parallel_loop3A_348 : i32 to vector<16xi32>
              %parallel_loop3A_350 = arith.addi %parallel_loop3A_349, %iota3A : vector<16xi32>
              %parallel_loop3A_351 = tpu.vector_load_idx %arg10[%parallel_loop3A_350] : memref<16512xf32, #tpu.memory_space<vmem>>[vector<16xi32>], vector<16xf32>,
              %parallel_loop3A_352 = arith.index_cast %parallel_loop3A_284 : i32 to index
              %parallel_loop3A_353 = arith.constant 96 : index
              %parallel_loop3A_354 = tpu.vector_load %arg9[%parallel_loop3A_352, %parallel_loop3A_353] {strides = array<i32>} : memref<128x128xf32, #tpu.memory_space<vmem>>, vector<16xf32>,
              tpu.vector_store %arg9[%parallel_loop3A_352, %parallel_loop3A_353], %parallel_loop3A_351 {strides = array<i32>} : memref<128x128xf32, #tpu.memory_space<vmem>>, vector<16xf32>,
              %parallel_loop3A_355 = arith.constant 129 : i32
              %parallel_loop3A_356 = arith.muli %parallel_loop3A_284, %parallel_loop3A_355 : i32
              %parallel_loop3A_357 = arith.constant 112 : i32
              %parallel_loop3A_358 = arith.addi %parallel_loop3A_356, %parallel_loop3A_357 : i32
              %parallel_loop3A_359 = vector.broadcast %parallel_loop3A_358 : i32 to vector<16xi32>
              %parallel_loop3A_360 = arith.addi %parallel_loop3A_359, %iota3A : vector<16xi32>
              %parallel_loop3A_361 = tpu.vector_load_idx %arg10[%parallel_loop3A_360] : memref<16512xf32, #tpu.memory_space<vmem>>[vector<16xi32>], vector<16xf32>,
              %parallel_loop3A_362 = arith.index_cast %parallel_loop3A_284 : i32 to index
              %parallel_loop3A_363 = arith.constant 112 : index
              %parallel_loop3A_364 = tpu.vector_load %arg9[%parallel_loop3A_362, %parallel_loop3A_363] {strides = array<i32>} : memref<128x128xf32, #tpu.memory_space<vmem>>, vector<16xf32>,
              tpu.vector_store %arg9[%parallel_loop3A_362, %parallel_loop3A_363], %parallel_loop3A_361 {strides = array<i32>} : memref<128x128xf32, #tpu.memory_space<vmem>>, vector<16xf32>,
            } {sc.loop_unroll_factor = 2 : i64, sc.parallel_access}
          } else {
          }
          %multiple_of3A = tpu.assume_multiple %mul3A_224, 128 : i32
          %multiple_of3A_274 = tpu.assume_multiple %mul3A_226, 128 : i32
          %dma_start3A = tpu.memref_slice %arg3[%multiple_of3A, %multiple_of3A_274] : memref<4096x4096xf32, #tpu.memory_space<hbm>> -> memref<128x128xf32, #tpu.memory_space<hbm>>
          %dma_start3A_275 = tpu.memref_slice %arg3[%multiple_of3A, %multiple_of3A_274] : memref<4096x4096xf32, #tpu.memory_space<hbm>> -> memref<128x128xf32, #tpu.memory_space<hbm>>
          tpu.enqueue_dma source(%arg7 : memref<128x128xf32, #tpu.memory_space<vmem>>) target(%dma_start3A_275 : memref<128x128xf32, #tpu.memory_space<hbm>>) target_semaphore(%arg14 : memref<!tpu.dma_semaphore, #tpu.memory_space<semaphore_mem>>)
          %not3A_276 = arith.constant true
          %not3A_277 = arith.xori %eq3A, %not3A_276 : i1
          %convert_element_type3A_278 = arith.extui %not3A_277 : i1 to i32
          %cond3A_279 = arith.constant 0 : i32
          %cond3A_280 = arith.cmpi ne, %convert_element_type3A_278, %cond3A_279 : i32
          scf.if %cond3A_280 {
            %dma_start3A_281 = tpu.memref_slice %arg3[%multiple_of3A_274, %multiple_of3A] : memref<4096x4096xf32, #tpu.memory_space<hbm>> -> memref<128x128xf32, #tpu.memory_space<hbm>>
            %dma_start3A_282 = tpu.memref_slice %arg3[%multiple_of3A_274, %multiple_of3A] : memref<4096x4096xf32, #tpu.memory_space<hbm>> -> memref<128x128xf32, #tpu.memory_space<hbm>>
            tpu.enqueue_dma source(%arg9 : memref<128x128xf32, #tpu.memory_space<vmem>>) target(%dma_start3A_282 : memref<128x128xf32, #tpu.memory_space<hbm>>) target_semaphore(%arg14 : memref<!tpu.dma_semaphore, #tpu.memory_space<semaphore_mem>>)
          } else {
          }
        } else {
        }
      } else {
      }
    }
    %scan3A_49 = arith.constant 9 : i32
    %lt3A_50 = arith.constant 17 : i32
    %lt3A_51 = arith.cmpi slt, %add3A, %lt3A_50 : i32
    %sub3A_52 = arith.constant 32 : i32
    %sub3A_53 = arith.subi %add3A, %sub3A_52 : i32
    %add3A_54 = arith.constant 15 : i32
    %add3A_55 = arith.addi %sub3A_53, %add3A_54 : i32
    %select_n3A_56 = arith.select %lt3A_51, %add3A, %add3A_55 : i32
    %add3A_57 = arith.constant 15 : i32
    %add3A_58 = arith.addi %add3A, %add3A_57 : i32
    %select_n3A_59 = arith.select %lt3A_51, %add3A_58, %add3A : i32
    %lt3A_60 = arith.constant 16 : i32
    %lt3A_61 = arith.cmpi slt, %add3A, %lt3A_60 : i32
    %or3A_62 = arith.constant true
    %or3A_63 = arith.ori %or3A_62, %lt3A_61 : i1
    %convert_element_type3A = arith.extui %or3A_63 : i1 to i32
    %cond3A = arith.constant 0 : i32
    %cond3A_64 = arith.cmpi ne, %convert_element_type3A, %cond3A : i32
    scf.if %cond3A_64 {
      %dma_wait3A = arith.constant 0 : i32
      %dma_wait3A_82 = arith.constant 0 : i32
      %dma_wait3A_83 = tpu.memref_slice %arg3[%dma_wait3A, %dma_wait3A_82] : memref<4096x4096xf32, #tpu.memory_space<hbm>> -> memref<128x128xf32, #tpu.memory_space<hbm>>
      %dma_wait3A_84 = arith.constant 0 : i32
      %dma_wait3A_85 = arith.constant 0 : i32
      %dma_wait3A_86 = tpu.memref_slice %arg3[%dma_wait3A_84, %dma_wait3A_85] : memref<4096x4096xf32, #tpu.memory_space<hbm>> -> memref<128x128xf32, #tpu.memory_space<hbm>>
      tpu.wait_dma2 semaphore(%arg14 : memref<!tpu.dma_semaphore, #tpu.memory_space<semaphore_mem>>) src(%dma_wait3A_86 : memref<128x128xf32, #tpu.memory_space<hbm>>) dst(%arg7 : memref<128x128xf32, #tpu.memory_space<vmem>>)
      %ne3A_87 = arith.cmpi ne, %select_n3A_56, %select_n3A_59 : i32
      %convert_element_type3A_88 = arith.extui %ne3A_87 : i1 to i32
      %cond3A_89 = arith.constant 0 : i32
      %cond3A_90 = arith.cmpi ne, %convert_element_type3A_88, %cond3A_89 : i32
      scf.if %cond3A_90 {
        %dma_wait3A_91 = arith.constant 0 : i32
        %dma_wait3A_92 = arith.constant 0 : i32
        %dma_wait3A_93 = tpu.memref_slice %arg3[%dma_wait3A_91, %dma_wait3A_92] : memref<4096x4096xf32, #tpu.memory_space<hbm>> -> memref<128x128xf32, #tpu.memory_space<hbm>>
        %dma_wait3A_94 = arith.constant 0 : i32
        %dma_wait3A_95 = arith.constant 0 : i32
        %dma_wait3A_96 = tpu.memref_slice %arg3[%dma_wait3A_94, %dma_wait3A_95] : memref<4096x4096xf32, #tpu.memory_space<hbm>> -> memref<128x128xf32, #tpu.memory_space<hbm>>
        tpu.wait_dma2 semaphore(%arg14 : memref<!tpu.dma_semaphore, #tpu.memory_space<semaphore_mem>>) src(%dma_wait3A_96 : memref<128x128xf32, #tpu.memory_space<hbm>>) dst(%arg7 : memref<128x128xf32, #tpu.memory_space<vmem>>)
      } else {
      }
    } else {
    }
    %lt3A_65 = arith.constant 16 : i32
    %lt3A_66 = arith.cmpi slt, %add3A, %lt3A_65 : i32
    %sub3A_67 = arith.constant 32 : i32
    %sub3A_68 = arith.subi %add3A, %sub3A_67 : i32
    %add3A_69 = arith.constant 16 : i32
    %add3A_70 = arith.addi %sub3A_68, %add3A_69 : i32
    %select_n3A_71 = arith.select %lt3A_66, %add3A, %add3A_70 : i32
    %add3A_72 = arith.constant 16 : i32
    %add3A_73 = arith.addi %add3A, %add3A_72 : i32
    %select_n3A_74 = arith.select %lt3A_66, %add3A_73, %add3A : i32
    %lt3A_75 = arith.constant 16 : i32
    %lt3A_76 = arith.cmpi slt, %add3A, %lt3A_75 : i32
    %or3A_77 = arith.constant false
    %or3A_78 = arith.ori %or3A_77, %lt3A_76 : i1
    %convert_element_type3A_79 = arith.extui %or3A_78 : i1 to i32
    %cond3A_80 = arith.constant 0 : i32
    %cond3A_81 = arith.cmpi ne, %convert_element_type3A_79, %cond3A_80 : i32
    scf.if %cond3A_81 {
      %dma_wait3A = arith.constant 0 : i32
      %dma_wait3A_82 = arith.constant 0 : i32
      %dma_wait3A_83 = tpu.memref_slice %arg3[%dma_wait3A, %dma_wait3A_82] : memref<4096x4096xf32, #tpu.memory_space<hbm>> -> memref<128x128xf32, #tpu.memory_space<hbm>>
      %dma_wait3A_84 = arith.constant 0 : i32
      %dma_wait3A_85 = arith.constant 0 : i32
      %dma_wait3A_86 = tpu.memref_slice %arg3[%dma_wait3A_84, %dma_wait3A_85] : memref<4096x4096xf32, #tpu.memory_space<hbm>> -> memref<128x128xf32, #tpu.memory_space<hbm>>
      tpu.wait_dma2 semaphore(%arg13 : memref<!tpu.dma_semaphore, #tpu.memory_space<semaphore_mem>>) src(%dma_wait3A_86 : memref<128x128xf32, #tpu.memory_space<hbm>>) dst(%arg6 : memref<128x128xf32, #tpu.memory_space<vmem>>)
      %ne3A_87 = arith.cmpi ne, %select_n3A_71, %select_n3A_74 : i32
      %convert_element_type3A_88 = arith.extui %ne3A_87 : i1 to i32
      %cond3A_89 = arith.constant 0 : i32
      %cond3A_90 = arith.cmpi ne, %convert_element_type3A_88, %cond3A_89 : i32
      scf.if %cond3A_90 {
        %dma_wait3A_91 = arith.constant 0 : i32
        %dma_wait3A_92 = arith.constant 0 : i32
        %dma_wait3A_93 = tpu.memref_slice %arg3[%dma_wait3A_91, %dma_wait3A_92] : memref<4096x4096xf32, #tpu.memory_space<hbm>> -> memref<128x128xf32, #tpu.memory_space<hbm>>
        %dma_wait3A_94 = arith.constant 0 : i32
        %dma_wait3A_95 = arith.constant 0 : i32
        %dma_wait3A_96 = tpu.memref_slice %arg3[%dma_wait3A_94, %dma_wait3A_95] : memref<4096x4096xf32, #tpu.memory_space<hbm>> -> memref<128x128xf32, #tpu.memory_space<hbm>>
        tpu.wait_dma2 semaphore(%arg13 : memref<!tpu.dma_semaphore, #tpu.memory_space<semaphore_mem>>) src(%dma_wait3A_96 : memref<128x128xf32, #tpu.memory_space<hbm>>) dst(%arg6 : memref<128x128xf32, #tpu.memory_space<vmem>>)
      } else {
      }
    } else {
    }
    return
  }
}

</mosaic_0001>

<sc_bundles>
// kernel: kernel.3.cloned.1.call-start
scs
__scs_entry_jumppad:
0x0: {  	(pc) =	sbr.rel $0x88, $3  }
0x1: {  	(tag) =	ssettag $0x0;
	lr =	simm.s32 $0x1  }
0x2: {  	[smem:$0x3FA0] =	sst lr;
	_ =	strace $0xD0000000  }
0x3: {  	_ = 	snop  }
0x4: {  	_ = 	snop  }
0x5: {  	_ = 	snop  }
0x6: {  	_ = 	snop  }
0x7: {  	_ = 	snop  }
__scs_overlays_trampoline_lowered:
0x8: {  	[smem:$0x3FAF] =	sst s0  }
0x9: {  	[smem:$0x3FB0] =	sst s1  }
0xa: {  	[smem:$0x3FB1] =	sst s2  }
0xb: {  	[smem:$0x3FB2] =	sst s3  }
0xc: {  	[smem:$0x3FB3] =	sst s4  }
0xd: {  	[smem:$0x3FB4] =	sst s5  }
0xe: {  	[smem:$0x3FB5] =	sst s6  }
0xf: {  	[smem:$0x3FB6] =	sst s7  }
0x10: {  	[smem:$0x3FB7] =	sst s8  }
0x11: {  	[smem:$0x3FB8] =	sst s9;
	s0 =	simm.s32 @!p0 $0x0  }
0x12: {  	s1 =	sld [smem:$0x3F9E];
	s0 =	simm.s32 @p0 $0x1  }
0x13: {  	[smem:$0x3FB9] =	sst s0;
	s0 =	simm.s32 @!p1 $0x0  }
0x14: {  	s2 =	sld [smem:$0x3F9D];
	s0 =	simm.s32 @p1 $0x1  }
0x15: {  	[smem:$0x3FBA] =	sst s0;
	s0 =	simm.s32 @!p2 $0x0  }
0x16: {  	s3 =	sld [smem:$0x3FDB];
	s0 =	simm.s32 @p2 $0x1  }
0x17: {  	s4 =	simm.s32 $0x1BF5;
	[smem:$0x3FBC] =	sst s0  }
0x18: {  	s0 =	sld [smem:$0x3F9F];
	_ =	swait.ge [sflag:s4], $0x0  }
0x19: {  	s7 =	sld [smem:$0x3FA0]  }
0x1a: {  	s8 =	sadd.s32 $0xFFFFE003, lr  }
0x1b: {  	s9 =	sadd.s32 $0xFFFFFEF7, lr;
	s5 =	simm.s32 $0xFFFFFFFF;
	p2 =	slt.u32 s8, $0xFFFFF086  }
0x1c: {  	p1 =	slt.u32 s9, $0xF7A;
	s5 =	simm.s32 @!p2 $0x0  }
0x1d: {  	s5 =	simm.s32 @p1 $0x1;
	p0 =	seq.s32 s7, s2  }
0x1e: {  	s7 =	smul.u32 @!p0 $0xF7A, s2;
	p2 =	seq.s32 @!p0 s5, $0x0  }
0x1f: {  	s9 =	smul.u32 $0xF7A, s1;
	s8 =	simm.s32 @!p0 $0x1BF5;
	p2 =	por !p2, p0  }
0x20: {  	[sflag:s8] =	ssyncset.s32 @!p0 $0xFFFFF086;
	s6 =	sadd.s32 @!p0 s3, s7;
	s7 =	simm.s32 @!p0 $0x108  }
0x21: {  	s3 =	sadd.s32 s3, s9;
	s6 =	sadd.s32 @!p0 $0x88, s6;
	s7 =	simm.s32 @p2 $0x1082  }
0x22: {  	[simem:s7], [sflag:s8] =	dma.local @!p0 [hbm:s6], $0xF7A  }
0x23: {  	s9 =	sor.u32 $0xD0000000, s2;
	s6 =	simm.s32 $0x108;
	_ =	swait.ge @!p0 [sflag:s8], $0x0  }
0x24: {  	s3 =	sadd.s32 $0x88, s3;
	s6 =	simm.s32 @!p1 $0x1082;
	[sflag:s4] =	ssyncset.s32 $0xFFFFF086  }
0x25: {  	[simem:s6], [sflag:s4] =	dma.local [hbm:s3], $0xF7A  }
0x26: {  	[smem:$0x3FA0] =	sst s1;
	(tag) =	ssettag s2;
	_ =	strace s9  }
0x27: {  	s1 =	sld [smem:$0x3FB0]  }
0x28: {  	s2 =	sld [smem:$0x3FB1]  }
0x29: {  	s4 =	sld [smem:$0x3FB3]  }
0x2a: {  	p0 =	seq.s32 s5, $0x0;
	s5 =	sld [smem:$0x3FB4]  }
0x2b: {  	s6 =	sld [smem:$0x3FB5]  }
0x2c: {  	s7 =	sld [smem:$0x3FB6]  }
0x2d: {  	s3 =	simm.s32 $0x108;
	s8 =	sld [smem:$0x3FB7]  }
0x2e: {  	s3 =	simm.s32 @!p0 $0x1082;
	s9 =	sld [smem:$0x3FB8]  }
0x2f: {  	lr =	sadd.s32 s0, s3;
	s0 =	sld [smem:$0x3FAF]  }
0x30: {  	s3 =	sld [smem:$0x3FB2]  }
0x31: {  	[smem:$0x3FBB] =	sst s10  }
0x32: {  	s10 =	sld [smem:$0x3FB9];
	_ =	sdelay $0x3  }
0x33: {  	p0 =	seq.s32 s10, $0x1;
	s10 =	sld [smem:$0x3FBB];
	_ =	sdelay $0x3  }
0x34: {  	[smem:$0x3FBB] =	sst s10  }
0x35: {  	s10 =	sld [smem:$0x3FBA];
	_ =	sdelay $0x3  }
0x36: {  	p1 =	seq.s32 s10, $0x1;
	s10 =	sld [smem:$0x3FBB];
	_ =	sdelay $0x3  }
0x37: {  	[smem:$0x3FBB] =	sst s10  }
0x38: {  	s10 =	sld [smem:$0x3FBC]  }
0x39: {  	_ = 	snop;
	(pc) =	sbr.ind lr, $3  }
0x3a: {  	_ = 	snop  }
0x3b: {  	_ = 	snop  }
0x3c: {  	p2 =	seq.s32 s10, $0x1;
	s10 =	sld [smem:$0x3FBB]  }
0x3d: {  	_ =	shalt  }
0x3e: {  	_ =	shalt  }
0x3f: {  	_ =	shalt  }
0x40: {  	_ =	shalt  }
0x41: {  	_ =	shalt  }
0x42: {  	_ =	shalt  }
0x43: {  	_ =	shalt  }
0x44: {  	_ =	shalt  }
0x45: {  	_ =	shalt  }
0x46: {  	_ =	shalt  }
0x47: {  	_ =	shalt  }
0x48: {  	_ =	shalt  }
0x49: {  	_ =	shalt  }
0x4a: {  	_ =	shalt  }
0x4b: {  	_ =	shalt  }
0x4c: {  	_ =	shalt  }
0x4d: {  	_ =	shalt  }
0x4e: {  	_ =	shalt  }
0x4f: {  	_ =	shalt  }
0x50: {  	_ =	shalt  }
0x51: {  	_ =	shalt  }
0x52: {  	_ =	shalt  }
0x53: {  	_ =	shalt  }
0x54: {  	_ =	shalt  }
0x55: {  	_ =	shalt  }
0x56: {  	_ =	shalt  }
0x57: {  	_ =	shalt  }
0x58: {  	_ =	shalt  }
0x59: {  	_ =	shalt  }
0x5a: {  	_ =	shalt  }
0x5b: {  	_ =	shalt  }
0x5c: {  	_ =	shalt  }
0x5d: {  	_ =	shalt  }
0x5e: {  	_ =	shalt  }
0x5f: {  	_ =	shalt  }
0x60: {  	_ =	shalt  }
0x61: {  	_ =	shalt  }
0x62: {  	_ =	shalt  }
0x63: {  	_ =	shalt  }
0x64: {  	_ =	shalt  }
0x65: {  	_ =	shalt  }
0x66: {  	_ =	shalt  }
0x67: {  	_ =	shalt  }
0x68: {  	_ =	shalt  }
0x69: {  	_ =	shalt  }
0x6a: {  	_ =	shalt  }
0x6b: {  	_ =	shalt  }
0x6c: {  	_ =	shalt  }
0x6d: {  	_ =	shalt  }
0x6e: {  	_ =	shalt  }
0x6f: {  	_ =	shalt  }
0x70: {  	_ =	shalt  }
0x71: {  	_ =	shalt  }
0x72: {  	_ =	shalt  }
0x73: {  	_ =	shalt  }
0x74: {  	_ =	shalt  }
0x75: {  	_ =	shalt  }
0x76: {  	_ =	shalt  }
0x77: {  	_ =	shalt  }
0x78: {  	_ =	shalt  }
0x79: {  	_ =	shalt  }
0x7a: {  	_ =	shalt  }
0x7b: {  	_ =	shalt  }
0x7c: {  	_ =	shalt  }
0x7d: {  	_ =	shalt  }
0x7e: {  	_ =	shalt  }
0x7f: {  	_ =	shalt  }
0x80: {  	_ =	shalt  }
0x81: {  	_ =	shalt  }
0x82: {  	_ =	shalt  }
0x83: {  	_ =	shalt  }
0x84: {  	_ =	shalt  }
0x85: {  	_ =	shalt  }
0x86: {  	_ =	shalt  }
0x87: {  	_ =	shalt  }
.Lfunc_end0:
.L_simem_size_0:
called_computation_lowered:
.L_overlay_start_0:
0x88: {  	s2 =	sld [smem:$0x3FD9]  }
0x89: {  	s3 =	sld [smem:$0x3FFE];
	_ =	sdelay $0x1  }
0x8a: {  	s1 =	srdreg.scid  }
0x8b: {  	s0 =	sand.u32 $0x1, s1  }
0x8c: {  	s18 =	sshll.u32 s0, $0xA;
	s2 =	sadd.s32 s3, s2  }
0x8d: {  	s2 =	sadd.s32 s2, s18  }
0x8e: {  	[smem:$0x3FC7] =	sst s2  }
0x8f: {  	_ = 	snop  }
0x90: {  	s2 =	sld [smem:$0x3FC9]  }
0x91: {  	s19 =	sld [smem:$0x3FD0];
	(tm) =	ssettm $0x1  }
0x92: {  	s4 =	sld [smem:$0x3FFB];
	_ =	sdelay $0x3  }
0x93: {  	_ =	strace s4  }
0x94: {  	s4 =	sld [smem:$0x3FFC];
	_ =	sdelay $0x3  }
0x95: {  	_ =	strace s4  }
0x96: {  	s4 =	sld [smem:$0x3FFD];
	_ =	sdelay $0x3  }
0x97: {  	_ =	strace s4  }
0x98: {  	_ =	strace $0x8FFFFFFF  }
0x99: {  	s20 =	sld [smem:$0x3FDB];
	_ =	sdelay $0x1  }
0x9a: {  	s5 =	simm.s32 $_scs_section_size  }
0x9b: {  	s6 =	simm.s32 $_size__tile_overlayer_lowered;
	s7 =	simm.s32 $_tile_overlayer_lowered  }
0x9c: {  	s23 =	simm.s32 $0x1BFF;
	s22 =	sshll.u32 s7, $0x1;
	s4 =	sadd.s32 s5, s20  }
0x9d: {  	s8 =	simm.s32 $0x0;
	s21 =	sshll.u32 s6, $0x1;
	s6 =	sadd.s32 s22, s4  }
0x9e: {  	[timem:s8], [sflag:s23] =	dma.local [hbm:s6], s21  }
0x9f: {  	_ =	swait.ge [sflag:s23], s21  }
0xa0: {  	s5 =	ssub.s32 $0x0, s21;
	[sflag:s23] =	ssyncset.done $0x0  }
0xa1: {  	[sflag:s23] =	ssyncadd.s32 s5;
	_ =	sdelay $0x1  }
0xa2: {  	s24 =	simm.s32 $0x1B8B  }
0xa3: {  	_ =	swait.ge [sflag:s24], $0x1  }
0xa4: {  	[sflag:s24] =	ssyncset.done $0x0  }
0xa5: {  	s25 =	simm.s32 $0x1B8E;
	[sflag:s24] =	ssyncadd.s32 $0xFFFFFFFF  }
0xa6: {  	s26 =	simm.s32 $execute0_lowered;
	[smem:$0x3FD2] =	sst s25  }
0xa7: {  	s5 =	sshll.u32 s26, $0x1;
	_ =	strace $0x80000046;
	[dreg:$0x1] =	wrdreg $0xFFFFFFFF  }
0xa8: {  	s28 =	simm.s32 $_size_execute0_lowered;
	s4 =	sadd.s32 s4, s5;
	[dreg:$0x0] =	wrdreg $0x0  }
0xa9: {  	s5 =	sshll.u32 s28, $0x1;
	[dreg:$0x2] =	wrdreg s4  }
0xaa: {  	[dreg:$0x3] =	wrdreg s5  }
0xab: {  	[dreg:$0x4] =	wrdreg $0xC0  }
0xac: {  	_ =	task [dreg:s8], $0x5FFFF  }
0xad: {  	[dreg:$0x1] =	wrdreg $0xFFFFFFFF  }
0xae: {  	[dreg:$0x0] =	wrdreg $0x60  }
0xaf: {  	[dreg:$0x2] =	wrdreg s2  }
0xb0: {  	[dreg:$0x3] =	wrdreg s19  }
0xb1: {  	[dreg:$0x4] =	wrdreg $0x9  }
0xb2: {  	_ =	task.clear_ibuf [dreg:s8], $0x5FFFF;
	_ =	strace $0x90000046  }
0xb3: {  	s29 =	simm.s32 $0x9;
	_ =	strace $0x80000048  }
0xb4: {  	_ =	swait.ge [sflag:s29], $0x1  }
0xb5: {  	[sflag:s29] =	ssyncadd.s32 $0xFFFFFFFF  }
0xb6: {  	_ =	strace $0x90000048  }
0xb7: {  	_ =	sfence  }
0xb8: {  	s30 =	sld [smem:$0x0];
	_ =	sdelay $0x2  }
0xb9: {  	s31 =	sshll.u32 s1, $0xD;
	s1 =	sshrl.u32 s1, $0x2  }
0xba: {  	s3 =	sand.u32 $0x4000, s31;
	s1 =	sadd.s32 s1, s30  }
0xbb: {  	s0 =	sor.u32 s3, s0;
	s1 =	sshll.u32 s1, $0x11  }
0xbc: {  	s0 =	sor.u32 s1, s0  }
0xbd: {  	s0 =	sadd.s32 $0x8F2B, s0  }
0xbe: {  	[sflag:s0] =	ssyncadd.remote.s32 $0x1  }
0xbf: {  	_ =	sfence.sel $0xFFFF  }
0xc0: {  	[dreg:$0x0] =	wrdreg $0xFFFFFFFF;
	(pc) =	sbr.abs _section_cstart, $3  }
0xc1: {  	[dreg:$0x1] =	wrdreg $0xFFFFFFFF  }
0xc2: {  	_ =	task.clear_ibuf [dreg:s8], $0x2FFFF;
	_ =	strace $0x9FFFFFFF  }
0xc3: {  	(tm) =	ssettm $0x7FFFFFFF  }
tec
execute0_lowered:
.L_overlay_start_1:
0x0: {  	(tag) =	ssettag $0x1  }
0x1: {  	s0 =	srdreg.scid;
	s8 =	stileid.u32  }
0x2: {  	s2 =	rddreg [dreg:$0x0];
	s6 =	simm.s32 $0x0;
	s29 =	simm.s32 $0x4800  }
0x3: {  	s9 =	sand.u32 $0x1, s0;
	s14 =	sshll.u32 s8, $0x1;
	[smem:$0x7FF] =	sst s6  }
0x4: {  	s16 =	sshll.u32 s8, $0x14;
	s30 =	sor.u32 s9, s14;
	s1 =	ssub.s32 $0x2, s9  }
0x5: {  	_ =	strace $0x80000047;
	[dreg:$0x5] =	wrdreg s9;
	s24 =	sshll.u32 s9, $0x7  }
0x6: {  	s5 =	sshll.u32 s9, $0x13;
	s0 =	sshll.u32 s30, $0x7;
	[dreg:$0x12] =	wrdreg s24  }
0x7: {  	s4 =	sshrl.u32 s1, $0x1;
	s15 =	ssub.s32 $0x22, s30;
	[dreg:$0x6] =	wrdreg s30  }
0x8: {  	s28 =	sor.u32 $0xFFFFFFE0, s30;
	s10 =	sxor.u32 $0x1F, s30;
	[dreg:$0x8] =	wrdreg s15  }
0x9: {  	s17 =	ssub.s32 $0x20, s30;
	s18 =	ssub.s32 $0x21, s30;
	[dreg:$0x9] =	wrdreg s10  }
0xa: {  	s3 =	sadd.s32 $0xFFFFFFFF, s0;
	s1 =	ssub.s32 s1, s4;
	[dreg:$0xa] =	wrdreg s17  }
0xb: {  	s4 =	sor.u32 s5, s16;
	[dreg:$0xb] =	wrdreg s18;
	s18 =	sshll.u32 s8, $0x8  }
0xc: {  	[dreg:$0x7] =	wrdreg s28;
	s3 =	smul.u32 s0, s3;
	s0 =	sxor.u32 $0xFFF, s0  }
0xd: {  	v0 =	vlaneseq.u32;
	s1 =	smax.u32 s1, $0x1;
	s25 =	sor.u32 $0x108F, s18;
	s26 =	sadd.s32 $0xFFF, s18  }
0xe: {  	v1 =	vmul.u32 $0x81, v0;
	v2 =	vor.u32 $0x10, v0;
	s7 =	smul.u32 $0x3, s0;
	s20 =	sshll.u32 s0, $0x1;
	[dreg:$0xc] =	wrdreg s1  }
0xf: {  	v4 =	vor.u32 $0x20, v0;
	v6 =	vor.u32 $0x30, v0;
	v8 =	vor.u32 $0x40, v0;
	s31 =	sshll.u32 s0, $0x2;
	s0 =	sor.u32 s0, s4;
	[dreg:$0x13] =	wrdreg s25  }
0x10: {  	v10 =	vor.u32 $0x50, v0;
	v12 =	vor.u32 $0x60, v0;
	v14 =	vor.u32 $0x70, v0;
	[dreg:$0x14] =	wrdreg s26;
	s3 =	sshra.s32 s3, $0x1;
	s22 =	sor.u32 s20, s4  }
.Ltmp0:
0x11: {  	v16 =	vadd.s32 $0x1, v0;
	v17 =	vadd.s32 $0x11, v0;
	v18 =	vadd.s32 $0x21, v0;
	[dreg:$0xe] =	wrdreg s31;
	s1 =	ssub.s32 s22, s3;
	(pc) =	sbr.rel .LBB2_1-.Ltmp0, $4  }
0x12: {  	p0 =	slt.u32 s8, $0x8;
	v19 =	vadd.s32 $0x31, v0;
	v20 =	vadd.s32 $0x41, v0;
	v21 =	vadd.s32 $0x51, v0;
	s0 =	ssub.s32 s0, s3;
	[dreg:$0xf] =	wrdreg s1  }
0x13: {  	v22 =	vadd.s32 $0x61, v0;
	v23 =	vadd.s32 $0x71, v0;
	v3 =	vadd.s32 $0x810, v1;
	s19 =	sor.u32 s7, s4;
	s23 =	ssub.s32 s4, s3;
	[dreg:$0x10] =	wrdreg s0  }
0x14: {  	p1 =	sgt.u32 s8, $0x7;
	v5 =	vadd.s32 $0x1020, v1;
	v7 =	vadd.s32 $0x1830, v1;
	v9 =	vadd.s32 $0x2040, v1;
	s21 =	ssub.s32 s19, s3;
	[dreg:$0x11] =	wrdreg s23  }
0x15: {  	v11 =	vadd.s32 $0x2850, v1;
	v13 =	vadd.s32 $0x3060, v1;
	v15 =	vadd.s32 $0x3870, v1;
	s23 =	simm.s32 $0x19000;
	s3 =	simm.s32 $0x0;
	[dreg:$0xd] =	wrdreg s21  }
.LBB2_34:
0x16: {  	s0 =	simm.s32 $0x4  }
0x17: {  	_ =	swait.ge [sflag:s0], $0x4000  }
0x18: {  	[sflag:s0] =	ssyncset.done $0x0  }
0x19: {  	[sflag:s0] =	ssyncadd.s32 $0xFFFFC000  }
0x1a: {  	_ =	swait.ge [sflag:s0], $0x4000  }
0x1b: {  	[sflag:s0] =	ssyncset.done $0x0  }
0x1c: {  	[sflag:s0] =	ssyncadd.s32 $0xFFFFC000;
	s0 =	simm.s32 @!p1 $0x3  }
0x1d: {  	_ =	swait.ge @!p1 [sflag:s0], $0x4000  }
0x1e: {  	[sflag:s0] =	ssyncset.done @!p1 $0x0  }
0x1f: {  	[sflag:s0] =	ssyncadd.s32 @!p1 $0xFFFFC000  }
0x20: {  	_ =	swait.ge @!p1 [sflag:s0], $0x4000  }
0x21: {  	s3 =	rddreg [dreg:$0x15]  }
0x22: {  	s1 =	rddreg [dreg:$0xc];
	s3 =	sadd.s32 $0x1, s3  }
0x23: {  	p2 =	sne.s32 s3, s1  }
.Ltmp1:
0x24: {  	_ = 	snop;
	(pc) =	sbr.rel @!p2 .LBB2_35-.Ltmp1, $3  }
0x25: {  	_ =	sdelay $0x1  }
0x26: {  	[sflag:s0] =	ssyncset.done @!p1 $0x0  }
0x27: {  	[sflag:s0] =	ssyncadd.s32 @!p1 $0xFFFFC000  }
.LBB2_1:
0x28: {  	[dreg:$0x15] =	wrdreg s3;
	s0 =	simm.s32 $0x0  }
0x29: {  	s1 =	simm.s32 $0xFFFFFFFF;
	s25 =	simm.s32 $0x3;
	s9 =	rddreg [dreg:$0xd]  }
0x2a: {  	s26 =	simm.s32 $0x0;
	s4 =	simm.s32 $0x90;
	s10 =	rddreg [dreg:$0xf]  }
0x2b: {  	s5 =	simm.s32 $0x1;
	s7 =	simm.s32 $0x0;
	s13 =	rddreg [dreg:$0x11]  }
0x2c: {  	s12 =	rddreg [dreg:$0x10];
	s14 =	simm.s32 $0x120;
	s0 =	smul.u32 s0, s1  }
0x2d: {  	s15 =	simm.s32 $0x1B0;
	s16 =	simm.s32 $0x3;
	s17 =	simm.s32 $0x15  }
0x2e: {  	s19 =	simm.s32 $0x240;
	s20 =	simm.s32 $0x2D0;
	s0 =	sshra.s32 s0, $0x1  }
0x2f: {  	s1 =	ssub.s32 s9, s25;
	s5 =	ssub.s32 s10, s5;
	s0 =	ssub.s32 s13, s0  }
0x30: {  	s7 =	ssub.s32 s12, s7;
	s1 =	sand.u32 $0xFFFFFFF0, s1;
	s0 =	sand.u32 $0xFFFFFFF0, s0  }
0x31: {  	s7 =	sand.u32 $0xFFFFFFF0, s7;
	s5 =	sand.u32 $0xFFFFFFF0, s5;
	p2 =	slt.s32 s0, $0x800770  }
0x32: {  	p3 =	slt.s32 s1, $0x800770;
	s0 =	simm.s32 @!p2 $0x800770;
	p2 =	slt.s32 s7, $0x800770  }
0x33: {  	s0 =	sshrl.u32 s0, $0x3;
	s7 =	simm.s32 @!p2 $0x800770;
	p2 =	slt.s32 s5, $0x800770  }
0x34: {  	s0 =	sadd.s32 s2, s0;
	s7 =	sshrl.u32 s7, $0x3;
	s5 =	simm.s32 @!p2 $0x800770  }
0x35: {  	[tilespmem:s26], [sflag:$0x1] =	stream.linear.gather [hbm4b:s0+s6], $0x90, $0x38;
	[tilespmem:$0x1D080] =	vst v63  }
0x36: {  	s1 =	simm.s32 @!p3 $0x800770;
	s8 =	sadd.s32 s2, s7;
	s11 =	sshrl.u32 s5, $0x3  }
0x37: {  	[tilespmem:s4], [sflag:$0x1] =	stream.linear.gather [hbm4b:s8+s6], $0x90, $0x38;
	[tilespmem:$0x1D080] =	vst v63  }
0x38: {  	s24 =	simm.s32 $0x360;
	s1 =	sshrl.u32 s1, $0x3;
	s3 =	sadd.s32 s2, s11  }
0x39: {  	[tilespmem:s14], [sflag:$0x1] =	stream.linear.gather [hbm4b:s3+s6], $0x90, $0x38;
	[tilespmem:$0x1D080] =	vst v63  }
0x3a: {  	s9 =	sadd.s32 s31, s9;
	s12 =	sadd.s32 s31, s12;
	s1 =	sadd.s32 s2, s1  }
0x3b: {  	[tilespmem:s15], [sflag:$0x1] =	stream.linear.gather [hbm4b:s1+s6], $0x90, $0x38;
	[tilespmem:$0x1D080] =	vst v63  }
0x3c: {  	s0 =	simm.s32 $0x14;
	s7 =	ssub.s32 s9, s17;
	s1 =	simm.s32 $0x4  }
0x3d: {  	s9 =	sadd.s32 s31, s9;
	s11 =	sadd.s32 s31, s10;
	s5 =	smul.u32 s1, s16  }
0x3e: {  	s7 =	sand.u32 $0xFFFFFFF0, s7;
	s8 =	simm.s32 $0x3F0;
	s4 =	simm.s32 $0x2A  }
0x3f: {  	p3 =	slt.s32 s7, $0x800770;
	s3 =	sadd.s32 s31, s13;
	s5 =	sshra.s32 s5, $0x1  }
0x40: {  	s7 =	simm.s32 @!p3 $0x800770;
	s16 =	simm.s32 $0xA;
	s5 =	ssub.s32 s3, s5  }
0x41: {  	s15 =	simm.s32 $0xF;
	s16 =	ssub.s32 s12, s16;
	s5 =	sand.u32 $0xFFFFFFF0, s5  }
0x42: {  	s15 =	ssub.s32 s11, s15;
	s16 =	sand.u32 $0xFFFFFFF0, s16;
	p2 =	slt.s32 s5, $0x800770  }
0x43: {  	s15 =	sand.u32 $0xFFFFFFF0, s15;
	s5 =	simm.s32 @!p2 $0x800770;
	p2 =	slt.s32 s16, $0x800770  }
0x44: {  	s5 =	sshrl.u32 s5, $0x3;
	s16 =	simm.s32 @!p2 $0x800770;
	p2 =	slt.s32 s15, $0x800770  }
0x45: {  	s5 =	sadd.s32 s2, s5;
	s16 =	sshrl.u32 s16, $0x3;
	s15 =	simm.s32 @!p2 $0x800770  }
0x46: {  	[tilespmem:s19], [sflag:$0x1] =	stream.linear.gather [hbm4b:s5+s6], $0x90, $0x38;
	[tilespmem:$0x1D080] =	vst v63  }
0x47: {  	s25 =	sshrl.u32 s7, $0x3;
	s21 =	sadd.s32 s2, s16;
	s22 =	sshrl.u32 s15, $0x3  }
0x48: {  	[tilespmem:s20], [sflag:$0x1] =	stream.linear.gather [hbm4b:s21+s6], $0x90, $0x38;
	[tilespmem:$0x1D080] =	vst v63  }
0x49: {  	s7 =	simm.s32 $0x14;
	s13 =	sadd.s32 s31, s12;
	s10 =	sadd.s32 s2, s22  }
0x4a: {  	[tilespmem:s24], [sflag:$0x1] =	stream.linear.gather [hbm4b:s10+s6], $0x90, $0x38;
	[tilespmem:$0x1D080] =	vst v63  }
0x4b: {  	s26 =	sadd.s32 s2, s25;
	s11 =	sadd.s32 s31, s11;
	s5 =	simm.s32 $0x1E  }
0x4c: {  	[tilespmem:s8], [sflag:$0x1] =	stream.linear.gather [hbm4b:s26+s6], $0x90, $0x38;
	[tilespmem:$0x1D080] =	vst v63  }
0x4d: {  	s15 =	simm.s32 $0x3C;
	s10 =	simm.s32 $0x44;
	s8 =	simm.s32 $0x630  }
.LBB2_2:
0x4e: {  	s12 =	simm.s32 $0x0  }
0x4f: {  	s3 =	sadd.s32 s31, s3;
	s0 =	sadd.s32 $0x20, s0;
	s16 =	sadd.s32 $0x3, s1  }
0x50: {  	s1 =	sadd.s32 $0x4, s1;
	s4 =	sadd.s32 s10, s4;
	s5 =	sadd.s32 s15, s5  }
0x51: {  	s19 =	sadd.s32 $0xFFFFFE50, s8;
	s16 =	smul.u32 s1, s16;
	s7 =	sadd.s32 s0, s7  }
0x52: {  	s20 =	sadd.s32 $0xFFFFFEE0, s8;
	s17 =	sshrl.u32 s4, $0x1;
	s21 =	sshrl.u32 s5, $0x1  }
0x53: {  	s22 =	sshrl.u32 s7, $0x1;
	s17 =	ssub.s32 s9, s17;
	s16 =	sshra.s32 s16, $0x1  }
0x54: {  	s21 =	ssub.s32 s11, s21;
	s22 =	ssub.s32 s13, s22;
	s16 =	ssub.s32 s3, s16  }
0x55: {  	s17 =	sand.u32 $0xFFFFFFF0, s17;
	s21 =	sand.u32 $0xFFFFFFF0, s21;
	s16 =	sand.u32 $0xFFFFFFF0, s16  }
0x56: {  	s22 =	sand.u32 $0xFFFFFFF0, s22;
	p3 =	slt.s32 s17, $0x800770;
	p2 =	slt.s32 s16, $0x800770  }
0x57: {  	s17 =	simm.s32 @!p3 $0x800770;
	s16 =	simm.s32 @!p2 $0x800770;
	p2 =	slt.s32 s22, $0x800770  }
0x58: {  	s16 =	sshrl.u32 s16, $0x3;
	s22 =	simm.s32 @!p2 $0x800770;
	p2 =	slt.s32 s21, $0x800770  }
0x59: {  	s16 =	sadd.s32 s2, s16;
	s22 =	sshrl.u32 s22, $0x3;
	s21 =	simm.s32 @!p2 $0x800770  }
0x5a: {  	[tilespmem:s19], [sflag:$0x1] =	stream.linear.gather [hbm4b:s16+s12], $0x90, $0x38;
	[tilespmem:$0x1D080] =	vst v63  }
0x5b: {  	s17 =	sshrl.u32 s17, $0x3;
	s16 =	sadd.s32 s2, s22;
	s19 =	sshrl.u32 s21, $0x3  }
0x5c: {  	[tilespmem:s20], [sflag:$0x1] =	stream.linear.gather [hbm4b:s16+s12], $0x90, $0x38;
	[tilespmem:$0x1D080] =	vst v63  }
0x5d: {  	p2 =	slt.u32 s1, $0x7C;
	s19 =	sadd.s32 s2, s19;
	s16 =	sadd.s32 $0xFFFFFF70, s8  }
0x5e: {  	[tilespmem:s16], [sflag:$0x1] =	stream.linear.gather [hbm4b:s19+s12], $0x90, $0x38;
	[tilespmem:$0x1D080] =	vst v63  }
.Ltmp2:
0x5f: {  	s16 =	sadd.s32 s2, s17;
	(pc) =	sbr.rel @p2 .LBB2_2-.Ltmp2, $4  }
0x60: {  	[tilespmem:s8], [sflag:$0x1] =	stream.linear.gather [hbm4b:s16+s12], $0x90, $0x38;
	[tilespmem:$0x1D080] =	vst v63  }
0x61: {  	_ = 	snop  }
0x62: {  	s10 =	sadd.s32 $0x20, s10;
	s9 =	sadd.s32 s31, s9;
	s8 =	sadd.s32 $0x240, s8  }
0x63: {  	s15 =	sadd.s32 $0x20, s15;
	s11 =	sadd.s32 s31, s11;
	s13 =	sadd.s32 s31, s13  }
.Ltmp3:
0x64: {  	_ = 	snop;
	(pc) =	sbr.rel .LBB2_3-.Ltmp3, $1  }
0x65: {  	_ =	sdelay $0x3  }
.LBB2_32:
0x66: {  	s0 =	sshrl.u32 s0, $0x3  }
0x67: {  	s0 =	sadd.s32 s14, s0  }
0x68: {  	[hbm4b:s0+s3] =	stream.strided.scatter [tilespmem:s1], [sflag:$0x4], $0x4000, s16, s3, $0x38;
	[tilespmem:$0x1D080] =	vst v63  }
.LBB2_33:
0x69: {  	s12 =	sadd.s32 $0x1, s12  }
0x6a: {  	p2 =	sne.s32 s12, $0x9  }
.Ltmp4:
0x6b: {  	_ = 	snop;
	(pc) =	sbr.rel @!p2 .LBB2_34-.Ltmp4, $1  }
0x6c: {  	_ =	sdelay $0x3  }
.LBB2_3:
0x6d: {  	s16 =	sshll.u32 s12, $0x1;
	p3 =	seq.s32 s12, $0x0;
	s1 =	rddreg [dreg:$0x8]  }
0x6e: {  	p2 =	slt.u32 @!p3 s16, s1  }
0x6f: {  	s0 =	sadd.s32 @!p3 $0xFFFFFFFE, s16;
	p2 =	por !p2, p3  }
0x70: {  	s3 =	smov.u32 s30;
	s1 =	sadd.s32 @!p3 s28, s0;
	s0 =	simm.s32 @p2 $0x0  }
0x71: {  	p6 =	sne.s32 s12, $0x8;
	s3 =	smov.u32 @p2 s1;
	s0 =	sadd.s32 @!p3 s30, s0  }
0x72: {  	s14 =	sor.u32 $0x1, s16;
	s1 =	simm.s32 @!p3 $0x3;
	p2 =	seq.s32 @!p3 s3, s0  }
0x73: {  	_ =	swait.ge @!p3 [sflag:s1], $0x4000;
	p4 =	por p2, p3;
	p2 =	por p0, p6  }
0x74: {  	[sflag:s1] =	ssyncset.done @!p3 $0x0;
	p5 =	sgt.u32 @p2 s14, $0x10  }
0x75: {  	[sflag:s1] =	ssyncadd.s32 @!p3 $0xFFFFC000;
	s0 =	simm.s32 @!p4 $0x3;
	p5 =	por !p2, p5  }
.Ltmp5:
0x76: {  	_ =	swait.ge @!p4 [sflag:s0], $0x4000;
	(pc) =	sbr.rel @p5 .LBB2_6-.Ltmp5, $4  }
0x77: {  	s26 =	rddreg [dreg:$0x9]  }
0x78: {  	s1 =	sadd.s32 s28, s14;
	p6 =	slt.u32 s16, s26  }
0x79: {  	[dreg:$0x19] =	wrdreg s14;
	[sflag:s0] =	ssyncset.done @!p4 $0x0;
	s1 =	smov.u32 @p6 s30  }
0x7a: {  	[sflag:s0] =	ssyncadd.s32 @!p4 $0xFFFFC000;
	s14 =	simm.s32 @!p6 $0x0;
	[dreg:$0x16] =	wrdreg s1  }
0x7b: {  	s11 =	rddreg [dreg:$0x16]  }
0x7c: {  	s4 =	rddreg [dreg:$0x5];
	s22 =	simm.s32 $0xFFFFFFFF;
	s19 =	smul.u32 $0x7FF80, s11  }
0x7d: {  	s24 =	sshll.u32 s14, $0x7;
	s10 =	rddreg [dreg:$0x12];
	s3 =	smul.u32 $0x7FE00, s11  }
0x7e: {  	s15 =	simm.s32 $0x4800;
	s0 =	sshll.u32 s11, $0x7;
	s9 =	smul.u32 $0x7FE80, s11  }
0x7f: {  	s4 =	sadd.s32 s14, s4;
	s25 =	smul.u32 $0x7FF00, s11;
	s1 =	sadd.s32 $0xFFFFFFFF, s0  }
0x80: {  	s8 =	sshll.u32 s11, $0x9;
	s4 =	sshll.u32 s4, $0x7;
	s0 =	smul.u32 s0, s1  }
0x81: {  	s20 =	sadd.s32 s19, s18;
	s21 =	sadd.s32 s4, s3;
	s9 =	sadd.s32 s4, s9  }
0x82: {  	s4 =	sadd.s32 s4, s25;
	s25 =	simm.s32 $0x4920;
	s5 =	sshra.s32 s0, $0x1  }
0x83: {  	s0 =	ssub.s32 s20, s5;
	s1 =	ssub.s32 s21, s5;
	s4 =	ssub.s32 s4, s5  }
0x84: {  	s20 =	simm.s32 $0x0;
	s21 =	simm.s32 $0x4890;
	[dreg:$0x3] =	wrdreg s0  }
0x85: {  	s0 =	simm.s32 $0x0;
	s13 =	sadd.s32 $0x2FFD, s1;
	s1 =	sadd.s32 s24, s10  }
0x86: {  	s19 =	sadd.s32 $0xFFF, s4;
	s4 =	simm.s32 $0x24;
	s24 =	simm.s32 $0x3  }
0x87: {  	s7 =	rddreg [dreg:$0x3];
	s3 =	smul.u32 s0, s22;
	s22 =	simm.s32 $0x1  }
0x88: {  	s10 =	ssub.s32 s19, s20;
	s11 =	ssub.s32 s13, s24;
	s7 =	sadd.s32 s1, s7  }
0x89: {  	s10 =	sadd.s32 s10, s18;
	s11 =	sadd.s32 s11, s18;
	s26 =	sshra.s32 s3, $0x1  }
0x8a: {  	s3 =	ssub.s32 $0x3FFC, s8;
	s8 =	ssub.s32 s9, s5;
	s9 =	simm.s32 $0x49B0  }
0x8b: {  	s5 =	simm.s32 $0x6;
	s10 =	sand.u32 $0xFFFFFFF0, s10;
	s11 =	sand.u32 $0xFFFFFFF0, s11  }
0x8c: {  	s7 =	ssub.s32 s7, s26;
	s17 =	sadd.s32 $0x1FFE, s8;
	p5 =	slt.s32 s11, $0x800770  }
0x8d: {  	s19 =	sadd.s32 s3, s19;
	s7 =	sand.u32 $0xFFFFFFF0, s7;
	s8 =	ssub.s32 s17, s22  }
0x8e: {  	s11 =	simm.s32 @!p5 $0x800770;
	p4 =	slt.s32 s7, $0x800770;
	s8 =	sadd.s32 s8, s18  }
0x8f: {  	s7 =	simm.s32 @!p4 $0x800770;
	s8 =	sand.u32 $0xFFFFFFF0, s8;
	p4 =	slt.s32 s10, $0x800770  }
0x90: {  	s7 =	sshrl.u32 s7, $0x3;
	s10 =	simm.s32 @!p4 $0x800770;
	p4 =	slt.s32 s8, $0x800770  }
0x91: {  	s7 =	sadd.s32 s2, s7;
	s10 =	sshrl.u32 s10, $0x3;
	s8 =	simm.s32 @!p4 $0x800770  }
0x92: {  	[tilespmem:s15], [sflag:$0x2] =	stream.linear.gather [hbm4b:s7+s6], $0x90, $0x38;
	[tilespmem:$0x1D080] =	vst v63  }
0x93: {  	s17 =	sadd.s32 s3, s17;
	s10 =	sadd.s32 s2, s10;
	s8 =	sshrl.u32 s8, $0x3  }
0x94: {  	[tilespmem:s21], [sflag:$0x2] =	stream.linear.gather [hbm4b:s10+s6], $0x90, $0x38;
	[tilespmem:$0x1D080] =	vst v63  }
0x95: {  	s26 =	sshrl.u32 s11, $0x3;
	s11 =	simm.s32 $0x4BF0;
	s8 =	sadd.s32 s2, s8  }
0x96: {  	[tilespmem:s25], [sflag:$0x2] =	stream.linear.gather [hbm4b:s8+s6], $0x90, $0x38;
	[tilespmem:$0x1D080] =	vst v63  }
0x97: {  	s7 =	simm.s32 $0x1C;
	s15 =	sadd.s32 s3, s13;
	s10 =	sadd.s32 s2, s26  }
0x98: {  	[tilespmem:s9], [sflag:$0x2] =	stream.linear.gather [hbm4b:s10+s6], $0x90, $0x38;
	[tilespmem:$0x1D080] =	vst v63  }
0x99: {  	s8 =	simm.s32 $0x2;
	s9 =	simm.s32 $0x14;
	s10 =	simm.s32 $0x0  }
.LBB2_5:
0x9a: {  	s13 =	sadd.s32 $0x3, s0  }
0x9b: {  	s0 =	sadd.s32 $0x4, s0;
	s1 =	sadd.s32 s3, s1;
	s20 =	rddreg [dreg:$0x3]  }
0x9c: {  	s5 =	sadd.s32 s4, s5;
	s8 =	sadd.s32 s7, s8;
	s21 =	sadd.s32 $0xFFFFFE50, s11  }
0x9d: {  	s22 =	sadd.s32 $0xFFFFFEE0, s11;
	s10 =	sadd.s32 s9, s10;
	s4 =	sadd.s32 $0x20, s4  }
0x9e: {  	s7 =	sadd.s32 $0x20, s7;
	s24 =	sshrl.u32 s5, $0x1;
	s13 =	smul.u32 s0, s13  }
0x9f: {  	s25 =	sshrl.u32 s8, $0x1;
	s26 =	sshrl.u32 s10, $0x1;
	s20 =	sadd.s32 s1, s20  }
0xa0: {  	s24 =	ssub.s32 s15, s24;
	s25 =	ssub.s32 s17, s25;
	s13 =	sshra.s32 s13, $0x1  }
0xa1: {  	s26 =	ssub.s32 s19, s26;
	s24 =	sadd.s32 s24, s18;
	s13 =	ssub.s32 s20, s13  }
0xa2: {  	s26 =	sadd.s32 s26, s18;
	s20 =	sadd.s32 s25, s18;
	s13 =	sand.u32 $0xFFFFFFF0, s13  }
0xa3: {  	s24 =	sand.u32 $0xFFFFFFF0, s24;
	s25 =	sand.u32 $0xFFFFFFF0, s26;
	p4 =	slt.s32 s13, $0x800770  }
0xa4: {  	s20 =	sand.u32 $0xFFFFFFF0, s20;
	p5 =	slt.s32 s24, $0x800770;
	s13 =	simm.s32 @!p4 $0x800770  }
0xa5: {  	s24 =	simm.s32 @!p5 $0x800770;
	p4 =	slt.s32 s25, $0x800770;
	s13 =	sshrl.u32 s13, $0x3  }
0xa6: {  	s25 =	simm.s32 @!p4 $0x800770;
	p4 =	slt.s32 s20, $0x800770;
	s13 =	sadd.s32 s2, s13  }
0xa7: {  	s25 =	sshrl.u32 s25, $0x3;
	s20 =	simm.s32 @!p4 $0x800770;
	p4 =	slt.u32 s0, $0x7C  }
0xa8: {  	[tilespmem:s21], [sflag:$0x2] =	stream.linear.gather [hbm4b:s13+s6], $0x90, $0x38;
	[tilespmem:$0x1D080] =	vst v63  }
0xa9: {  	s21 =	sadd.s32 s2, s25;
	s20 =	sshrl.u32 s20, $0x3;
	s25 =	sshrl.u32 s24, $0x3  }
0xaa: {  	[tilespmem:s22], [sflag:$0x2] =	stream.linear.gather [hbm4b:s21+s6], $0x90, $0x38;
	[tilespmem:$0x1D080] =	vst v63  }
.Ltmp6:
0xab: {  	s20 =	sadd.s32 s2, s20;
	s22 =	sadd.s32 $0xFFFFFF70, s11;
	(pc) =	sbr.rel @p4 .LBB2_5-.Ltmp6, $4  }
0xac: {  	[tilespmem:s22], [sflag:$0x2] =	stream.linear.gather [hbm4b:s20+s6], $0x90, $0x38;
	[tilespmem:$0x1D080] =	vst v63  }
0xad: {  	s9 =	sadd.s32 $0x20, s9;
	s15 =	sadd.s32 s3, s15;
	s26 =	sadd.s32 s2, s25  }
0xae: {  	[tilespmem:s11], [sflag:$0x2] =	stream.linear.gather [hbm4b:s26+s6], $0x90, $0x38;
	[tilespmem:$0x1D080] =	vst v63  }
0xaf: {  	s17 =	sadd.s32 s3, s17;
	s19 =	sadd.s32 s3, s19;
	s11 =	sadd.s32 $0x240, s11  }
.LBB2_6:
.Ltmp7:
0xb0: {  	(pc) =	sbr.rel @!p2 .LBB2_17-.Ltmp7, $1  }
0xb1: {  	_ =	sdelay $0x3  }
0xb2: {  	[dreg:$0x17] =	wrdreg s14  }
0xb3: {  	s0 =	rddreg [dreg:$0xa];
	s17 =	sadd.s32 s28, s16  }
0xb4: {  	[dreg:$0x18] =	wrdreg s16;
	s3 =	smov.u32 s16;
	p4 =	slt.u32 s16, s0  }
0xb5: {  	s8 =	simm.s32 $0xFFFFFFFF;
	s21 =	rddreg [dreg:$0x5];
	s17 =	smov.u32 @p4 s30  }
0xb6: {  	s10 =	rddreg [dreg:$0x14];
	s16 =	sshll.u32 s17, $0x7;
	s4 =	smul.u32 $0x7FF80, s17  }
0xb7: {  	s3 =	simm.s32 @!p4 $0x0;
	s7 =	smul.u32 $0x7FF00, s17;
	s1 =	sadd.s32 $0xFFFFFFFF, s16  }
0xb8: {  	s19 =	sadd.s32 s3, s30;
	s0 =	smul.u32 s16, s1;
	s1 =	simm.s32 $0x0  }
0xb9: {  	s5 =	sshll.u32 s19, $0x7;
	s10 =	sadd.s32 s7, s10;
	s20 =	smul.u32 s1, s8  }
0xba: {  	s9 =	sshra.s32 s0, $0x1;
	s0 =	sadd.s32 s5, s4;
	s5 =	sadd.s32 s3, s21  }
0xbb: {  	s8 =	ssub.s32 s0, s9;
	s5 =	sshll.u32 s5, $0x7;
	s4 =	sshra.s32 s20, $0x1  }
0xbc: {  	s15 =	simm.s32 $0x0;
	s10 =	sadd.s32 s5, s10;
	s11 =	ssub.s32 s8, s4  }
0xbd: {  	s26 =	rddreg [dreg:$0x13];
	s13 =	ssub.s32 s10, s9;
	s10 =	sand.u32 $0xFFFFFFF0, s11  }
0xbe: {  	s25 =	ssub.s32 $0x0, s9;
	s22 =	ssub.s32 s13, s15;
	p4 =	slt.s32 s10, $0x800770  }
0xbf: {  	s24 =	sadd.s32 s0, s25;
	s9 =	sand.u32 $0xFFFFFFF0, s22;
	s10 =	simm.s32 @!p4 $0x800770  }
0xc0: {  	s7 =	sadd.s32 s7, s26;
	p4 =	slt.s32 s9, $0x800770;
	s11 =	ssub.s32 s24, s10  }
0xc1: {  	s14 =	sadd.s32 s5, s7;
	s9 =	simm.s32 @!p4 $0x800770;
	s7 =	ssub.s32 s11, s4  }
0xc2: {  	s16 =	ssub.s32 s14, s9;
	v24 =	vadd.s32 s7, v0  }
0xc3: {  	s19 =	simm.s32 $0x1;
	s4 =	ssub.s32 s16, s15  }
0xc4: {  	_ =	swait.ge [sflag:s19], $0x4800;
	s5 =	sadd.s32 s4, s25  }
0xc5: {  	[sflag:s19] =	ssyncset.done $0x0;
	v25 =	vadd.s32 s5, v0  }
0xc6: {  	[sflag:s19] =	ssyncadd.s32 $0xFFFFB800  }
0xc7: {  	v24 =	vld.idx.msk [tilespmem:v24+s6+$0x0], $0xffff  }
0xc8: {  	v26 =	vadd.s32 s1, v1  }
0xc9: {  	v27 =	vadd.s32 s7, v2  }
0xca: {  	s28 =	simm.s32 $0x1;
	v25 =	vld.idx.msk [tilespmem:v25+s6+$0x0], $0xffff  }
0xcb: {  	v28 =	vadd.s32 s28, v1;
	s4 =	simm.s32 $0x9080  }
0xcc: {  	v29 =	vadd.s32 s5, v2;
	[tilespmem:s4+$0xFFFFFF80] =	vst v24  }
0xcd: {  	[tilespmem:v26+s23+$0x0] =	vst.idx.msk $0xffff, v24  }
0xce: {  	v24 =	vld.idx.msk [tilespmem:v27+s6+$0x0], $0xffff  }
0xcf: {  	v26 =	vadd.s32 s1, v3;
	[tilespmem:s4+$0x0] =	vst v25  }
0xd0: {  	v27 =	vadd.s32 s7, v4;
	[tilespmem:v28+s23+$0x0] =	vst.idx.msk $0xffff, v25  }
0xd1: {  	v25 =	vld.idx.msk [tilespmem:v29+s6+$0x0], $0xffff  }
0xd2: {  	s31 =	simm.s32 $0x2;
	s20 =	simm.s32 $0x1;
	v28 =	vadd.s32 s28, v3;
	[dreg:$0x1a] =	wrdreg s17  }
0xd3: {  	s21 =	sshll.u32 s17, $0x8;
	s9 =	smul.u32 s31, s20;
	v29 =	vadd.s32 s5, v4;
	[tilespmem:s4+$0xFFFFFF90] =	vst v24  }
0xd4: {  	s19 =	ssub.s32 $0x1FFE, s21;
	[tilespmem:v26+s23+$0x0] =	vst.idx.msk $0xffff, v24  }
0xd5: {  	s8 =	sadd.s32 s19, s8;
	s22 =	sshra.s32 s9, $0x1;
	v24 =	vld.idx.msk [tilespmem:v27+s6+$0x0], $0xffff  }
0xd6: {  	s9 =	ssub.s32 s8, s22;
	v26 =	vadd.s32 s1, v5;
	[tilespmem:s4+$0x10] =	vst v25  }
0xd7: {  	s20 =	ssub.s32 $0x211E, s21;
	s21 =	simm.s32 $0x3;
	s11 =	sand.u32 $0xFFFFFFF0, s9;
	v27 =	vadd.s32 s7, v6;
	[tilespmem:v28+s23+$0x0] =	vst.idx.msk $0xffff, v25  }
0xd8: {  	s9 =	sadd.s32 s19, s13;
	p4 =	slt.s32 s11, $0x800770;
	s17 =	sadd.s32 s20, s0;
	v25 =	vld.idx.msk [tilespmem:v29+s6+$0x0], $0xffff  }
0xd9: {  	s24 =	ssub.s32 s9, s21;
	s11 =	simm.s32 @!p4 $0x800770;
	s26 =	sadd.s32 s17, s25;
	v28 =	vadd.s32 s28, v5  }
0xda: {  	s0 =	sand.u32 $0xFFFFFFF0, s24;
	s11 =	ssub.s32 s26, s11;
	v29 =	vadd.s32 s5, v6;
	[tilespmem:s4+$0xFFFFFFA0] =	vst v24  }
0xdb: {  	p4 =	slt.s32 s0, $0x800770;
	s11 =	ssub.s32 s11, s22;
	[tilespmem:v26+s23+$0x0] =	vst.idx.msk $0xffff, v24  }
0xdc: {  	s15 =	sadd.s32 s20, s14;
	s0 =	simm.s32 @!p4 $0x800770;
	v26 =	vadd.s32 s11, v0;
	v24 =	vld.idx.msk [tilespmem:v27+s6+$0x0], $0xffff  }
0xdd: {  	s0 =	ssub.s32 s15, s0;
	v27 =	vadd.s32 s1, v7;
	[tilespmem:s4+$0x20] =	vst v25  }
0xde: {  	s0 =	ssub.s32 s0, s21;
	[tilespmem:v28+s23+$0x0] =	vst.idx.msk $0xffff, v25;
	v25 =	vadd.s32 s7, v8  }
0xdf: {  	s10 =	sadd.s32 s0, s25;
	v28 =	vld.idx.msk [tilespmem:v29+s6+$0x0], $0xffff  }
0xe0: {  	v30 =	vadd.s32 s28, v7;
	v29 =	vadd.s32 s10, v0  }
0xe1: {  	v26 =	vld.idx.msk [tilespmem:v26+s6+$0x0], $0xffff;
	[tilespmem:s4+$0xFFFFFFB0] =	vst v24  }
0xe2: {  	[tilespmem:v27+s23+$0x0] =	vst.idx.msk $0xffff, v24;
	v24 =	vadd.s32 s5, v8;
	v27 =	vadd.s32 s31, v1  }
0xe3: {  	v25 =	vld.idx.msk [tilespmem:v25+s6+$0x0], $0xffff  }
0xe4: {  	v32 =	vadd.s32 s1, v9;
	v31 =	vadd.s32 s11, v2;
	[tilespmem:s4+$0x30] =	vst v28  }
0xe5: {  	s24 =	simm.s32 $0x3;
	s0 =	simm.s32 $0x9180;
	v29 =	vld.idx.msk [tilespmem:v29+s6+$0x0], $0xffff;
	[tilespmem:v30+s23+$0x0] =	vst.idx.msk $0xffff, v28  }
0xe6: {  	v28 =	vadd.s32 s7, v10;
	[tilespmem:s0+$0xFFFFFF80] =	vst v26;
	v30 =	vadd.s32 s24, v1  }
0xe7: {  	v24 =	vld.idx.msk [tilespmem:v24+s6+$0x0], $0xffff;
	[tilespmem:v27+s23+$0x0] =	vst.idx.msk $0xffff, v26  }
0xe8: {  	v26 =	vadd.s32 s10, v2;
	v27 =	vadd.s32 s28, v9;
	[tilespmem:s4+$0xFFFFFFC0] =	vst v25  }
0xe9: {  	v31 =	vld.idx.msk [tilespmem:v31+s6+$0x0], $0xffff;
	[tilespmem:v32+s23+$0x0] =	vst.idx.msk $0xffff, v25  }
0xea: {  	v61 =	vadd.s32 s31, v3;
	v25 =	vadd.s32 s5, v10;
	[tilespmem:s0+$0x0] =	vst v29  }
0xeb: {  	v28 =	vld.idx.msk [tilespmem:v28+s6+$0x0], $0xffff;
	[tilespmem:v30+s23+$0x0] =	vst.idx.msk $0xffff, v29  }
0xec: {  	v30 =	vadd.s32 s1, v11;
	[tilespmem:s4+$0x40] =	vst v24  }
0xed: {  	v29 =	vadd.s32 s11, v4;
	v26 =	vld.idx.msk [tilespmem:v26+s6+$0x0], $0xffff;
	[tilespmem:v27+s23+$0x0] =	vst.idx.msk $0xffff, v24  }
0xee: {  	[tilespmem:s0+$0xFFFFFF90] =	vst v31;
	v27 =	vadd.s32 s24, v3  }
0xef: {  	v24 =	vadd.s32 s7, v12;
	v25 =	vld.idx.msk [tilespmem:v25+s6+$0x0], $0xffff;
	[tilespmem:v61+s23+$0x0] =	vst.idx.msk $0xffff, v31  }
0xf0: {  	[tilespmem:s4+$0xFFFFFFD0] =	vst v28  }
0xf1: {  	v62 =	vadd.s32 s28, v11;
	[tilespmem:v30+s23+$0x0] =	vst.idx.msk $0xffff, v28  }
0xf2: {  	v31 =	vadd.s32 s10, v4;
	v29 =	vld.idx.msk [tilespmem:v29+s6+$0x0], $0xffff;
	[tilespmem:s0+$0x10] =	vst v26  }
0xf3: {  	s14 =	simm.s32 $0x3;
	s22 =	simm.s32 $0x4;
	v28 =	vadd.s32 s31, v5;
	[tilespmem:v27+s23+$0x0] =	vst.idx.msk $0xffff, v26  }
0xf4: {  	s3 =	sadd.s32 s30, s3;
	s13 =	smul.u32 s22, s14;
	v24 =	vld.idx.msk [tilespmem:v24+s6+$0x0], $0xffff;
	v26 =	vadd.s32 s5, v12;
	[tilespmem:s4+$0x50] =	vst v25  }
0xf5: {  	v30 =	vadd.s32 s1, v13;
	[dreg:$0x1b] =	wrdreg s3  }
0xf6: {  	s8 =	sadd.s32 s19, s8;
	v33 =	vadd.s32 s11, v6;
	s16 =	sshra.s32 s13, $0x1;
	[tilespmem:v62+s23+$0x0] =	vst.idx.msk $0xffff, v25  }
0xf7: {  	s26 =	ssub.s32 s8, s16;
	v34 =	vld.idx.msk [tilespmem:v31+s6+$0x0], $0xffff;
	[tilespmem:s0+$0xFFFFFFA0] =	vst v29  }
0xf8: {  	s9 =	sadd.s32 s19, s9;
	v63 =	vadd.s32 s24, v5;
	s13 =	simm.s32 $0xA;
	v31 =	vadd.s32 s7, v14;
	s7 =	sand.u32 $0xFFFFFFF0, s26;
	[tilespmem:v28+s23+$0x0] =	vst.idx.msk $0xffff, v29  }
0xf9: {  	s3 =	sadd.s32 s20, s17;
	s26 =	ssub.s32 s9, s13;
	p4 =	slt.s32 s7, $0x800770;
	[tilespmem:s4+$0xFFFFFFE0] =	vst v24;
	v27 =	vld.idx.msk [tilespmem:v26+s6+$0x0], $0xffff;
	v26 =	vadd.s32 s10, v6  }
0xfa: {  	s30 =	sadd.s32 s3, s25;
	s17 =	sand.u32 $0xFFFFFFF0, s26;
	s7 =	simm.s32 @!p4 $0x800770;
	[tilespmem:v30+s23+$0x0] =	vst.idx.msk $0xffff, v24;
	v30 =	vadd.s32 s28, v13  }
0xfb: {  	p4 =	slt.s32 s17, $0x800770;
	v25 =	vld.idx.msk [tilespmem:v33+s6+$0x0], $0xffff;
	s26 =	ssub.s32 s30, s7;
	s7 =	simm.s32 $0xE;
	v24 =	vadd.s32 s5, v14  }
0xfc: {  	v29 =	vadd.s32 s31, v7;
	s17 =	simm.s32 @!p4 $0x800770;
	s5 =	sadd.s32 s20, s15;
	s21 =	ssub.s32 s26, s16;
	[tilespmem:s0+$0x20] =	vst v34  }
0xfd: {  	s26 =	simm.s32 $0x14;
	s15 =	ssub.s32 s5, s17;
	s17 =	simm.s32 $0x6;
	v28 =	vld.idx.msk [tilespmem:v31+s6+$0x0], $0xffff;
	v31 =	vadd.s32 s21, v0;
	[tilespmem:v63+s23+$0x0] =	vst.idx.msk $0xffff, v34  }
.LBB2_8:
0xfe: {  	p4 =	slt.u32 s17, $0x7E;
	s13 =	ssub.s32 s15, s13;
	v26 =	vld.idx.msk [tilespmem:v26+s6+$0x0], $0xffff;
	v32 =	vadd.s32 s1, v15;
	[tilespmem:s4+$0x60] =	vst v27;
	s1 =	smov.u32 s31  }
0xff: {  	v33 =	vadd.s32 s11, v8;
	s31 =	smov.u32 s22;
	s22 =	smov.u32 s17;
	s15 =	sadd.s32 s13, s25;
	[tilespmem:v30+s23+$0x0] =	vst.idx.msk $0xffff, v27  }
0x100: {  	v30 =	vadd.s32 s24, v7;
	v27 =	vadd.s32 s15, v0;
	[tilespmem:s0+$0xFFFFFFB0] =	vst v25;
	v24 =	vld.idx.msk [tilespmem:v24+s6+$0x0], $0xffff  }
0x101: {  	[tilespmem:v29+s23+$0x0] =	vst.idx.msk $0xffff, v25;
	v25 =	vadd.s32 s10, v8  }
0x102: {  	v29 =	vld.idx.msk [tilespmem:v31+s6+$0x0], $0xffff;
	[tilespmem:s4+$0xFFFFFFF0] =	vst v28;
	v31 =	vadd.s32 s28, v15;
	s28 =	smov.u32 s24  }
0x103: {  	[tilespmem:v32+s23+$0x0] =	vst.idx.msk $0xffff, v28  }
0x104: {  	v28 =	vadd.s32 s31, v1;
	v32 =	vld.idx.msk [tilespmem:v33+s6+$0x0], $0xffff;
	[tilespmem:s0+$0x30] =	vst v26  }
0x105: {  	v33 =	vadd.s32 s21, v2;
	v27 =	vld.idx.msk [tilespmem:v27+s6+$0x0], $0xffff;
	[tilespmem:v30+s23+$0x0] =	vst.idx.msk $0xffff, v26  }
0x106: {  	v26 =	vadd.s32 s1, v9;
	v25 =	vld.idx.msk [tilespmem:v25+s6+$0x0], $0xffff;
	[tilespmem:s4+$0x70] =	vst v24;
	s4 =	smov.u32 s0  }
0x107: {  	s24 =	sadd.s32 $0x1, s31;
	v30 =	vadd.s32 s11, v10;
	s0 =	sadd.s32 $0x100, s0;
	[tilespmem:v31+s23+$0x0] =	vst.idx.msk $0xffff, v24  }
0x108: {  	v24 =	vadd.s32 s24, v1;
	[tilespmem:s0+$0xFFFFFF80] =	vst v29  }
0x109: {  	[tilespmem:v28+s23+$0x0] =	vst.idx.msk $0xffff, v29;
	v28 =	vadd.s32 s15, v2  }
0x10a: {  	v31 =	vadd.s32 s28, v9;
	v29 =	vld.idx.msk [tilespmem:v33+s6+$0x0], $0xffff;
	[tilespmem:s4+$0xFFFFFFC0] =	vst v32  }
0x10b: {  	[tilespmem:v26+s23+$0x0] =	vst.idx.msk $0xffff, v32;
	v26 =	vadd.s32 s10, v10  }
0x10c: {  	v32 =	vadd.s32 s31, v3;
	[tilespmem:s0+$0x0] =	vst v27;
	v30 =	vld.idx.msk [tilespmem:v30+s6+$0x0], $0xffff  }
0x10d: {  	v33 =	vadd.s32 s21, v4;
	[tilespmem:v24+s23+$0x0] =	vst.idx.msk $0xffff, v27  }
0x10e: {  	v27 =	vadd.s32 s1, v11;
	v24 =	vld.idx.msk [tilespmem:v28+s6+$0x0], $0xffff;
	[tilespmem:s4+$0x40] =	vst v25  }
0x10f: {  	v28 =	vadd.s32 s11, v12;
	[tilespmem:v31+s23+$0x0] =	vst.idx.msk $0xffff, v25  }
0x110: {  	v25 =	vadd.s32 s24, v3;
	[tilespmem:s0+$0xFFFFFF90] =	vst v29;
	v26 =	vld.idx.msk [tilespmem:v26+s6+$0x0], $0xffff  }
0x111: {  	[tilespmem:v32+s23+$0x0] =	vst.idx.msk $0xffff, v29;
	v29 =	vadd.s32 s15, v4  }
0x112: {  	v32 =	vadd.s32 s28, v11;
	v31 =	vld.idx.msk [tilespmem:v33+s6+$0x0], $0xffff;
	[tilespmem:s4+$0xFFFFFFD0] =	vst v30  }
0x113: {  	s13 =	sadd.s32 $0xFFFFFFFF, s17;
	[tilespmem:v27+s23+$0x0] =	vst.idx.msk $0xffff, v30;
	v27 =	vadd.s32 s10, v12  }
0x114: {  	s13 =	smul.u32 s17, s13;
	v30 =	vadd.s32 s31, v5;
	[tilespmem:s0+$0x10] =	vst v24;
	v28 =	vld.idx.msk [tilespmem:v28+s6+$0x0], $0xffff  }
0x115: {  	s8 =	sadd.s32 s19, s8;
	v33 =	vadd.s32 s21, v6;
	[tilespmem:v25+s23+$0x0] =	vst.idx.msk $0xffff, v24  }
0x116: {  	s7 =	sadd.s32 $0x8, s7;
	s9 =	sadd.s32 s19, s9;
	s30 =	sshra.s32 s13, $0x1;
	v24 =	vadd.s32 s1, v13;
	v34 =	vld.idx.msk [tilespmem:v29+s6+$0x0], $0xffff;
	[tilespmem:s4+$0x50] =	vst v26  }
0x117: {  	v35 =	vadd.s32 s11, v14;
	s26 =	sadd.s32 s7, s26;
	s16 =	ssub.s32 s8, s30;
	s11 =	smov.u32 s21;
	[tilespmem:v32+s23+$0x0] =	vst.idx.msk $0xffff, v26  }
0x118: {  	s3 =	sadd.s32 s20, s3;
	s13 =	sshrl.u32 s26, $0x1;
	s16 =	sand.u32 $0xFFFFFFF0, s16;
	v32 =	vadd.s32 s24, v5;
	[tilespmem:s0+$0xFFFFFFA0] =	vst v31;
	v27 =	vld.idx.msk [tilespmem:v27+s6+$0x0], $0xffff  }
.Ltmp8:
0x119: {  	p5 =	slt.s32 s16, $0x800770;
	s21 =	ssub.s32 s9, s13;
	v26 =	vadd.s32 s15, v6;
	[tilespmem:v30+s23+$0x0] =	vst.idx.msk $0xffff, v31;
	(pc) =	sbr.rel @p4 .LBB2_8-.Ltmp8, $4  }
0x11a: {  	s16 =	simm.s32 @!p5 $0x800770;
	s14 =	sand.u32 $0xFFFFFFF0, s21;
	s21 =	sadd.s32 s3, s25;
	v30 =	vadd.s32 s28, v13;
	v25 =	vld.idx.msk [tilespmem:v33+s6+$0x0], $0xffff;
	[tilespmem:s4+$0xFFFFFFE0] =	vst v28  }
0x11b: {  	p5 =	slt.s32 s14, $0x800770;
	s16 =	ssub.s32 s21, s16;
	[tilespmem:v24+s23+$0x0] =	vst.idx.msk $0xffff, v28;
	v24 =	vadd.s32 s10, v14;
	s10 =	smov.u32 s15  }
0x11c: {  	s5 =	sadd.s32 s20, s5;
	s14 =	simm.s32 @!p5 $0x800770;
	s21 =	ssub.s32 s16, s30;
	v29 =	vadd.s32 s31, v7;
	[tilespmem:s0+$0x20] =	vst v34;
	v28 =	vld.idx.msk [tilespmem:v35+s6+$0x0], $0xffff  }
0x11d: {  	s17 =	sadd.s32 $0x2, s17;
	v31 =	vadd.s32 s21, v0;
	s15 =	ssub.s32 s5, s14;
	[tilespmem:v32+s23+$0x0] =	vst.idx.msk $0xffff, v34  }
0x11e: {  	s3 =	ssub.s32 s15, s13  }
0x11f: {  	s7 =	sadd.s32 s3, s25  }
0x120: {  	v32 =	vadd.s32 s7, v0;
	_ =	sdelay $0x2  }
0x121: {  	v31 =	vld.idx.msk [tilespmem:v31+s6+$0x0], $0xffff;
	[tilespmem:s4+$0x60] =	vst v27  }
0x122: {  	v33 =	vadd.s32 s22, v1;
	[tilespmem:v30+s23+$0x0] =	vst.idx.msk $0xffff, v27  }
0x123: {  	v34 =	vadd.s32 s21, v2;
	s5 =	sadd.s32 $0x1, s22;
	[tilespmem:s0+$0xFFFFFFB0] =	vst v25;
	v41 =	vld.idx.msk [tilespmem:v32+s6+$0x0], $0xffff  }
0x124: {  	v42 =	vadd.s32 s5, v1;
	[tilespmem:v29+s23+$0x0] =	vst.idx.msk $0xffff, v25  }
0x125: {  	s30 =	sadd.s32 $0x100, s0;
	v43 =	vadd.s32 s1, v15;
	v44 =	vadd.s32 s7, v2;
	[tilespmem:s4+$0xFFFFFFF0] =	vst v28  }
0x126: {  	v26 =	vld.idx.msk [tilespmem:v26+s6+$0x0], $0xffff;
	[tilespmem:s30+$0xFFFFFF80] =	vst v31  }
0x127: {  	v48 =	vadd.s32 s24, v7;
	[tilespmem:v33+s23+$0x0] =	vst.idx.msk $0xffff, v31  }
0x128: {  	v45 =	vld.idx.msk [tilespmem:v34+s6+$0x0], $0xffff;
	[tilespmem:s30+$0x0] =	vst v41  }
0x129: {  	v46 =	vadd.s32 s22, v3;
	v50 =	vadd.s32 s11, v8;
	[tilespmem:v42+s23+$0x0] =	vst.idx.msk $0xffff, v41  }
0x12a: {  	v47 =	vadd.s32 s21, v4;
	[tilespmem:v43+s23+$0x0] =	vst.idx.msk $0xffff, v28;
	v49 =	vld.idx.msk [tilespmem:v44+s6+$0x0], $0xffff  }
0x12b: {  	v51 =	vadd.s32 s5, v3;
	[tilespmem:s0+$0x30] =	vst v26  }
0x12c: {  	v24 =	vld.idx.msk [tilespmem:v24+s6+$0x0], $0xffff;
	v52 =	vadd.s32 s7, v4;
	[tilespmem:v48+s23+$0x0] =	vst.idx.msk $0xffff, v26  }
0x12d: {  	v54 =	vadd.s32 s28, v15;
	[tilespmem:s30+$0xFFFFFF90] =	vst v45  }
0x12e: {  	v30 =	vld.idx.msk [tilespmem:v50+s6+$0x0], $0xffff;
	[tilespmem:v46+s23+$0x0] =	vst.idx.msk $0xffff, v45  }
0x12f: {  	v56 =	vadd.s32 s10, v8;
	v29 =	vld.idx.msk [tilespmem:v47+s6+$0x0], $0xffff;
	[tilespmem:s30+$0x10] =	vst v49  }
0x130: {  	v53 =	vadd.s32 s22, v5;
	[tilespmem:v51+s23+$0x0] =	vst.idx.msk $0xffff, v49  }
0x131: {  	v55 =	vadd.s32 s21, v6;
	[tilespmem:s4+$0x70] =	vst v24;
	v25 =	vld.idx.msk [tilespmem:v52+s6+$0x0], $0xffff  }
0x132: {  	v57 =	vadd.s32 s5, v5;
	[tilespmem:v54+s23+$0x0] =	vst.idx.msk $0xffff, v24  }
0x133: {  	v58 =	vadd.s32 s31, v9;
	v59 =	vadd.s32 s7, v6;
	[tilespmem:s0+$0xFFFFFFC0] =	vst v30  }
0x134: {  	v28 =	vld.idx.msk [tilespmem:v56+s6+$0x0], $0xffff;
	[tilespmem:s30+$0xFFFFFFA0] =	vst v29  }
0x135: {  	v61 =	vadd.s32 s11, v10;
	v63 =	vadd.s32 s24, v9;
	[tilespmem:v53+s23+$0x0] =	vst.idx.msk $0xffff, v29  }
0x136: {  	v60 =	vld.idx.msk [tilespmem:v55+s6+$0x0], $0xffff;
	[tilespmem:s30+$0x20] =	vst v25  }
0x137: {  	v62 =	vadd.s32 s22, v7;
	v36 =	vadd.s32 s10, v10;
	[tilespmem:v57+s23+$0x0] =	vst.idx.msk $0xffff, v25  }
0x138: {  	v35 =	vadd.s32 s21, v8;
	[tilespmem:v58+s23+$0x0] =	vst.idx.msk $0xffff, v30;
	v26 =	vld.idx.msk [tilespmem:v59+s6+$0x0], $0xffff  }
0x139: {  	v37 =	vadd.s32 s5, v7;
	[tilespmem:s0+$0x40] =	vst v28  }
0x13a: {  	v38 =	vadd.s32 s7, v8;
	v27 =	vld.idx.msk [tilespmem:v61+s6+$0x0], $0xffff;
	[tilespmem:v63+s23+$0x0] =	vst.idx.msk $0xffff, v28  }
0x13b: {  	v39 =	vadd.s32 s31, v11;
	[tilespmem:s30+$0xFFFFFFB0] =	vst v60  }
0x13c: {  	v40 =	vadd.s32 s11, v12;
	v30 =	vld.idx.msk [tilespmem:v36+s6+$0x0], $0xffff;
	[tilespmem:v62+s23+$0x0] =	vst.idx.msk $0xffff, v60  }
0x13d: {  	v25 =	vld.idx.msk [tilespmem:v35+s6+$0x0], $0xffff;
	[tilespmem:s30+$0x30] =	vst v26  }
0x13e: {  	v41 =	vadd.s32 s22, v9;
	[tilespmem:v37+s23+$0x0] =	vst.idx.msk $0xffff, v26  }
0x13f: {  	v42 =	vadd.s32 s21, v10;
	[tilespmem:s0+$0xFFFFFFD0] =	vst v27;
	v24 =	vld.idx.msk [tilespmem:v38+s6+$0x0], $0xffff  }
0x140: {  	v43 =	vadd.s32 s5, v9;
	[tilespmem:v39+s23+$0x0] =	vst.idx.msk $0xffff, v27  }
0x141: {  	v45 =	vadd.s32 s7, v10;
	v28 =	vld.idx.msk [tilespmem:v40+s6+$0x0], $0xffff;
	[tilespmem:s0+$0x50] =	vst v30  }
0x142: {  	v47 =	vadd.s32 s31, v13;
	[tilespmem:s30+$0xFFFFFFC0] =	vst v25  }
0x143: {  	v48 =	vadd.s32 s11, v14;
	v44 =	vadd.s32 s24, v11;
	[tilespmem:v41+s23+$0x0] =	vst.idx.msk $0xffff, v25  }
0x144: {  	v46 =	vadd.s32 s10, v12;
	v26 =	vld.idx.msk [tilespmem:v42+s6+$0x0], $0xffff;
	[tilespmem:s30+$0x40] =	vst v24  }
0x145: {  	v49 =	vadd.s32 s22, v11;
	[tilespmem:v43+s23+$0x0] =	vst.idx.msk $0xffff, v24  }
0x146: {  	v50 =	vadd.s32 s21, v12;
	[tilespmem:s0+$0xFFFFFFE0] =	vst v28;
	v51 =	vld.idx.msk [tilespmem:v45+s6+$0x0], $0xffff  }
0x147: {  	v52 =	vadd.s32 s5, v11;
	[tilespmem:v47+s23+$0x0] =	vst.idx.msk $0xffff, v28  }
0x148: {  	[tilespmem:v44+s23+$0x0] =	vst.idx.msk $0xffff, v30;
	v53 =	vadd.s32 s7, v12;
	v32 =	vld.idx.msk [tilespmem:v48+s6+$0x0], $0xffff  }
0x149: {  	v25 =	vld.idx.msk [tilespmem:v46+s6+$0x0], $0xffff;
	[tilespmem:s30+$0xFFFFFFD0] =	vst v26  }
0x14a: {  	v54 =	vadd.s32 s24, v13;
	[tilespmem:v49+s23+$0x0] =	vst.idx.msk $0xffff, v26  }
0x14b: {  	v55 =	vadd.s32 s10, v14;
	v26 =	vld.idx.msk [tilespmem:v50+s6+$0x0], $0xffff;
	[tilespmem:s30+$0x50] =	vst v51  }
0x14c: {  	v56 =	vadd.s32 s22, v13;
	[tilespmem:v52+s23+$0x0] =	vst.idx.msk $0xffff, v51  }
0x14d: {  	v57 =	vadd.s32 s21, v14;
	[tilespmem:s0+$0xFFFFFFF0] =	vst v32;
	v28 =	vld.idx.msk [tilespmem:v53+s6+$0x0], $0xffff  }
0x14e: {  	v58 =	vadd.s32 s5, v13;
	[tilespmem:s0+$0x60] =	vst v25  }
0x14f: {  	v60 =	vadd.s32 s7, v14;
	v59 =	vadd.s32 s31, v15;
	[tilespmem:v54+s23+$0x0] =	vst.idx.msk $0xffff, v25  }
0x150: {  	v24 =	vld.idx.msk [tilespmem:v55+s6+$0x0], $0xffff;
	[tilespmem:s30+$0xFFFFFFE0] =	vst v26  }
0x151: {  	v61 =	vadd.s32 s24, v15;
	[tilespmem:v56+s23+$0x0] =	vst.idx.msk $0xffff, v26  }
0x152: {  	v26 =	vld.idx.msk [tilespmem:v57+s6+$0x0], $0xffff;
	[tilespmem:s30+$0x60] =	vst v28  }
0x153: {  	v62 =	vadd.s32 s22, v15;
	[tilespmem:v58+s23+$0x0] =	vst.idx.msk $0xffff, v28  }
0x154: {  	[tilespmem:v59+s23+$0x0] =	vst.idx.msk $0xffff, v32;
	v25 =	vld.idx.msk [tilespmem:v60+s6+$0x0], $0xffff  }
0x155: {  	[tilespmem:s0+$0x70] =	vst v24  }
0x156: {  	[tilespmem:v61+s23+$0x0] =	vst.idx.msk $0xffff, v24  }
0x157: {  	[tilespmem:s30+$0xFFFFFFF0] =	vst v26  }
0x158: {  	[tilespmem:v62+s23+$0x0] =	vst.idx.msk $0xffff, v26  }
0x159: {  	[tilespmem:s30+$0x70] =	vst v25  }
0x15a: {  	s17 =	rddreg [dreg:$0x1a]  }
0x15b: {  	s19 =	rddreg [dreg:$0x1b]  }
0x15c: {  	v63 =	vadd.s32 s5, v15;
	p4 =	sne.s32 s17, s19  }
.Ltmp9:
0x15d: {  	_ = 	snop;
	(pc) =	sbr.rel @p4 .LBB2_10-.Ltmp9, $2  }
0x15e: {  	_ =	sdelay $0x2  }
0x15f: {  	[tilespmem:v63+s23+$0x0] =	vst.idx.msk $0xffff, v25  }
0x160: {  	s0 =	simm.s32 $0x81  }
0x161: {  	v24 =	vadd.s32 s0, v0;
	_ =	sdelay $0x2  }
0x162: {  	s26 =	simm.s32 $0x9080;
	s4 =	simm.s32 $0x0  }
0x163: {  	v25 =	vld [tilespmem:s26+$0x0];
	v26 =	vadd.s32 s4, v0  }
0x164: {  	v24 =	vld.idx.msk [tilespmem:v24+s23+$0x0], $0xffff;
	_ =	sdelay $0x1  }
0x165: {  	s1 =	simm.s32 $0x1  }
0x166: {  	v27 =	vadd.s32 s0, v2;
	v34 =	vmov s1  }
0x167: {  	vm0 =	vlt.u32 v34, v16;
	v26 =	vld.idx.msk [tilespmem:v26+s23+$0x0], $0xffff  }
0x168: {  	v24 =	vsel vm0, v25, v24;
	v25 =	vld [tilespmem:s26+$0xFFFFFF80];
	_ =	sdelay $0x1  }
0x169: {  	v28 =	vld [tilespmem:s26+$0x10];
	v29 =	vadd.s32 s4, v2;
	[tilespmem:s26+$0x0] =	vst v24  }
0x16a: {  	v24 =	vmov s4;
	v27 =	vld.idx.msk [tilespmem:v27+s23+$0x0], $0xffff  }
0x16b: {  	v30 =	vld [tilespmem:s26+$0xFFFFFF90];
	vm0 =	vlt.u32 v24, v16  }
0x16c: {  	v31 =	vld [tilespmem:s26+$0xFFFFFFA0];
	v25 =	vsel vm0, v25, v26  }
0x16d: {  	v32 =	vld [tilespmem:s26+$0xFFFFFFC0];
	v26 =	vadd.s32 s0, v4;
	[tilespmem:s26+$0xFFFFFF80] =	vst v25  }
0x16e: {  	vm0 =	vlt.u32 v34, v17;
	v25 =	vld.idx.msk [tilespmem:v29+s23+$0x0], $0xffff  }
0x16f: {  	v33 =	vld [tilespmem:s26+$0xFFFFFFD0];
	v27 =	vsel vm0, v28, v27  }
0x170: {  	v43 =	vld [tilespmem:s26+$0xFFFFFFE0];
	[tilespmem:s26+$0x10] =	vst v27;
	v27 =	vadd.s32 s4, v4  }
0x171: {  	v28 =	vld [tilespmem:s26+$0x20]  }
0x172: {  	vm0 =	vlt.u32 v24, v17;
	v26 =	vld.idx.msk [tilespmem:v26+s23+$0x0], $0xffff  }
0x173: {  	s31 =	simm.s32 $0x9180;
	v36 =	vld [tilespmem:s26+$0x40];
	v25 =	vsel vm0, v30, v25  }
0x174: {  	v38 =	vld [tilespmem:s31+$0xFFFFFF80];
	[tilespmem:s26+$0xFFFFFF90] =	vst v25;
	v25 =	vadd.s32 s0, v6  }
0x175: {  	v27 =	vld.idx.msk [tilespmem:v27+s23+$0x0], $0xffff  }
0x176: {  	v40 =	vld [tilespmem:s31+$0xFFFFFF90];
	vm0 =	vlt.u32 v34, v18  }
0x177: {  	v41 =	vld [tilespmem:s31+$0xFFFFFFA0];
	v26 =	vsel vm0, v28, v26  }
0x178: {  	[tilespmem:s26+$0x20] =	vst v26;
	v26 =	vld [tilespmem:s26+$0x30]  }
0x179: {  	s3 =	simm.s32 $0x183;
	vm0 =	vlt.u32 v24, v18;
	v30 =	vld.idx.msk [tilespmem:v25+s23+$0x0], $0xffff  }
0x17a: {  	v42 =	vld [tilespmem:s31+$0x10];
	v25 =	vsel vm0, v31, v27;
	v27 =	vadd.s32 s3, v0  }
0x17b: {  	v44 =	vld [tilespmem:s31+$0xFFFFFFC0];
	v31 =	vadd.s32 s0, v8  }
0x17c: {  	s7 =	simm.s32 $0x102;
	v49 =	vld [tilespmem:s31+$0x20]  }
0x17d: {  	v35 =	vadd.s32 s7, v0;
	v56 =	vld [tilespmem:s31+$0x30];
	vm0 =	vlt.u32 v34, v19  }
0x17e: {  	v26 =	vsel vm0, v26, v30;
	v30 =	vld [tilespmem:s31+$0x0]  }
0x17f: {  	v28 =	vadd.s32 s4, v6;
	[tilespmem:s26+$0x30] =	vst v26;
	v26 =	vld.idx.msk [tilespmem:v27+s23+$0x0], $0xffff  }
0x180: {  	v31 =	vld.idx.msk [tilespmem:v31+s23+$0x0], $0xffff  }
0x181: {  	s24 =	simm.s32 $0x3;
	v37 =	vadd.s32 s3, v2;
	v45 =	vld [tilespmem:s26+$0x70]  }
0x182: {  	v39 =	vadd.s32 s0, v10;
	v35 =	vld.idx.msk [tilespmem:v35+s23+$0x0], $0xffff;
	v27 =	vmov s24  }
0x183: {  	v29 =	vld [tilespmem:s26+$0xFFFFFFB0];
	[tilespmem:s26+$0xFFFFFFA0] =	vst v25;
	vm0 =	vlt.u32 v27, v16  }
0x184: {  	s25 =	simm.s32 $0x2;
	s1 =	simm.s32 $0x9280;
	v28 =	vld.idx.msk [tilespmem:v28+s23+$0x0], $0xffff;
	v26 =	vsel vm0, v30, v26;
	v30 =	vadd.s32 s7, v2;
	vm0 =	vlt.u32 v34, v20  }
0x185: {  	v60 =	vld [tilespmem:s1+$0x0];
	[tilespmem:s31+$0x0] =	vst v26;
	v26 =	vmov s25;
	v31 =	vsel vm0, v36, v31  }
0x186: {  	vm0 =	vlt.u32 v26, v16;
	v37 =	vld.idx.msk [tilespmem:v37+s23+$0x0], $0xffff;
	[tilespmem:s26+$0x40] =	vst v31  }
0x187: {  	v62 =	vadd.s32 s4, v8;
	v31 =	vsel vm0, v38, v35;
	v63 =	vld.idx.msk [tilespmem:v39+s23+$0x0], $0xffff  }
0x188: {  	vm0 =	vlt.u32 v24, v19;
	[tilespmem:s31+$0xFFFFFF80] =	vst v31;
	v31 =	vld [tilespmem:s26+$0x50]  }
0x189: {  	v28 =	vsel vm0, v29, v28;
	v29 =	vld.idx.msk [tilespmem:v30+s23+$0x0], $0xffff;
	v30 =	vadd.s32 s3, v4  }
0x18a: {  	v25 =	vld [tilespmem:s26+$0xFFFFFFF0]  }
0x18b: {  	v38 =	vld [tilespmem:s31+$0xFFFFFFB0];
	vm0 =	vlt.u32 v27, v17;
	[tilespmem:s26+$0xFFFFFFB0] =	vst v28;
	v28 =	vadd.s32 s0, v12  }
0x18c: {  	v36 =	vld.idx.msk [tilespmem:v62+s23+$0x0], $0xffff;
	v37 =	vsel vm0, v42, v37  }
0x18d: {  	v48 =	vadd.s32 s7, v4;
	v62 =	vld [tilespmem:s31+$0x40];
	vm0 =	vlt.u32 v34, v21;
	[tilespmem:s31+$0x10] =	vst v37  }
0x18e: {  	v50 =	vadd.s32 s4, v10;
	v31 =	vsel vm0, v31, v63;
	v51 =	vld.idx.msk [tilespmem:v30+s23+$0x0], $0xffff  }
0x18f: {  	v52 =	vadd.s32 s3, v6;
	vm0 =	vlt.u32 v26, v17;
	[tilespmem:s26+$0x50] =	vst v31;
	v31 =	vld [tilespmem:s26+$0x60]  }
0x190: {  	v53 =	vadd.s32 s0, v14;
	s0 =	simm.s32 $0x285;
	v29 =	vsel vm0, v40, v29;
	vm0 =	vlt.u32 v24, v20;
	v28 =	vld.idx.msk [tilespmem:v28+s23+$0x0], $0xffff  }
0x191: {  	v57 =	vadd.s32 s0, v0;
	v42 =	vld [tilespmem:s1+$0xFFFFFFB0];
	[tilespmem:s31+$0xFFFFFF90] =	vst v29;
	v29 =	vsel vm0, v32, v36  }
0x192: {  	vm0 =	vlt.u32 v27, v18;
	v39 =	vld.idx.msk [tilespmem:v48+s23+$0x0], $0xffff;
	[tilespmem:s26+$0xFFFFFFC0] =	vst v29  }
0x193: {  	v35 =	vld.idx.msk [tilespmem:v50+s23+$0x0], $0xffff;
	v54 =	vsel vm0, v49, v51  }
0x194: {  	v30 =	vld [tilespmem:s31+$0xFFFFFFD0];
	vm0 =	vlt.u32 v34, v22;
	[tilespmem:s31+$0x20] =	vst v54  }
0x195: {  	v28 =	vsel vm0, v31, v28;
	v31 =	vadd.s32 s4, v12;
	v40 =	vld.idx.msk [tilespmem:v52+s23+$0x0], $0xffff  }
0x196: {  	v32 =	vld.idx.msk [tilespmem:v57+s23+$0x0], $0xffff;
	vm0 =	vlt.u32 v26, v18  }
0x197: {  	v58 =	vadd.s32 s3, v8;
	v29 =	vld [tilespmem:s31+$0xFFFFFFE0];
	[tilespmem:s26+$0x60] =	vst v28;
	v28 =	vsel vm0, v41, v39;
	vm0 =	vlt.u32 v24, v21  }
0x198: {  	s5 =	simm.s32 $0x204;
	v48 =	vld [tilespmem:s1+$0xFFFFFF90];
	v33 =	vsel vm0, v33, v35  }
0x199: {  	v59 =	vadd.s32 s5, v0;
	v50 =	vld [tilespmem:s1+$0xFFFFFFA0];
	vm0 =	vlt.u32 v27, v19;
	[tilespmem:s26+$0xFFFFFFD0] =	vst v33  }
0x19a: {  	v46 =	vld.idx.msk [tilespmem:v31+s23+$0x0], $0xffff;
	v31 =	vsel vm0, v56, v40  }
0x19b: {  	v55 =	vadd.s32 s7, v6;
	v49 =	vld [tilespmem:s1+$0x10];
	[tilespmem:s31+$0x30] =	vst v31  }
0x19c: {  	s8 =	simm.s32 $0x5;
	v63 =	vadd.s32 s0, v2;
	v61 =	vld.idx.msk [tilespmem:v58+s23+$0x0], $0xffff  }
0x19d: {  	v52 =	vld [tilespmem:s1+$0xFFFFFF80];
	v31 =	vmov s8  }
0x19e: {  	v47 =	vadd.s32 s3, v10;
	v33 =	vld.idx.msk [tilespmem:v59+s23+$0x0], $0xffff;
	vm0 =	vlt.u32 v31, v16  }
0x19f: {  	v41 =	vld.idx.msk [tilespmem:v53+s23+$0x0], $0xffff;
	[tilespmem:s31+$0xFFFFFFA0] =	vst v28;
	v32 =	vsel vm0, v60, v32  }
0x1a0: {  	s30 =	simm.s32 $0x4;
	v53 =	vadd.s32 s5, v2;
	v37 =	vld.idx.msk [tilespmem:v55+s23+$0x0], $0xffff;
	vm0 =	vlt.u32 v27, v20;
	[tilespmem:s1+$0x0] =	vst v32  }
0x1a1: {  	v32 =	vmov s30;
	v40 =	vld.idx.msk [tilespmem:v63+s23+$0x0], $0xffff;
	v36 =	vsel vm0, v62, v61  }
0x1a2: {  	v54 =	vadd.s32 s7, v8;
	v55 =	vld [tilespmem:s31+$0x50];
	vm0 =	vlt.u32 v32, v16;
	[tilespmem:s31+$0x40] =	vst v36  }
0x1a3: {  	v57 =	vadd.s32 s0, v4;
	v33 =	vsel vm0, v52, v33;
	v36 =	vld.idx.msk [tilespmem:v47+s23+$0x0], $0xffff  }
0x1a4: {  	v28 =	vld [tilespmem:s31+$0xFFFFFFF0];
	vm0 =	vlt.u32 v26, v19;
	[tilespmem:s1+$0xFFFFFF80] =	vst v33  }
0x1a5: {  	v58 =	vadd.s32 s3, v12;
	v37 =	vsel vm0, v38, v37;
	vm0 =	vlt.u32 v31, v17;
	v56 =	vld.idx.msk [tilespmem:v53+s23+$0x0], $0xffff  }
0x1a6: {  	v61 =	vld [tilespmem:s1+$0x20];
	[tilespmem:s31+$0xFFFFFFB0] =	vst v37;
	v59 =	vsel vm0, v49, v40  }
0x1a7: {  	v60 =	vadd.s32 s5, v4;
	vm0 =	vlt.u32 v27, v21;
	v51 =	vld.idx.msk [tilespmem:v54+s23+$0x0], $0xffff;
	[tilespmem:s1+$0x10] =	vst v59  }
0x1a8: {  	v47 =	vld.idx.msk [tilespmem:v57+s23+$0x0], $0xffff;
	v33 =	vsel vm0, v55, v36  }
0x1a9: {  	v63 =	vld [tilespmem:s31+$0x60];
	vm0 =	vlt.u32 v32, v17;
	[tilespmem:s31+$0x50] =	vst v33  }
0x1aa: {  	v62 =	vsel vm0, v48, v56;
	v37 =	vld.idx.msk [tilespmem:v58+s23+$0x0], $0xffff  }
0x1ab: {  	v39 =	vadd.s32 s4, v14;
	v35 =	vld [tilespmem:s1+$0xFFFFFFC0];
	v52 =	vadd.s32 s7, v10;
	vm0 =	vlt.u32 v26, v20;
	[tilespmem:s1+$0xFFFFFF90] =	vst v62  }
0x1ac: {  	v38 =	vadd.s32 s5, v10;
	v59 =	vsel vm0, v44, v51;
	vm0 =	vlt.u32 v31, v18;
	v53 =	vld.idx.msk [tilespmem:v60+s23+$0x0], $0xffff  }
0x1ad: {  	v54 =	vld [tilespmem:s1+$0x30];
	v55 =	vadd.s32 s0, v6;
	[tilespmem:s31+$0xFFFFFFC0] =	vst v59;
	v61 =	vsel vm0, v61, v47;
	vm0 =	vlt.u32 v34, v23  }
0x1ae: {  	v44 =	vld [tilespmem:s1+$0xFFFFFFD0];
	v60 =	vadd.s32 s3, v14;
	v45 =	vsel vm0, v45, v41;
	vm0 =	vlt.u32 v27, v22;
	[tilespmem:s1+$0x20] =	vst v61  }
0x1af: {  	v56 =	vadd.s32 s5, v6;
	v47 =	vld [tilespmem:s31+$0x70];
	[tilespmem:s26+$0x70] =	vst v45;
	v62 =	vsel vm0, v63, v37;
	vm0 =	vlt.u32 v24, v22  }
0x1b0: {  	v40 =	vadd.s32 s5, v8;
	v49 =	vld.idx.msk [tilespmem:v52+s23+$0x0], $0xffff;
	v43 =	vsel vm0, v43, v46;
	vm0 =	vlt.u32 v32, v18;
	[tilespmem:s31+$0x60] =	vst v62  }
0x1b1: {  	s10 =	simm.s32 $0x306;
	v36 =	vadd.s32 s7, v12;
	v33 =	vadd.s32 s7, v14;
	v41 =	vld [tilespmem:s1+$0xFFFFFFE0];
	v63 =	vsel vm0, v50, v53;
	[tilespmem:s26+$0xFFFFFFE0] =	vst v43  }
0x1b2: {  	s15 =	rddreg [dreg:$0x1];
	v48 =	vadd.s32 s10, v4;
	v51 =	vadd.s32 s10, v0;
	v34 =	vadd.s32 s5, v14;
	v55 =	vld.idx.msk [tilespmem:v55+s23+$0x0], $0xffff;
	[tilespmem:s1+$0xFFFFFFA0] =	vst v63  }
0x1b3: {  	s11 =	simm.s32 $0x387;
	s4 =	simm.s32 $0x9280;
	v52 =	vadd.s32 s10, v2;
	v37 =	vadd.s32 s5, v12;
	v46 =	vadd.s32 s10, v8;
	v45 =	vld.idx.msk [tilespmem:v60+s23+$0x0], $0xffff;
	s28 =	rddreg [dreg:$0x7]  }
0x1b4: {  	s8 =	simm.s32 $0x6;
	s3 =	simm.s32 $0x8;
	vm0 =	vlt.u32 v26, v21;
	v43 =	vadd.s32 s10, v6;
	v50 =	vadd.s32 s11, v0;
	v53 =	vld.idx.msk [tilespmem:v56+s23+$0x0], $0xffff;
	s14 =	rddreg [dreg:$0x17]  }
.LBB2_14:
0x1b5: {  	p4 =	slt.u32 s3, $0x7E;
	v56 =	vadd.s32 s10, v10;
	v57 =	vadd.s32 s0, v8;
	v60 =	vsel vm0, v30, v49;
	v49 =	vld.idx.msk [tilespmem:v39+s23+$0x0], $0xffff;
	v39 =	vmovc v33;
	v33 =	vmovc v34  }
0x1b6: {  	v58 =	vadd.s32 s10, v12;
	v34 =	vadd.s32 s10, v14;
	vm0 =	vlt.u32 v31, v19;
	v30 =	vmovc v44;
	v59 =	vld [tilespmem:s1+$0xFFFFFFF0];
	[tilespmem:s31+$0xFFFFFFD0] =	vst v60  }
0x1b7: {  	v44 =	vsel vm0, v54, v55;
	s1 =	sadd.s32 $0x100, s1;
	vm0 =	vlt.u32 v27, v23;
	v54 =	vld.idx.msk [tilespmem:v36+s23+$0x0], $0xffff;
	v36 =	vmovc v37;
	v37 =	vmov v58  }
0x1b8: {  	v27 =	vmov v31;
	v55 =	vld [tilespmem:s1+$0x0];
	[tilespmem:s4+$0x30] =	vst v44;
	v44 =	vsel vm0, v47, v45  }
0x1b9: {  	vm0 =	vlt.u32 v32, v19;
	v45 =	vld.idx.msk [tilespmem:v50+s23+$0x0], $0xffff;
	[tilespmem:s31+$0x70] =	vst v44  }
0x1ba: {  	v31 =	vsel vm0, v42, v53;
	vm0 =	vlt.u32 v24, v23;
	v24 =	vmovc v26;
	v26 =	vmov v32;
	v42 =	vld.idx.msk [tilespmem:v57+s23+$0x0], $0xffff  }
0x1bb: {  	[tilespmem:s4+$0xFFFFFFB0] =	vst v31;
	v44 =	vld [tilespmem:s4+$0x40];
	v31 =	vsel vm0, v25, v49;
	v25 =	vmov v28;
	v28 =	vmov v59  }
0x1bc: {  	s5 =	sadd.s32 $0x1, s8;
	v49 =	vadd.s32 s11, v2;
	vm0 =	vlt.u32 v24, v22;
	v47 =	vld.idx.msk [tilespmem:v51+s23+$0x0], $0xffff;
	[tilespmem:s26+$0xFFFFFFF0] =	vst v31;
	s26 =	smov.u32 s31;
	s31 =	smov.u32 s4  }
0x1bd: {  	v31 =	vmov s5;
	v51 =	vadd.s32 s0, v10;
	v32 =	vsel vm0, v29, v54;
	v29 =	vmovc v41;
	s4 =	smov.u32 s1;
	v50 =	vld [tilespmem:s1+$0xFFFFFF80]  }
0x1be: {  	vm0 =	vlt.u32 v31, v16;
	v41 =	vld [tilespmem:s1+$0xFFFFFF90];
	[tilespmem:s26+$0xFFFFFFE0] =	vst v32  }
0x1bf: {  	v45 =	vsel vm0, v55, v45;
	vm0 =	vlt.u32 v27, v20;
	v53 =	vld [tilespmem:s1+$0xFFFFFFA0]  }
0x1c0: {  	v32 =	vmov s8;
	s8 =	smov.u32 s3;
	[tilespmem:s1+$0x0] =	vst v45;
	v45 =	vld [tilespmem:s1+$0x10];
	v42 =	vsel vm0, v44, v42  }
0x1c1: {  	vm0 =	vlt.u32 v32, v16;
	v44 =	vld.idx.msk [tilespmem:v49+s23+$0x0], $0xffff;
	[tilespmem:s31+$0x40] =	vst v42  }
0x1c2: {  	v42 =	vsel vm0, v50, v47;
	v47 =	vld.idx.msk [tilespmem:v51+s23+$0x0], $0xffff  }
0x1c3: {  	[tilespmem:s1+$0xFFFFFF80] =	vst v42;
	v49 =	vld [tilespmem:s31+$0x50]  }
0x1c4: {  	v51 =	vadd.s32 s11, v4;
	v50 =	vld.idx.msk [tilespmem:v52+s23+$0x0], $0xffff  }
0x1c5: {  	v52 =	vadd.s32 s0, v12;
	v42 =	vld [tilespmem:s1+$0xFFFFFFB0]  }
0x1c6: {  	vm0 =	vlt.u32 v31, v17;
	v54 =	vld.idx.msk [tilespmem:v40+s23+$0x0], $0xffff;
	v40 =	vmov v46  }
0x1c7: {  	v44 =	vsel vm0, v45, v44;
	vm0 =	vlt.u32 v27, v21;
	v46 =	vld [tilespmem:s1+$0xFFFFFFC0]  }
0x1c8: {  	[tilespmem:s1+$0x10] =	vst v44;
	v45 =	vld [tilespmem:s1+$0x20];
	v44 =	vsel vm0, v49, v47  }
0x1c9: {  	vm0 =	vlt.u32 v32, v17;
	v47 =	vld.idx.msk [tilespmem:v51+s23+$0x0], $0xffff;
	[tilespmem:s31+$0x50] =	vst v44  }
0x1ca: {  	v41 =	vsel vm0, v41, v50;
	v50 =	vld.idx.msk [tilespmem:v52+s23+$0x0], $0xffff  }
0x1cb: {  	vm0 =	vlt.u32 v26, v20;
	[tilespmem:s1+$0xFFFFFF90] =	vst v41;
	v51 =	vld [tilespmem:s31+$0x60]  }
0x1cc: {  	v52 =	vadd.s32 s11, v6;
	v41 =	vsel vm0, v35, v54;
	v48 =	vld.idx.msk [tilespmem:v48+s23+$0x0], $0xffff;
	v35 =	vmov v46  }
0x1cd: {  	v46 =	vadd.s32 s0, v14;
	s0 =	smov.u32 s11;
	v44 =	vld [tilespmem:s1+$0xFFFFFFD0];
	[tilespmem:s31+$0xFFFFFFC0] =	vst v41  }
0x1ce: {  	vm0 =	vlt.u32 v31, v18;
	v49 =	vld.idx.msk [tilespmem:v38+s23+$0x0], $0xffff;
	v38 =	vmov v56  }
0x1cf: {  	v45 =	vsel vm0, v45, v47;
	vm0 =	vlt.u32 v27, v22;
	v41 =	vld [tilespmem:s1+$0xFFFFFFE0]  }
.Ltmp10:
0x1d0: {  	[tilespmem:s1+$0x20] =	vst v45;
	v54 =	vld [tilespmem:s1+$0x30];
	v45 =	vsel vm0, v51, v50;
	(pc) =	sbr.rel @p4 .LBB2_14-.Ltmp10, $4  }
0x1d1: {  	vm0 =	vlt.u32 v32, v18;
	v55 =	vld.idx.msk [tilespmem:v52+s23+$0x0], $0xffff;
	[tilespmem:s31+$0x60] =	vst v45  }
0x1d2: {  	s10 =	sadd.s32 $0x102, s10;
	v47 =	vsel vm0, v53, v48;
	vm0 =	vlt.u32 v26, v21;
	v45 =	vld.idx.msk [tilespmem:v46+s23+$0x0], $0xffff  }
0x1d3: {  	s11 =	sadd.s32 $0x81, s10;
	v51 =	vadd.s32 s10, v0;
	v52 =	vadd.s32 s10, v2;
	v48 =	vadd.s32 s10, v4;
	[tilespmem:s1+$0xFFFFFFA0] =	vst v47;
	v47 =	vld [tilespmem:s31+$0x70]  }
0x1d4: {  	s3 =	sadd.s32 $0x2, s3;
	v50 =	vadd.s32 s11, v0;
	v46 =	vadd.s32 s10, v8;
	v53 =	vld.idx.msk [tilespmem:v43+s23+$0x0], $0xffff;
	v43 =	vadd.s32 s10, v6  }
0x1d5: {  	_ =	sdelay $0x3  }
0x1d6: {  	v57 =	vld.idx.msk [tilespmem:v50+s23+$0x0], $0xffff  }
0x1d7: {  	s3 =	sadd.s32 $0x100, s1;
	v59 =	vld.idx.msk [tilespmem:v51+s23+$0x0], $0xffff  }
0x1d8: {  	v56 =	vld [tilespmem:s3+$0x0]  }
0x1d9: {  	v60 =	vld [tilespmem:s3+$0xFFFFFF80]  }
0x1da: {  	s5 =	sadd.s32 $0x1, s8  }
0x1db: {  	v58 =	vadd.s32 s11, v2;
	v50 =	vmov s5  }
0x1dc: {  	v51 =	vmov s8;
	vm1 =	vlt.u32 v50, v16  }
0x1dd: {  	vm11 =	vlt.u32 v51, v16;
	v61 =	vsel vm1, v56, v57  }
0x1de: {  	v56 =	vld [tilespmem:s3+$0x10];
	v59 =	vsel vm11, v60, v59;
	[tilespmem:s3+$0x0] =	vst v61  }
0x1df: {  	[tilespmem:s3+$0xFFFFFF80] =	vst v59;
	v59 =	vld [tilespmem:s3+$0xFFFFFF90]  }
0x1e0: {  	v60 =	vadd.s32 s0, v8;
	v57 =	vld.idx.msk [tilespmem:v58+s23+$0x0], $0xffff  }
0x1e1: {  	v52 =	vld.idx.msk [tilespmem:v52+s23+$0x0], $0xffff  }
0x1e2: {  	vm13 =	vlt.u32 v31, v19;
	v58 =	vadd.s32 s11, v4  }
0x1e3: {  	v54 =	vsel vm13, v54, v55  }
0x1e4: {  	v62 =	vld [tilespmem:s3+$0x20];
	vm12 =	vlt.u32 v50, v17;
	[tilespmem:s4+$0x30] =	vst v54  }
0x1e5: {  	vm14 =	vlt.u32 v51, v17;
	v54 =	vld.idx.msk [tilespmem:v60+s23+$0x0], $0xffff;
	v56 =	vsel vm12, v56, v57  }
0x1e6: {  	v52 =	vsel vm14, v59, v52;
	v59 =	vld [tilespmem:s3+$0xFFFFFFA0];
	[tilespmem:s3+$0x10] =	vst v56  }
0x1e7: {  	v63 =	vld.idx.msk [tilespmem:v58+s23+$0x0], $0xffff  }
0x1e8: {  	[tilespmem:s3+$0xFFFFFF90] =	vst v52;
	v58 =	vld [tilespmem:s4+$0x40]  }
0x1e9: {  	v48 =	vld.idx.msk [tilespmem:v48+s23+$0x0], $0xffff  }
0x1ea: {  	v61 =	vadd.s32 s11, v6  }
0x1eb: {  	vm15 =	vlt.u32 v50, v18  }
0x1ec: {  	vm4 =	vlt.u32 v31, v20;
	v62 =	vsel vm15, v62, v63;
	v63 =	vadd.s32 s0, v10  }
0x1ed: {  	vm5 =	vlt.u32 v51, v18;
	v60 =	vld [tilespmem:s3+$0x30];
	v54 =	vsel vm4, v58, v54;
	[tilespmem:s3+$0x20] =	vst v62  }
0x1ee: {  	v48 =	vsel vm5, v59, v48;
	[tilespmem:s4+$0x40] =	vst v54;
	v54 =	vld [tilespmem:s1+$0xFFFFFFF0]  }
0x1ef: {  	[tilespmem:s3+$0xFFFFFFA0] =	vst v48;
	v61 =	vld.idx.msk [tilespmem:v61+s23+$0x0], $0xffff  }
0x1f0: {  	vm7 =	vlt.u32 v32, v19;
	v43 =	vld.idx.msk [tilespmem:v43+s23+$0x0], $0xffff  }
0x1f1: {  	v42 =	vsel vm7, v42, v53;
	v62 =	vadd.s32 s11, v8;
	v55 =	vld.idx.msk [tilespmem:v63+s23+$0x0], $0xffff  }
0x1f2: {  	[tilespmem:s4+$0xFFFFFFB0] =	vst v42;
	v63 =	vld [tilespmem:s3+$0xFFFFFFB0]  }
0x1f3: {  	vm6 =	vlt.u32 v50, v19;
	v40 =	vld.idx.msk [tilespmem:v40+s23+$0x0], $0xffff  }
0x1f4: {  	v57 =	vld [tilespmem:s4+$0x50];
	v59 =	vsel vm6, v60, v61  }
0x1f5: {  	v60 =	vld [tilespmem:s3+$0x40];
	[tilespmem:s3+$0x30] =	vst v59  }
0x1f6: {  	vm8 =	vlt.u32 v51, v19;
	v61 =	vadd.s32 s0, v12;
	v48 =	vld.idx.msk [tilespmem:v62+s23+$0x0], $0xffff  }
0x1f7: {  	v39 =	vld.idx.msk [tilespmem:v39+s23+$0x0], $0xffff;
	vm11 =	vlt.u32 v32, v20;
	v43 =	vsel vm8, v63, v43  }
0x1f8: {  	vm9 =	vlt.u32 v31, v21;
	v35 =	vsel vm11, v35, v40;
	v63 =	vld [tilespmem:s3+$0xFFFFFFC0];
	[tilespmem:s3+$0xFFFFFFB0] =	vst v43  }
0x1f9: {  	[tilespmem:s4+$0xFFFFFFC0] =	vst v35;
	v62 =	vadd.s32 s11, v10;
	v55 =	vsel vm9, v57, v55;
	v46 =	vld.idx.msk [tilespmem:v46+s23+$0x0], $0xffff  }
0x1fa: {  	vm10 =	vlt.u32 v50, v20;
	v38 =	vld.idx.msk [tilespmem:v38+s23+$0x0], $0xffff;
	[tilespmem:s4+$0x50] =	vst v55  }
0x1fb: {  	v59 =	vadd.s32 s10, v10;
	v58 =	vsel vm10, v60, v48;
	v48 =	vld.idx.msk [tilespmem:v61+s23+$0x0], $0xffff  }
0x1fc: {  	v60 =	vld [tilespmem:s3+$0x50]  }
0x1fd: {  	vm12 =	vlt.u32 v51, v20;
	v61 =	vld [tilespmem:s4+$0x60];
	[tilespmem:s3+$0x40] =	vst v58  }
0x1fe: {  	v42 =	vld.idx.msk [tilespmem:v62+s23+$0x0], $0xffff;
	v62 =	vsel vm12, v63, v46  }
0x1ff: {  	v30 =	vsel vm0, v30, v49;
	v63 =	vld [tilespmem:s3+$0xFFFFFFD0];
	[tilespmem:s3+$0xFFFFFFC0] =	vst v62  }
0x200: {  	[tilespmem:s31+$0xFFFFFFD0] =	vst v30;
	v55 =	vadd.s32 s11, v12;
	v40 =	vld.idx.msk [tilespmem:v59+s23+$0x0], $0xffff  }
0x201: {  	v36 =	vld.idx.msk [tilespmem:v36+s23+$0x0], $0xffff  }
0x202: {  	vm13 =	vlt.u32 v50, v21;
	v52 =	vld [tilespmem:s3+$0xFFFFFFF0];
	v57 =	vadd.s32 s10, v12  }
0x203: {  	vm14 =	vlt.u32 v31, v22;
	vm15 =	vlt.u32 v32, v21;
	v58 =	vld [tilespmem:s3+$0xFFFFFFE0];
	v42 =	vsel vm13, v60, v42  }
0x204: {  	vm4 =	vlt.u32 v51, v21;
	vm5 =	vlt.u32 v26, v22;
	v38 =	vsel vm15, v44, v38;
	v60 =	vld [tilespmem:s3+$0x60];
	[tilespmem:s3+$0x50] =	vst v42  }
0x205: {  	v56 =	vadd.s32 s0, v14;
	[tilespmem:s4+$0xFFFFFFD0] =	vst v38;
	v59 =	vsel vm14, v61, v48;
	v35 =	vld.idx.msk [tilespmem:v55+s23+$0x0], $0xffff;
	v61 =	vsel vm4, v63, v40  }
0x206: {  	v29 =	vsel vm5, v29, v36;
	v37 =	vld.idx.msk [tilespmem:v37+s23+$0x0], $0xffff;
	[tilespmem:s3+$0xFFFFFFD0] =	vst v61  }
0x207: {  	[tilespmem:s31+$0xFFFFFFE0] =	vst v29;
	v62 =	vadd.s32 s11, v14;
	v63 =	vld.idx.msk [tilespmem:v57+s23+$0x0], $0xffff  }
0x208: {  	v33 =	vld.idx.msk [tilespmem:v33+s23+$0x0], $0xffff  }
0x209: {  	vm6 =	vlt.u32 v50, v22;
	v46 =	vld [tilespmem:s4+$0x70];
	v48 =	vadd.s32 s10, v14;
	[tilespmem:s4+$0x60] =	vst v59  }
0x20a: {  	vm7 =	vlt.u32 v32, v22;
	v30 =	vld.idx.msk [tilespmem:v56+s23+$0x0], $0xffff;
	v35 =	vsel vm6, v60, v35  }
0x20b: {  	vm8 =	vlt.u32 v51, v22;
	v53 =	vsel vm7, v41, v37;
	v56 =	vld [tilespmem:s3+$0x70];
	[tilespmem:s3+$0x60] =	vst v35  }
0x20c: {  	vm10 =	vlt.u32 v24, v23;
	[tilespmem:s4+$0xFFFFFFE0] =	vst v53;
	v55 =	vld.idx.msk [tilespmem:v62+s23+$0x0], $0xffff;
	v36 =	vsel vm8, v58, v63  }
0x20d: {  	v25 =	vsel vm10, v25, v39;
	vm12 =	vlt.u32 v26, v23;
	v58 =	vld.idx.msk [tilespmem:v34+s23+$0x0], $0xffff;
	[tilespmem:s3+$0xFFFFFFE0] =	vst v36  }
0x20e: {  	vm9 =	vlt.u32 v27, v23;
	[tilespmem:s26+$0xFFFFFFF0] =	vst v25;
	v61 =	vsel vm12, v28, v33;
	v59 =	vld.idx.msk [tilespmem:v48+s23+$0x0], $0xffff  }
0x20f: {  	vm11 =	vlt.u32 v31, v23;
	v57 =	vsel vm9, v47, v45;
	[tilespmem:s31+$0xFFFFFFF0] =	vst v61  }
0x210: {  	vm13 =	vlt.u32 v50, v23;
	[tilespmem:s31+$0x70] =	vst v57;
	v60 =	vsel vm11, v46, v30  }
0x211: {  	vm14 =	vlt.u32 v32, v23;
	[tilespmem:s4+$0x70] =	vst v60;
	v62 =	vsel vm13, v56, v55  }
.Ltmp11:
0x212: {  	vm15 =	vlt.u32 v51, v23;
	[tilespmem:s3+$0x70] =	vst v62;
	v24 =	vsel vm14, v54, v58;
	(pc) =	sbr.rel .LBB2_16-.Ltmp11, $4  }
0x213: {  	[tilespmem:s4+$0xFFFFFFF0] =	vst v24;
	v63 =	vsel vm15, v52, v59  }
0x214: {  	[tilespmem:s3+$0xFFFFFFF0] =	vst v63  }
0x215: {  	s16 =	simm.s32 $0x8000;
	s1 =	simm.s32 $0x9000;
	s30 =	rddreg [dreg:$0x6]  }
0x216: {  	s0 =	smul.u32 $0x80400, s17;
	s3 =	simm.s32 $0x400;
	s31 =	rddreg [dreg:$0xe]  }
.LBB2_10:
0x217: {  	s4 =	simm.s32 $0x0  }
0x218: {  	s7 =	simm.s32 $0x81;
	v24 =	vadd.s32 s4, v0  }
0x219: {  	v25 =	vadd.s32 s7, v0;
	_ =	sdelay $0x3  }
0x21a: {  	s8 =	simm.s32 $0x10;
	v24 =	vld.idx.msk [tilespmem:v24+s23+$0x0], $0xffff  }
0x21b: {  	s9 =	simm.s32 $0x91;
	v26 =	vadd.s32 s8, v0;
	v25 =	vld.idx.msk [tilespmem:v25+s23+$0x0], $0xffff  }
0x21c: {  	v27 =	vadd.s32 s9, v0;
	_ =	sdelay $0x1  }
0x21d: {  	s1 =	simm.s32 $0x11080  }
0x21e: {  	s28 =	rddreg [dreg:$0x7];
	[tilespmem:s1+$0xFFFFFF80] =	vst v24  }
0x21f: {  	s10 =	simm.s32 $0x20;
	[tilespmem:s1+$0x0] =	vst v25;
	v24 =	vld.idx.msk [tilespmem:v26+s23+$0x0], $0xffff  }
0x220: {  	s11 =	simm.s32 $0xA1;
	v25 =	vld.idx.msk [tilespmem:v27+s23+$0x0], $0xffff;
	v26 =	vadd.s32 s10, v0  }
0x221: {  	s5 =	simm.s32 $0x102;
	v27 =	vadd.s32 s11, v0  }
0x222: {  	s13 =	simm.s32 $0x183;
	v28 =	vadd.s32 s5, v0  }
0x223: {  	v29 =	vadd.s32 s13, v0  }
0x224: {  	[tilespmem:s1+$0xFFFFFF90] =	vst v24  }
0x225: {  	s14 =	simm.s32 $0x30;
	[tilespmem:s1+$0x10] =	vst v25;
	v24 =	vld.idx.msk [tilespmem:v26+s23+$0x0], $0xffff  }
0x226: {  	s20 =	simm.s32 $0xB1;
	v25 =	vld.idx.msk [tilespmem:v27+s23+$0x0], $0xffff;
	v26 =	vadd.s32 s14, v0  }
0x227: {  	s21 =	simm.s32 $0x112;
	v27 =	vld.idx.msk [tilespmem:v28+s23+$0x0], $0xffff;
	v28 =	vadd.s32 s20, v0  }
0x228: {  	s22 =	simm.s32 $0x193;
	v30 =	vadd.s32 s21, v0;
	v29 =	vld.idx.msk [tilespmem:v29+s23+$0x0], $0xffff  }
0x229: {  	v31 =	vadd.s32 s22, v0  }
0x22a: {  	s30 =	simm.s32 $0x204;
	[tilespmem:s1+$0xFFFFFFA0] =	vst v24  }
0x22b: {  	s24 =	simm.s32 $0x40;
	s4 =	simm.s32 $0x11180;
	v32 =	vadd.s32 s30, v0;
	[tilespmem:s1+$0x20] =	vst v25;
	v24 =	vld.idx.msk [tilespmem:v26+s23+$0x0], $0xffff  }
0x22c: {  	s25 =	simm.s32 $0xC1;
	[tilespmem:s4+$0xFFFFFF80] =	vst v27;
	v25 =	vld.idx.msk [tilespmem:v28+s23+$0x0], $0xffff;
	v26 =	vadd.s32 s24, v0  }
0x22d: {  	s7 =	simm.s32 $0x122;
	[tilespmem:s4+$0x0] =	vst v29;
	v27 =	vld.idx.msk [tilespmem:v30+s23+$0x0], $0xffff;
	v28 =	vadd.s32 s25, v0  }
0x22e: {  	s26 =	simm.s32 $0x1A3;
	v29 =	vld.idx.msk [tilespmem:v31+s23+$0x0], $0xffff;
	v30 =	vadd.s32 s7, v0  }
0x22f: {  	v31 =	vadd.s32 s26, v0;
	s7 =	simm.s32 $0x285  }
0x230: {  	s13 =	simm.s32 $0x214;
	v32 =	vld.idx.msk [tilespmem:v32+s23+$0x0], $0xffff;
	[tilespmem:s1+$0xFFFFFFB0] =	vst v24;
	v24 =	vadd.s32 s7, v0  }
0x231: {  	s8 =	simm.s32 $0x50;
	v34 =	vadd.s32 s13, v0;
	[tilespmem:s1+$0x30] =	vst v25;
	v26 =	vld.idx.msk [tilespmem:v26+s23+$0x0], $0xffff  }
0x232: {  	s9 =	simm.s32 $0xD1;
	[tilespmem:s4+$0xFFFFFF90] =	vst v27;
	v27 =	vadd.s32 s8, v0;
	v25 =	vld.idx.msk [tilespmem:v28+s23+$0x0], $0xffff  }
0x233: {  	s10 =	simm.s32 $0x132;
	[tilespmem:s4+$0x10] =	vst v29;
	v29 =	vadd.s32 s9, v0;
	v28 =	vld.idx.msk [tilespmem:v30+s23+$0x0], $0xffff  }
0x234: {  	s11 =	simm.s32 $0x1B3;
	v30 =	vld.idx.msk [tilespmem:v31+s23+$0x0], $0xffff;
	v31 =	vadd.s32 s10, v0;
	s10 =	simm.s32 $0x11280  }
0x235: {  	v33 =	vadd.s32 s11, v0;
	s14 =	simm.s32 $0x295;
	[tilespmem:s10+$0xFFFFFF80] =	vst v32;
	v24 =	vld.idx.msk [tilespmem:v24+s23+$0x0], $0xffff  }
0x236: {  	s25 =	simm.s32 $0x224;
	v61 =	vld.idx.msk [tilespmem:v34+s23+$0x0], $0xffff;
	[tilespmem:s1+$0xFFFFFFC0] =	vst v26;
	v26 =	vadd.s32 s14, v0  }
0x237: {  	s20 =	simm.s32 $0x60;
	v62 =	vadd.s32 s25, v0;
	[tilespmem:s1+$0x40] =	vst v25;
	v27 =	vld.idx.msk [tilespmem:v27+s23+$0x0], $0xffff  }
0x238: {  	s21 =	simm.s32 $0xE1;
	[tilespmem:s4+$0xFFFFFFA0] =	vst v28;
	v28 =	vadd.s32 s20, v0;
	v25 =	vld.idx.msk [tilespmem:v29+s23+$0x0], $0xffff  }
0x239: {  	s22 =	simm.s32 $0x142;
	[tilespmem:s4+$0x20] =	vst v30;
	v30 =	vadd.s32 s21, v0;
	v29 =	vld.idx.msk [tilespmem:v31+s23+$0x0], $0xffff  }
0x23a: {  	v60 =	vadd.s32 s22, v0;
	s24 =	simm.s32 $0x1C3;
	v31 =	vld.idx.msk [tilespmem:v33+s23+$0x0], $0xffff;
	[tilespmem:s10+$0x0] =	vst v24  }
0x23b: {  	s26 =	simm.s32 $0x2A5;
	[tilespmem:s10+$0xFFFFFF90] =	vst v61;
	v24 =	vadd.s32 s24, v0;
	v26 =	vld.idx.msk [tilespmem:v26+s23+$0x0], $0xffff  }
0x23c: {  	s30 =	simm.s32 $0x306;
	v33 =	vld.idx.msk [tilespmem:v62+s23+$0x0], $0xffff;
	[tilespmem:s1+$0xFFFFFFD0] =	vst v27;
	v27 =	vadd.s32 s26, v0  }
0x23d: {  	s8 =	simm.s32 $0x387;
	[tilespmem:s1+$0x50] =	vst v25;
	v25 =	vadd.s32 s30, v0;
	v28 =	vld.idx.msk [tilespmem:v28+s23+$0x0], $0xffff  }
0x23e: {  	s9 =	simm.s32 $0x70;
	[tilespmem:s4+$0xFFFFFFB0] =	vst v29;
	v29 =	vld.idx.msk [tilespmem:v30+s23+$0x0], $0xffff;
	v30 =	vadd.s32 s8, v0  }
0x23f: {  	s11 =	simm.s32 $0x152;
	[tilespmem:s4+$0x30] =	vst v31;
	v31 =	vadd.s32 s9, v0;
	v32 =	vld.idx.msk [tilespmem:v60+s23+$0x0], $0xffff  }
0x240: {  	s14 =	simm.s32 $0x234;
	v24 =	vld.idx.msk [tilespmem:v24+s23+$0x0], $0xffff;
	[tilespmem:s10+$0x10] =	vst v26;
	v26 =	vadd.s32 s11, v0  }
0x241: {  	s13 =	simm.s32 $0x1D3;
	v35 =	vadd.s32 s14, v0;
	[tilespmem:s10+$0xFFFFFFA0] =	vst v33;
	v27 =	vld.idx.msk [tilespmem:v27+s23+$0x0], $0xffff  }
0x242: {  	s3 =	simm.s32 $0xF1;
	v63 =	vadd.s32 s13, v0;
	v25 =	vld.idx.msk [tilespmem:v25+s23+$0x0], $0xffff;
	[tilespmem:s1+$0xFFFFFFE0] =	vst v28  }
0x243: {  	v40 =	vadd.s32 s3, v0;
	s20 =	simm.s32 $0x2B5;
	v30 =	vld.idx.msk [tilespmem:v30+s23+$0x0], $0xffff;
	[tilespmem:s1+$0x60] =	vst v29  }
0x244: {  	s21 =	simm.s32 $0x316;
	v36 =	vadd.s32 s20, v0;
	[tilespmem:s4+$0xFFFFFFC0] =	vst v32;
	v31 =	vld.idx.msk [tilespmem:v31+s23+$0x0], $0xffff  }
0x245: {  	s22 =	simm.s32 $0x397;
	v37 =	vadd.s32 s21, v0;
	[tilespmem:s4+$0x40] =	vst v24;
	v39 =	vld.idx.msk [tilespmem:v26+s23+$0x0], $0xffff  }
0x246: {  	v38 =	vadd.s32 s22, v0;
	s24 =	simm.s32 $0x162;
	s11 =	simm.s32 $0x11380;
	v28 =	vld.idx.msk [tilespmem:v35+s23+$0x0], $0xffff;
	[tilespmem:s10+$0x20] =	vst v27  }
0x247: {  	s0 =	sshll.u32 s17, $0x13;
	s25 =	simm.s32 $0x1E3;
	v24 =	vld.idx.msk [tilespmem:v63+s23+$0x0], $0xffff;
	[tilespmem:s11+$0xFFFFFF80] =	vst v25;
	v25 =	vadd.s32 s24, v0  }
0x248: {  	s15 =	rddreg [dreg:$0x1];
	s16 =	simm.s32 $0x8000;
	s26 =	simm.s32 $0x244;
	v26 =	vadd.s32 s25, v0;
	v27 =	vld.idx.msk [tilespmem:v40+s23+$0x0], $0xffff;
	[tilespmem:s11+$0x0] =	vst v30  }
0x249: {  	s3 =	simm.s32 $0x1F3;
	s13 =	simm.s32 $0x326;
	s30 =	simm.s32 $0x2C5;
	v29 =	vld.idx.msk [tilespmem:v36+s23+$0x0], $0xffff;
	v30 =	vadd.s32 s26, v0;
	[tilespmem:s1+$0xFFFFFFF0] =	vst v31  }
0x24a: {  	s5 =	simm.s32 $0x6;
	s7 =	simm.s32 $0x4F9;
	v34 =	vadd.s32 s13, v0;
	s13 =	simm.s32 $0x3A7;
	v32 =	vld.idx.msk [tilespmem:v37+s23+$0x0], $0xffff;
	v31 =	vadd.s32 s30, v0;
	[tilespmem:s4+$0xFFFFFFD0] =	vst v39  }
0x24b: {  	s9 =	simm.s32 $0x2F5;
	s8 =	simm.s32 $0x3F7;
	v33 =	vld.idx.msk [tilespmem:v38+s23+$0x0], $0xffff;
	s31 =	rddreg [dreg:$0xe]  }
.LBB2_11:
0x24c: {  	s14 =	sadd.s32 $0xFFFFFF0F, s7;
	s5 =	sadd.s32 $0x2, s5;
	v35 =	vadd.s32 s13, v0;
	v25 =	vld.idx.msk [tilespmem:v25+s23+$0x0], $0xffff;
	[tilespmem:s4+$0x50] =	vst v24  }
0x24d: {  	s13 =	sadd.s32 $0xFFFFFF90, s7;
	v24 =	vadd.s32 s14, v0;
	p4 =	slt.u32 s5, $0x7E;
	[tilespmem:s10+$0xFFFFFFB0] =	vst v28;
	v26 =	vld.idx.msk [tilespmem:v26+s23+$0x0], $0xffff  }
0x24e: {  	v28 =	vadd.s32 s13, v0;
	s13 =	sadd.s32 $0xFFFFFF7F, s3;
	v30 =	vld.idx.msk [tilespmem:v30+s23+$0x0], $0xffff;
	[tilespmem:s10+$0x30] =	vst v29  }
0x24f: {  	s14 =	sadd.s32 $0xFFFFFF5F, s9;
	[tilespmem:s11+$0xFFFFFF90] =	vst v32;
	v29 =	vld.idx.msk [tilespmem:v31+s23+$0x0], $0xffff;
	v31 =	vadd.s32 s13, v0  }
0x250: {  	s13 =	sadd.s32 $0xFFFFFFE0, s9;
	v32 =	vld.idx.msk [tilespmem:v34+s23+$0x0], $0xffff;
	[tilespmem:s11+$0x10] =	vst v33;
	v33 =	vadd.s32 s14, v0  }
0x251: {  	s14 =	sadd.s32 $0xFFFFFF3F, s8;
	v34 =	vld.idx.msk [tilespmem:v35+s23+$0x0], $0xffff;
	v35 =	vadd.s32 s13, v0;
	[tilespmem:s1+$0x70] =	vst v27;
	s1 =	smov.u32 s4;
	s4 =	smov.u32 s10  }
0x252: {  	v36 =	vadd.s32 s14, v0;
	s13 =	sadd.s32 $0xFFFFFFC0, s8;
	s10 =	smov.u32 s11;
	v27 =	vld.idx.msk [tilespmem:v24+s23+$0x0], $0xffff;
	[tilespmem:s1+$0xFFFFFFE0] =	vst v25  }
0x253: {  	s14 =	sadd.s32 $0xFFFFFF1F, s7;
	v38 =	vadd.s32 s13, v0;
	v37 =	vld.idx.msk [tilespmem:v28+s23+$0x0], $0xffff;
	[tilespmem:s1+$0x60] =	vst v26  }
0x254: {  	v39 =	vadd.s32 s14, v0;
	s13 =	sadd.s32 $0xFFFFFFA0, s7;
	[tilespmem:s4+$0xFFFFFFC0] =	vst v30;
	v40 =	vld.idx.msk [tilespmem:v31+s23+$0x0], $0xffff  }
0x255: {  	v42 =	vadd.s32 s3, v0;
	s3 =	smov.u32 s9;
	s9 =	smov.u32 s8;
	s8 =	smov.u32 s7;
	v31 =	vadd.s32 s13, v0;
	v41 =	vld.idx.msk [tilespmem:v33+s23+$0x0], $0xffff;
	[tilespmem:s4+$0x40] =	vst v29  }
0x256: {  	s13 =	sadd.s32 $0xFFFFFF6F, s3;
	[tilespmem:s11+$0xFFFFFFA0] =	vst v32;
	v24 =	vld.idx.msk [tilespmem:v35+s23+$0x0], $0xffff  }
.Ltmp12:
0x257: {  	v25 =	vadd.s32 s13, v0;
	s13 =	sadd.s32 $0xFFFFFFF0, s3;
	s11 =	sadd.s32 $0x100, s11;
	v28 =	vld.idx.msk [tilespmem:v36+s23+$0x0], $0xffff;
	[tilespmem:s10+$0x20] =	vst v34;
	(pc) =	sbr.rel @p4 .LBB2_11-.Ltmp12, $4  }
0x258: {  	s14 =	sadd.s32 $0xFFFFFF4F, s9;
	v26 =	vadd.s32 s13, v0;
	[tilespmem:s11+$0xFFFFFF80] =	vst v27;
	v29 =	vld.idx.msk [tilespmem:v38+s23+$0x0], $0xffff  }
0x259: {  	v30 =	vadd.s32 s14, v0;
	s13 =	sadd.s32 $0xFFFFFFD0, s9;
	v32 =	vld.idx.msk [tilespmem:v39+s23+$0x0], $0xffff;
	[tilespmem:s11+$0x0] =	vst v37  }
0x25a: {  	s14 =	sadd.s32 $0xFFFFFF2F, s7;
	v33 =	vld.idx.msk [tilespmem:v31+s23+$0x0], $0xffff;
	v31 =	vadd.s32 s13, v0;
	[tilespmem:s1+$0xFFFFFFF0] =	vst v40  }
0x25b: {  	s7 =	sadd.s32 $0x102, s7;
	v34 =	vadd.s32 s14, v0;
	s13 =	sadd.s32 $0xFFFFFFB0, s8;
	[tilespmem:s4+$0xFFFFFFD0] =	vst v41;
	v27 =	vld.idx.msk [tilespmem:v42+s23+$0x0], $0xffff  }
0x25c: {  	v35 =	vadd.s32 s13, v0;
	_ =	sdelay $0x2  }
0x25d: {  	[tilespmem:s11+$0xFFFFFF90] =	vst v32  }
0x25e: {  	s5 =	sadd.s32 $0xFFFFFF3F, s8;
	v32 =	vld.idx.msk [tilespmem:v34+s23+$0x0], $0xffff;
	[tilespmem:s11+$0x10] =	vst v33  }
0x25f: {  	s13 =	sadd.s32 $0xFFFFFFC0, s8;
	v40 =	vadd.s32 s5, v0;
	v33 =	vld.idx.msk [tilespmem:v35+s23+$0x0], $0xffff  }
0x260: {  	v41 =	vadd.s32 s13, v0;
	_ =	sdelay $0x2  }
0x261: {  	[tilespmem:s11+$0xFFFFFFA0] =	vst v32  }
0x262: {  	s14 =	sadd.s32 $0xFFFFFF4F, s8;
	v32 =	vld.idx.msk [tilespmem:v40+s23+$0x0], $0xffff;
	[tilespmem:s11+$0x20] =	vst v33  }
0x263: {  	s20 =	sadd.s32 $0xFFFFFFD0, s8;
	v42 =	vadd.s32 s14, v0;
	v33 =	vld.idx.msk [tilespmem:v41+s23+$0x0], $0xffff  }
0x264: {  	v43 =	vadd.s32 s20, v0  }
0x265: {  	[tilespmem:s10+$0xFFFFFFB0] =	vst v28  }
0x266: {  	s21 =	sadd.s32 $0xFFFFFF5F, s9;
	v28 =	vld.idx.msk [tilespmem:v30+s23+$0x0], $0xffff;
	[tilespmem:s10+$0x30] =	vst v29  }
0x267: {  	s22 =	sadd.s32 $0xFFFFFFE0, s9;
	v44 =	vadd.s32 s21, v0;
	v29 =	vld.idx.msk [tilespmem:v31+s23+$0x0], $0xffff;
	[tilespmem:s11+$0xFFFFFFB0] =	vst v32  }
0x268: {  	s24 =	sadd.s32 $0xFFFFFF5F, s8;
	v45 =	vadd.s32 s22, v0;
	v32 =	vld.idx.msk [tilespmem:v42+s23+$0x0], $0xffff;
	[tilespmem:s11+$0x30] =	vst v33  }
0x269: {  	s25 =	sadd.s32 $0xFFFFFFE0, s8;
	v46 =	vadd.s32 s24, v0;
	v33 =	vld.idx.msk [tilespmem:v43+s23+$0x0], $0xffff  }
0x26a: {  	v47 =	vadd.s32 s25, v0  }
0x26b: {  	[tilespmem:s10+$0xFFFFFFC0] =	vst v28  }
0x26c: {  	s26 =	sadd.s32 $0xFFFFFF6F, s9;
	v28 =	vld.idx.msk [tilespmem:v44+s23+$0x0], $0xffff;
	[tilespmem:s10+$0x40] =	vst v29  }
0x26d: {  	s7 =	sadd.s32 $0xFFFFFFF0, s9;
	v48 =	vadd.s32 s26, v0;
	v29 =	vld.idx.msk [tilespmem:v45+s23+$0x0], $0xffff;
	[tilespmem:s11+$0xFFFFFFC0] =	vst v32  }
0x26e: {  	v49 =	vadd.s32 s7, v0;
	s13 =	sadd.s32 $0xFFFFFF6F, s8;
	v32 =	vld.idx.msk [tilespmem:v46+s23+$0x0], $0xffff;
	[tilespmem:s11+$0x40] =	vst v33  }
0x26f: {  	[tilespmem:s4+$0x50] =	vst v24;
	s14 =	sadd.s32 $0xFFFFFFF0, s8;
	v51 =	vadd.s32 s13, v0;
	v50 =	vld.idx.msk [tilespmem:v47+s23+$0x0], $0xffff  }
0x270: {  	v25 =	vld.idx.msk [tilespmem:v25+s23+$0x0], $0xffff;
	s7 =	sadd.s32 $0xFFFFFF7F, s3;
	v52 =	vadd.s32 s14, v0;
	[tilespmem:s1+$0x70] =	vst v27  }
0x271: {  	v26 =	vld.idx.msk [tilespmem:v26+s23+$0x0], $0xffff;
	v53 =	vadd.s32 s7, v0;
	[tilespmem:s10+$0xFFFFFFD0] =	vst v28  }
0x272: {  	v54 =	vadd.s32 s3, v0;
	s20 =	sadd.s32 $0xFFFFFF7F, s9;
	v30 =	vld.idx.msk [tilespmem:v48+s23+$0x0], $0xffff;
	[tilespmem:s10+$0x50] =	vst v29  }
0x273: {  	v55 =	vadd.s32 s20, v0;
	v29 =	vld.idx.msk [tilespmem:v49+s23+$0x0], $0xffff;
	[tilespmem:s11+$0xFFFFFFD0] =	vst v32  }
0x274: {  	v56 =	vadd.s32 s9, v0;
	s21 =	sadd.s32 $0xFFFFFF7F, s8;
	v33 =	vld.idx.msk [tilespmem:v51+s23+$0x0], $0xffff;
	[tilespmem:s11+$0x50] =	vst v50  }
0x275: {  	v57 =	vadd.s32 s21, v0;
	[tilespmem:s4+$0xFFFFFFE0] =	vst v25;
	v24 =	vld.idx.msk [tilespmem:v52+s23+$0x0], $0xffff  }
0x276: {  	v59 =	vadd.s32 s8, v0;
	[tilespmem:s4+$0x60] =	vst v26;
	v58 =	vld.idx.msk [tilespmem:v53+s23+$0x0], $0xffff  }
0x277: {  	v28 =	vld.idx.msk [tilespmem:v54+s23+$0x0], $0xffff;
	[tilespmem:s10+$0xFFFFFFE0] =	vst v30  }
0x278: {  	[tilespmem:s10+$0x60] =	vst v29;
	v60 =	vld.idx.msk [tilespmem:v55+s23+$0x0], $0xffff  }
0x279: {  	v61 =	vld.idx.msk [tilespmem:v56+s23+$0x0], $0xffff;
	[tilespmem:s11+$0xFFFFFFE0] =	vst v33  }
0x27a: {  	v62 =	vld.idx.msk [tilespmem:v57+s23+$0x0], $0xffff;
	[tilespmem:s11+$0x60] =	vst v24  }
0x27b: {  	[tilespmem:s4+$0xFFFFFFF0] =	vst v58;
	v63 =	vld.idx.msk [tilespmem:v59+s23+$0x0], $0xffff  }
0x27c: {  	[tilespmem:s4+$0x70] =	vst v28  }
0x27d: {  	s22 =	sshll.u32 s19, $0xA;
	[tilespmem:s10+$0xFFFFFFF0] =	vst v60  }
0x27e: {  	s0 =	sadd.s32 s0, s22;
	[tilespmem:s10+$0x70] =	vst v61  }
0x27f: {  	s0 =	sshrl.u32 s0, $0x3;
	[tilespmem:s11+$0xFFFFFFF0] =	vst v62  }
0x280: {  	s3 =	simm.s32 $0x400;
	s24 =	simm.s32 $0x9000;
	s0 =	sadd.s32 s15, s0;
	[tilespmem:s11+$0x70] =	vst v63  }
0x281: {  	[hbm4b:s0+s3] =	stream.strided.scatter [tilespmem:s24], [sflag:$0x3], $0x4000, s16, s3, $0x38;
	[tilespmem:$0x1D080] =	vst v63  }
0x282: {  	s25 =	sshll.u32 s19, $0x13;
	s26 =	sshll.u32 s17, $0xA;
	s30 =	rddreg [dreg:$0x6]  }
0x283: {  	s1 =	simm.s32 $0x11000;
	s0 =	sadd.s32 s26, s25;
	s14 =	rddreg [dreg:$0x17]  }
.LBB2_16:
0x284: {  	_ = 	snop  }
0x285: {  	s0 =	sshrl.u32 s0, $0x3  }
0x286: {  	s0 =	sadd.s32 s15, s0  }
0x287: {  	[hbm4b:s0+s3] =	stream.strided.scatter [tilespmem:s1], [sflag:$0x3], $0x4000, s16, s3, $0x38;
	[tilespmem:$0x1D080] =	vst v63  }
0x288: {  	s16 =	rddreg [dreg:$0x18]  }
.LBB2_17:
0x289: {  	s0 =	rddreg [dreg:$0x19]  }
0x28a: {  	p4 =	sgt.u32 s0, $0x10  }
.Ltmp13:
0x28b: {  	_ = 	snop;
	(pc) =	sbr.rel @p4 .LBB2_33-.Ltmp13, $1  }
0x28c: {  	_ =	sdelay $0x3  }
0x28d: {  	s1 =	rddreg [dreg:$0xb]  }
0x28e: {  	p4 =	slt.u32 @!p3 s16, s1  }
0x28f: {  	s0 =	sadd.s32 @!p3 $0xFFFFFFFF, s16;
	p4 =	por !p4, p3  }
0x290: {  	s3 =	smov.u32 s30;
	s1 =	sadd.s32 @!p3 s28, s0;
	s0 =	simm.s32 @p4 $0x0  }
0x291: {  	s3 =	smov.u32 @p4 s1;
	s1 =	simm.s32 @!p3 $0x4;
	s0 =	sadd.s32 @!p3 s30, s0  }
0x292: {  	_ =	swait.ge @!p3 [sflag:s1], $0x4000;
	p4 =	seq.s32 @!p3 s3, s0;
	s0 =	stileid.u32  }
0x293: {  	[sflag:s1] =	ssyncset.done @!p3 $0x0;
	p5 =	slt.u32 @!p3 s0, $0x8  }
0x294: {  	p4 =	por p4, p3;
	[sflag:s1] =	ssyncadd.s32 @!p3 $0xFFFFC000;
	p3 =	por p3, p5  }
0x295: {  	p5 =	sgt.u32 @!p3 s12, $0x6  }
0x296: {  	p3 =	por p3, !p5  }
.Ltmp14:
0x297: {  	_ = 	snop;
	(pc) =	sbr.rel @!p3 .LBB2_22-.Ltmp14, $4  }
0x298: {  	s0 =	simm.s32 @!p4 $0x4  }
0x299: {  	_ =	swait.ge @!p4 [sflag:s0], $0x4000  }
0x29a: {  	[sflag:s0] =	ssyncset.done @!p4 $0x0  }
0x29b: {  	[sflag:s0] =	ssyncadd.s32 @!p4 $0xFFFFC000  }
0x29c: {  	s1 =	sadd.s32 $0x2, s16;
	s0 =	ssub.s32 $0x1E, s16  }
0x29d: {  	p3 =	slt.u32 s30, s0;
	s3 =	sadd.s32 s28, s1  }
0x29e: {  	s25 =	smov.u32 s14;
	s7 =	rddreg [dreg:$0x5];
	s3 =	smov.u32 @p3 s30  }
0x29f: {  	s21 =	simm.s32 $0xFFFFFFFF;
	s11 =	rddreg [dreg:$0x12];
	s17 =	smul.u32 $0x7FF80, s3  }
0x2a0: {  	s1 =	simm.s32 @!p3 $0x0;
	s16 =	sshll.u32 s3, $0x7;
	s5 =	smul.u32 $0x7FE00, s3  }
0x2a1: {  	s7 =	sadd.s32 s1, s7;
	s1 =	sshll.u32 s1, $0x7;
	s10 =	smul.u32 $0x7FE80, s3  }
0x2a2: {  	s24 =	sshll.u32 s3, $0x9;
	s26 =	smul.u32 $0x7FF00, s3;
	s4 =	sadd.s32 $0xFFFFFFFF, s16  }
0x2a3: {  	s7 =	sshll.u32 s7, $0x7;
	s1 =	sadd.s32 s1, s11;
	s0 =	smul.u32 s16, s4  }
0x2a4: {  	s3 =	ssub.s32 $0x3FFC, s24;
	s24 =	simm.s32 $0x120;
	s19 =	sadd.s32 s17, s18  }
0x2a5: {  	s20 =	sadd.s32 s7, s5;
	s10 =	sadd.s32 s7, s10;
	s8 =	sshra.s32 s0, $0x1  }
0x2a6: {  	s7 =	sadd.s32 s7, s26;
	s16 =	simm.s32 $0x0;
	s0 =	ssub.s32 s19, s8  }
0x2a7: {  	s4 =	ssub.s32 s20, s8;
	[dreg:$0x4] =	wrdreg s0;
	s0 =	simm.s32 $0x0  }
0x2a8: {  	s5 =	ssub.s32 s10, s8;
	s11 =	ssub.s32 s7, s8;
	s22 =	smul.u32 s0, s21  }
0x2a9: {  	s10 =	simm.s32 $0x1B0;
	s19 =	simm.s32 $0x0;
	s9 =	rddreg [dreg:$0x4]  }
0x2aa: {  	s13 =	sadd.s32 $0x2FFD, s4;
	s9 =	sadd.s32 s1, s9;
	s4 =	sshra.s32 s22, $0x1  }
0x2ab: {  	s20 =	simm.s32 $0x90;
	s14 =	sadd.s32 $0x1FFE, s5;
	s4 =	ssub.s32 s9, s4  }
0x2ac: {  	s17 =	sadd.s32 $0xFFF, s11;
	s21 =	simm.s32 $0x1;
	s9 =	sand.u32 $0xFFFFFFF0, s4  }
0x2ad: {  	s5 =	simm.s32 $0x6;
	s8 =	ssub.s32 s14, s21;
	p3 =	slt.s32 s9, $0x800770  }
0x2ae: {  	s22 =	simm.s32 $0x3;
	s8 =	sadd.s32 s8, s18;
	s9 =	simm.s32 @!p3 $0x800770  }
0x2af: {  	s11 =	ssub.s32 s13, s22;
	s15 =	sshrl.u32 s9, $0x3;
	s9 =	ssub.s32 s17, s19  }
0x2b0: {  	s11 =	sadd.s32 s11, s18;
	s7 =	sadd.s32 s2, s15;
	s9 =	sadd.s32 s9, s18  }
0x2b1: {  	[tilespmem:s16], [sflag:$0x1] =	stream.linear.gather [hbm4b:s7+s6], $0x90, $0x38;
	[tilespmem:$0x1D080] =	vst v63  }
0x2b2: {  	s8 =	sand.u32 $0xFFFFFFF0, s8;
	s11 =	sand.u32 $0xFFFFFFF0, s11;
	s9 =	sand.u32 $0xFFFFFFF0, s9  }
0x2b3: {  	s4 =	simm.s32 $0x24;
	p4 =	slt.s32 s11, $0x800770;
	p3 =	slt.s32 s9, $0x800770  }
0x2b4: {  	s11 =	simm.s32 @!p4 $0x800770;
	s9 =	simm.s32 @!p3 $0x800770;
	p3 =	slt.s32 s8, $0x800770  }
0x2b5: {  	s17 =	sadd.s32 s3, s17;
	s9 =	sshrl.u32 s9, $0x3;
	s8 =	simm.s32 @!p3 $0x800770  }
0x2b6: {  	s26 =	sshrl.u32 s11, $0x3;
	s9 =	sadd.s32 s2, s9;
	s8 =	sshrl.u32 s8, $0x3  }
0x2b7: {  	[tilespmem:s20], [sflag:$0x1] =	stream.linear.gather [hbm4b:s9+s6], $0x90, $0x38;
	[tilespmem:$0x1D080] =	vst v63  }
0x2b8: {  	s11 =	simm.s32 $0x3F0;
	s15 =	sadd.s32 s3, s13;
	s8 =	sadd.s32 s2, s8  }
0x2b9: {  	[tilespmem:s24], [sflag:$0x1] =	stream.linear.gather [hbm4b:s8+s6], $0x90, $0x38;
	[tilespmem:$0x1D080] =	vst v63  }
0x2ba: {  	s7 =	simm.s32 $0x1C;
	s16 =	sadd.s32 s3, s14;
	s9 =	sadd.s32 s2, s26  }
0x2bb: {  	[tilespmem:s10], [sflag:$0x1] =	stream.linear.gather [hbm4b:s9+s6], $0x90, $0x38;
	[tilespmem:$0x1D080] =	vst v63  }
0x2bc: {  	s8 =	simm.s32 $0x2;
	s9 =	simm.s32 $0x14;
	s10 =	simm.s32 $0x0  }
.LBB2_20:
0x2bd: {  	s13 =	sadd.s32 $0x3, s0  }
0x2be: {  	s0 =	sadd.s32 $0x4, s0;
	s1 =	sadd.s32 s3, s1;
	s14 =	rddreg [dreg:$0x4]  }
0x2bf: {  	s5 =	sadd.s32 s4, s5;
	s8 =	sadd.s32 s7, s8;
	s19 =	sadd.s32 $0xFFFFFE50, s11  }
0x2c0: {  	s20 =	sadd.s32 $0xFFFFFEE0, s11;
	s10 =	sadd.s32 s9, s10;
	s4 =	sadd.s32 $0x20, s4  }
0x2c1: {  	s7 =	sadd.s32 $0x20, s7;
	s21 =	sshrl.u32 s5, $0x1;
	s22 =	sshrl.u32 s8, $0x1  }
0x2c2: {  	s13 =	smul.u32 s0, s13;
	s24 =	sshrl.u32 s10, $0x1;
	s14 =	sadd.s32 s1, s14  }
0x2c3: {  	s21 =	ssub.s32 s15, s21;
	s22 =	ssub.s32 s16, s22;
	s24 =	ssub.s32 s17, s24  }
0x2c4: {  	s13 =	sshra.s32 s13, $0x1;
	s21 =	sadd.s32 s21, s18;
	s26 =	sadd.s32 s24, s18  }
0x2c5: {  	s13 =	ssub.s32 s14, s13;
	s14 =	sadd.s32 s22, s18;
	s21 =	sand.u32 $0xFFFFFFF0, s21  }
0x2c6: {  	s22 =	sand.u32 $0xFFFFFFF0, s26;
	s13 =	sand.u32 $0xFFFFFFF0, s13;
	p4 =	slt.s32 s21, $0x800770  }
0x2c7: {  	s14 =	sand.u32 $0xFFFFFFF0, s14;
	p3 =	slt.s32 s13, $0x800770;
	s21 =	simm.s32 @!p4 $0x800770  }
0x2c8: {  	s13 =	simm.s32 @!p3 $0x800770;
	p3 =	slt.s32 s22, $0x800770;
	s24 =	sshrl.u32 s21, $0x3  }
0x2c9: {  	s13 =	sshrl.u32 s13, $0x3;
	s22 =	simm.s32 @!p3 $0x800770;
	p3 =	slt.s32 s14, $0x800770  }
0x2ca: {  	s13 =	sadd.s32 s2, s13;
	s22 =	sshrl.u32 s22, $0x3;
	s14 =	simm.s32 @!p3 $0x800770  }
0x2cb: {  	[tilespmem:s19], [sflag:$0x1] =	stream.linear.gather [hbm4b:s13+s6], $0x90, $0x38;
	[tilespmem:$0x1D080] =	vst v63  }
0x2cc: {  	p3 =	slt.u32 s0, $0x7C;
	s19 =	sadd.s32 s2, s22;
	s14 =	sshrl.u32 s14, $0x3  }
0x2cd: {  	[tilespmem:s20], [sflag:$0x1] =	stream.linear.gather [hbm4b:s19+s6], $0x90, $0x38;
	[tilespmem:$0x1D080] =	vst v63  }
.Ltmp15:
0x2ce: {  	s22 =	sadd.s32 $0xFFFFFF70, s11;
	s14 =	sadd.s32 s2, s14;
	(pc) =	sbr.rel @p3 .LBB2_20-.Ltmp15, $4  }
0x2cf: {  	[tilespmem:s22], [sflag:$0x1] =	stream.linear.gather [hbm4b:s14+s6], $0x90, $0x38;
	[tilespmem:$0x1D080] =	vst v63  }
0x2d0: {  	s9 =	sadd.s32 $0x20, s9;
	s15 =	sadd.s32 s3, s15;
	s26 =	sadd.s32 s2, s24  }
0x2d1: {  	[tilespmem:s11], [sflag:$0x1] =	stream.linear.gather [hbm4b:s26+s6], $0x90, $0x38;
	[tilespmem:$0x1D080] =	vst v63  }
0x2d2: {  	s16 =	sadd.s32 s3, s16;
	s17 =	sadd.s32 s3, s17;
	s11 =	sadd.s32 $0x240, s11  }
0x2d3: {  	s14 =	smov.u32 s25  }
.LBB2_22:
.Ltmp16:
0x2d4: {  	(pc) =	sbr.rel @!p2 .LBB2_34-.Ltmp16, $1  }
0x2d5: {  	_ =	sdelay $0x3  }
0x2d6: {  	s16 =	rddreg [dreg:$0x16];
	s21 =	sadd.s32 s14, s30;
	s7 =	simm.s32 $0xFFFFFFFF  }
0x2d7: {  	s25 =	rddreg [dreg:$0x5];
	s0 =	sshll.u32 s16, $0x7;
	s3 =	smul.u32 $0x7FF80, s16  }
0x2d8: {  	s9 =	rddreg [dreg:$0x14];
	s5 =	smul.u32 $0x7FF00, s16;
	s1 =	sadd.s32 $0xFFFFFFFF, s0  }
0x2d9: {  	s11 =	simm.s32 $0x0;
	s0 =	smul.u32 s0, s1;
	s1 =	simm.s32 $0x0  }
0x2da: {  	s4 =	sshll.u32 s21, $0x7;
	s9 =	sadd.s32 s5, s9;
	s22 =	smul.u32 s1, s7  }
0x2db: {  	s8 =	sshra.s32 s0, $0x1;
	s0 =	sadd.s32 s4, s3;
	s4 =	sadd.s32 s14, s25  }
0x2dc: {  	s24 =	ssub.s32 s0, s8;
	s4 =	sshll.u32 s4, $0x7;
	s3 =	sshra.s32 s22, $0x1  }
0x2dd: {  	s17 =	smov.u32 s14;
	s9 =	sadd.s32 s4, s9;
	s10 =	ssub.s32 s24, s3  }
0x2de: {  	s31 =	rddreg [dreg:$0x13];
	s9 =	ssub.s32 s9, s8;
	s10 =	sand.u32 $0xFFFFFFF0, s10  }
0x2df: {  	s25 =	ssub.s32 $0x0, s8;
	s26 =	ssub.s32 s9, s11;
	p2 =	slt.s32 s10, $0x800770  }
0x2e0: {  	s13 =	sadd.s32 s0, s25;
	s8 =	sand.u32 $0xFFFFFFF0, s26;
	s10 =	simm.s32 @!p2 $0x800770  }
0x2e1: {  	s5 =	sadd.s32 s5, s31;
	p2 =	slt.s32 s8, $0x800770;
	s13 =	ssub.s32 s13, s10  }
0x2e2: {  	s14 =	sadd.s32 s4, s5;
	s8 =	simm.s32 @!p2 $0x800770;
	s3 =	ssub.s32 s13, s3  }
0x2e3: {  	s4 =	ssub.s32 s14, s8;
	v24 =	vadd.s32 s3, v0  }
0x2e4: {  	s15 =	simm.s32 $0x2;
	s4 =	ssub.s32 s4, s11  }
0x2e5: {  	_ =	swait.ge [sflag:s15], $0x4800;
	s5 =	sadd.s32 s4, s25  }
0x2e6: {  	[sflag:s15] =	ssyncset.done $0x0;
	v25 =	vadd.s32 s5, v0  }
0x2e7: {  	[sflag:s15] =	ssyncadd.s32 $0xFFFFB800  }
0x2e8: {  	v24 =	vld.idx.msk [tilespmem:v24+s29+$0x0], $0xffff  }
0x2e9: {  	v26 =	vadd.s32 s1, v1  }
0x2ea: {  	v27 =	vadd.s32 s3, v2  }
0x2eb: {  	s26 =	simm.s32 $0x1;
	v25 =	vld.idx.msk [tilespmem:v25+s29+$0x0], $0xffff  }
0x2ec: {  	v28 =	vadd.s32 s26, v1;
	s4 =	simm.s32 $0xD080  }
0x2ed: {  	v29 =	vadd.s32 s5, v2;
	[tilespmem:s4+$0xFFFFFF80] =	vst v24  }
0x2ee: {  	[tilespmem:v26+s23+$0x0] =	vst.idx.msk $0xffff, v24  }
0x2ef: {  	v24 =	vld.idx.msk [tilespmem:v27+s29+$0x0], $0xffff  }
0x2f0: {  	v26 =	vadd.s32 s1, v3;
	[tilespmem:s4+$0x0] =	vst v25  }
0x2f1: {  	v27 =	vadd.s32 s3, v4;
	[tilespmem:v28+s23+$0x0] =	vst.idx.msk $0xffff, v25  }
0x2f2: {  	v25 =	vld.idx.msk [tilespmem:v29+s29+$0x0], $0xffff  }
0x2f3: {  	s19 =	simm.s32 $0x1;
	s15 =	simm.s32 $0x2;
	v28 =	vadd.s32 s26, v3  }
0x2f4: {  	s20 =	sshll.u32 s16, $0x8;
	s8 =	smul.u32 s15, s19;
	v29 =	vadd.s32 s5, v4;
	[tilespmem:s4+$0xFFFFFF90] =	vst v24  }
0x2f5: {  	s19 =	ssub.s32 $0x1FFE, s20;
	[tilespmem:v26+s23+$0x0] =	vst.idx.msk $0xffff, v24  }
0x2f6: {  	s21 =	sshra.s32 s8, $0x1;
	s8 =	sadd.s32 s19, s24;
	v24 =	vld.idx.msk [tilespmem:v27+s29+$0x0], $0xffff  }
0x2f7: {  	s7 =	ssub.s32 s8, s21;
	v26 =	vadd.s32 s1, v5;
	[tilespmem:s4+$0x10] =	vst v25  }
0x2f8: {  	s22 =	simm.s32 $0x3;
	s20 =	ssub.s32 $0x211E, s20;
	s11 =	sand.u32 $0xFFFFFFF0, s7;
	v27 =	vadd.s32 s3, v6;
	[tilespmem:v28+s23+$0x0] =	vst.idx.msk $0xffff, v25  }
0x2f9: {  	s9 =	sadd.s32 s19, s9;
	s7 =	sadd.s32 s20, s0;
	p2 =	slt.s32 s11, $0x800770;
	v25 =	vld.idx.msk [tilespmem:v29+s29+$0x0], $0xffff  }
0x2fa: {  	s24 =	ssub.s32 s9, s22;
	s31 =	sadd.s32 s7, s25;
	s11 =	simm.s32 @!p2 $0x800770;
	v28 =	vadd.s32 s26, v5  }
0x2fb: {  	s0 =	sand.u32 $0xFFFFFFF0, s24;
	s11 =	ssub.s32 s31, s11;
	v29 =	vadd.s32 s5, v6;
	[tilespmem:s4+$0xFFFFFFA0] =	vst v24  }
0x2fc: {  	p2 =	slt.s32 s0, $0x800770;
	s11 =	ssub.s32 s11, s21;
	[tilespmem:v26+s23+$0x0] =	vst.idx.msk $0xffff, v24  }
0x2fd: {  	s0 =	simm.s32 @!p2 $0x800770;
	s21 =	sadd.s32 s20, s14;
	v26 =	vadd.s32 s11, v0;
	v24 =	vld.idx.msk [tilespmem:v27+s29+$0x0], $0xffff  }
0x2fe: {  	s0 =	ssub.s32 s21, s0;
	v27 =	vadd.s32 s1, v7;
	[tilespmem:s4+$0x20] =	vst v25  }
0x2ff: {  	s0 =	ssub.s32 s0, s22;
	[tilespmem:v28+s23+$0x0] =	vst.idx.msk $0xffff, v25;
	v25 =	vadd.s32 s3, v8  }
0x300: {  	s10 =	sadd.s32 s0, s25;
	v28 =	vld.idx.msk [tilespmem:v29+s29+$0x0], $0xffff  }
0x301: {  	v30 =	vadd.s32 s26, v7;
	v29 =	vadd.s32 s10, v0  }
0x302: {  	v26 =	vld.idx.msk [tilespmem:v26+s29+$0x0], $0xffff;
	[tilespmem:s4+$0xFFFFFFB0] =	vst v24  }
0x303: {  	[tilespmem:v27+s23+$0x0] =	vst.idx.msk $0xffff, v24;
	v24 =	vadd.s32 s5, v8;
	v27 =	vadd.s32 s15, v1  }
0x304: {  	v25 =	vld.idx.msk [tilespmem:v25+s29+$0x0], $0xffff  }
0x305: {  	v32 =	vadd.s32 s1, v9;
	v31 =	vadd.s32 s11, v2;
	[tilespmem:s4+$0x30] =	vst v28  }
0x306: {  	s24 =	simm.s32 $0x3;
	s0 =	simm.s32 $0xD180;
	v29 =	vld.idx.msk [tilespmem:v29+s29+$0x0], $0xffff;
	[tilespmem:v30+s23+$0x0] =	vst.idx.msk $0xffff, v28  }
0x307: {  	v28 =	vadd.s32 s3, v10;
	[tilespmem:s0+$0xFFFFFF80] =	vst v26;
	v30 =	vadd.s32 s24, v1  }
0x308: {  	v24 =	vld.idx.msk [tilespmem:v24+s29+$0x0], $0xffff;
	[tilespmem:v27+s23+$0x0] =	vst.idx.msk $0xffff, v26  }
0x309: {  	v26 =	vadd.s32 s10, v2;
	v27 =	vadd.s32 s26, v9;
	[tilespmem:s4+$0xFFFFFFC0] =	vst v25  }
0x30a: {  	v31 =	vld.idx.msk [tilespmem:v31+s29+$0x0], $0xffff;
	[tilespmem:v32+s23+$0x0] =	vst.idx.msk $0xffff, v25  }
0x30b: {  	v61 =	vadd.s32 s15, v3;
	v25 =	vadd.s32 s5, v10;
	[tilespmem:s0+$0x0] =	vst v29  }
0x30c: {  	v28 =	vld.idx.msk [tilespmem:v28+s29+$0x0], $0xffff;
	[tilespmem:v30+s23+$0x0] =	vst.idx.msk $0xffff, v29  }
0x30d: {  	v30 =	vadd.s32 s1, v11;
	[tilespmem:s4+$0x40] =	vst v24  }
0x30e: {  	v29 =	vadd.s32 s11, v4;
	v26 =	vld.idx.msk [tilespmem:v26+s29+$0x0], $0xffff;
	[tilespmem:v27+s23+$0x0] =	vst.idx.msk $0xffff, v24  }
0x30f: {  	[tilespmem:s0+$0xFFFFFF90] =	vst v31;
	v27 =	vadd.s32 s24, v3  }
0x310: {  	v24 =	vadd.s32 s3, v12;
	v25 =	vld.idx.msk [tilespmem:v25+s29+$0x0], $0xffff;
	[tilespmem:v61+s23+$0x0] =	vst.idx.msk $0xffff, v31  }
0x311: {  	[tilespmem:s4+$0xFFFFFFD0] =	vst v28  }
0x312: {  	v62 =	vadd.s32 s26, v11;
	[tilespmem:v30+s23+$0x0] =	vst.idx.msk $0xffff, v28  }
0x313: {  	v31 =	vadd.s32 s10, v4;
	v29 =	vld.idx.msk [tilespmem:v29+s29+$0x0], $0xffff;
	[tilespmem:s0+$0x10] =	vst v26  }
0x314: {  	s14 =	simm.s32 $0x3;
	s22 =	simm.s32 $0x4;
	v28 =	vadd.s32 s15, v5;
	[tilespmem:v27+s23+$0x0] =	vst.idx.msk $0xffff, v26  }
0x315: {  	s17 =	sadd.s32 s30, s17;
	s13 =	smul.u32 s22, s14;
	v24 =	vld.idx.msk [tilespmem:v24+s29+$0x0], $0xffff;
	v26 =	vadd.s32 s5, v12;
	[tilespmem:s4+$0x50] =	vst v25  }
0x316: {  	v30 =	vadd.s32 s1, v13;
	[dreg:$0x1c] =	wrdreg s17  }
0x317: {  	s8 =	sadd.s32 s19, s8;
	v33 =	vadd.s32 s11, v6;
	s16 =	sshra.s32 s13, $0x1;
	[tilespmem:v62+s23+$0x0] =	vst.idx.msk $0xffff, v25  }
0x318: {  	s31 =	ssub.s32 s8, s16;
	v34 =	vld.idx.msk [tilespmem:v31+s29+$0x0], $0xffff;
	[tilespmem:s0+$0xFFFFFFA0] =	vst v29  }
0x319: {  	s9 =	sadd.s32 s19, s9;
	v63 =	vadd.s32 s24, v5;
	s13 =	simm.s32 $0xA;
	s17 =	sand.u32 $0xFFFFFFF0, s31;
	v31 =	vadd.s32 s3, v14;
	[tilespmem:v28+s23+$0x0] =	vst.idx.msk $0xffff, v29  }
0x31a: {  	s28 =	ssub.s32 s9, s13;
	p2 =	slt.s32 s17, $0x800770;
	s3 =	sadd.s32 s20, s7;
	[tilespmem:s4+$0xFFFFFFE0] =	vst v24;
	v27 =	vld.idx.msk [tilespmem:v26+s29+$0x0], $0xffff;
	v26 =	vadd.s32 s10, v6  }
0x31b: {  	s28 =	sand.u32 $0xFFFFFFF0, s28;
	s17 =	simm.s32 @!p2 $0x800770;
	s7 =	sadd.s32 s3, s25;
	[tilespmem:v30+s23+$0x0] =	vst.idx.msk $0xffff, v24;
	v30 =	vadd.s32 s26, v13  }
0x31c: {  	p2 =	slt.s32 s28, $0x800770;
	s17 =	ssub.s32 s7, s17;
	s7 =	simm.s32 $0xE;
	v25 =	vld.idx.msk [tilespmem:v33+s29+$0x0], $0xffff;
	v24 =	vadd.s32 s5, v14  }
0x31d: {  	v29 =	vadd.s32 s15, v7;
	s28 =	simm.s32 @!p2 $0x800770;
	s17 =	ssub.s32 s17, s16;
	s5 =	sadd.s32 s20, s21;
	[tilespmem:s0+$0x20] =	vst v34  }
0x31e: {  	s21 =	simm.s32 $0x14;
	s30 =	ssub.s32 s5, s28;
	s28 =	simm.s32 $0x6;
	v28 =	vld.idx.msk [tilespmem:v31+s29+$0x0], $0xffff;
	v31 =	vadd.s32 s17, v0;
	[tilespmem:v63+s23+$0x0] =	vst.idx.msk $0xffff, v34  }
.LBB2_24:
0x31f: {  	p2 =	slt.u32 s28, $0x7E;
	s13 =	ssub.s32 s30, s13;
	v26 =	vld.idx.msk [tilespmem:v26+s29+$0x0], $0xffff;
	v32 =	vadd.s32 s1, v15;
	[tilespmem:s4+$0x60] =	vst v27;
	s1 =	smov.u32 s15  }
0x320: {  	v33 =	vadd.s32 s11, v8;
	s15 =	smov.u32 s22;
	s22 =	smov.u32 s28;
	s30 =	sadd.s32 s13, s25;
	[tilespmem:v30+s23+$0x0] =	vst.idx.msk $0xffff, v27  }
0x321: {  	v30 =	vadd.s32 s24, v7;
	v27 =	vadd.s32 s30, v0;
	[tilespmem:s0+$0xFFFFFFB0] =	vst v25;
	v24 =	vld.idx.msk [tilespmem:v24+s29+$0x0], $0xffff  }
0x322: {  	[tilespmem:v29+s23+$0x0] =	vst.idx.msk $0xffff, v25;
	v25 =	vadd.s32 s10, v8  }
0x323: {  	v29 =	vld.idx.msk [tilespmem:v31+s29+$0x0], $0xffff;
	[tilespmem:s4+$0xFFFFFFF0] =	vst v28;
	v31 =	vadd.s32 s26, v15;
	s26 =	smov.u32 s24  }
0x324: {  	[tilespmem:v32+s23+$0x0] =	vst.idx.msk $0xffff, v28  }
0x325: {  	v28 =	vadd.s32 s15, v1;
	v32 =	vld.idx.msk [tilespmem:v33+s29+$0x0], $0xffff;
	[tilespmem:s0+$0x30] =	vst v26  }
0x326: {  	v33 =	vadd.s32 s17, v2;
	v27 =	vld.idx.msk [tilespmem:v27+s29+$0x0], $0xffff;
	[tilespmem:v30+s23+$0x0] =	vst.idx.msk $0xffff, v26  }
0x327: {  	v26 =	vadd.s32 s1, v9;
	v25 =	vld.idx.msk [tilespmem:v25+s29+$0x0], $0xffff;
	[tilespmem:s4+$0x70] =	vst v24;
	s4 =	smov.u32 s0  }
0x328: {  	s24 =	sadd.s32 $0x1, s15;
	v30 =	vadd.s32 s11, v10;
	s0 =	sadd.s32 $0x100, s0;
	[tilespmem:v31+s23+$0x0] =	vst.idx.msk $0xffff, v24  }
0x329: {  	v24 =	vadd.s32 s24, v1;
	[tilespmem:s0+$0xFFFFFF80] =	vst v29  }
0x32a: {  	[tilespmem:v28+s23+$0x0] =	vst.idx.msk $0xffff, v29;
	v28 =	vadd.s32 s30, v2  }
0x32b: {  	v31 =	vadd.s32 s26, v9;
	v29 =	vld.idx.msk [tilespmem:v33+s29+$0x0], $0xffff;
	[tilespmem:s4+$0xFFFFFFC0] =	vst v32  }
0x32c: {  	[tilespmem:v26+s23+$0x0] =	vst.idx.msk $0xffff, v32;
	v26 =	vadd.s32 s10, v10  }
0x32d: {  	v32 =	vadd.s32 s15, v3;
	[tilespmem:s0+$0x0] =	vst v27;
	v30 =	vld.idx.msk [tilespmem:v30+s29+$0x0], $0xffff  }
0x32e: {  	v33 =	vadd.s32 s17, v4;
	[tilespmem:v24+s23+$0x0] =	vst.idx.msk $0xffff, v27  }
0x32f: {  	v27 =	vadd.s32 s1, v11;
	v24 =	vld.idx.msk [tilespmem:v28+s29+$0x0], $0xffff;
	[tilespmem:s4+$0x40] =	vst v25  }
0x330: {  	v28 =	vadd.s32 s11, v12;
	[tilespmem:v31+s23+$0x0] =	vst.idx.msk $0xffff, v25  }
0x331: {  	v25 =	vadd.s32 s24, v3;
	[tilespmem:s0+$0xFFFFFF90] =	vst v29;
	v26 =	vld.idx.msk [tilespmem:v26+s29+$0x0], $0xffff  }
0x332: {  	[tilespmem:v32+s23+$0x0] =	vst.idx.msk $0xffff, v29;
	v29 =	vadd.s32 s30, v4  }
0x333: {  	v32 =	vadd.s32 s26, v11;
	v31 =	vld.idx.msk [tilespmem:v33+s29+$0x0], $0xffff;
	[tilespmem:s4+$0xFFFFFFD0] =	vst v30  }
0x334: {  	s13 =	sadd.s32 $0xFFFFFFFF, s28;
	[tilespmem:v27+s23+$0x0] =	vst.idx.msk $0xffff, v30;
	v27 =	vadd.s32 s10, v12  }
0x335: {  	s13 =	smul.u32 s28, s13;
	v30 =	vadd.s32 s15, v5;
	[tilespmem:s0+$0x10] =	vst v24;
	v28 =	vld.idx.msk [tilespmem:v28+s29+$0x0], $0xffff  }
0x336: {  	s8 =	sadd.s32 s19, s8;
	v33 =	vadd.s32 s17, v6;
	[tilespmem:v25+s23+$0x0] =	vst.idx.msk $0xffff, v24  }
0x337: {  	s7 =	sadd.s32 $0x8, s7;
	s9 =	sadd.s32 s19, s9;
	s14 =	sshra.s32 s13, $0x1;
	v24 =	vadd.s32 s1, v13;
	v34 =	vld.idx.msk [tilespmem:v29+s29+$0x0], $0xffff;
	[tilespmem:s4+$0x50] =	vst v26  }
0x338: {  	v35 =	vadd.s32 s11, v14;
	s21 =	sadd.s32 s7, s21;
	s31 =	ssub.s32 s8, s14;
	s11 =	smov.u32 s17;
	[tilespmem:v32+s23+$0x0] =	vst.idx.msk $0xffff, v26  }
0x339: {  	s3 =	sadd.s32 s20, s3;
	s13 =	sshrl.u32 s21, $0x1;
	s17 =	sand.u32 $0xFFFFFFF0, s31;
	v32 =	vadd.s32 s24, v5;
	[tilespmem:s0+$0xFFFFFFA0] =	vst v31;
	v27 =	vld.idx.msk [tilespmem:v27+s29+$0x0], $0xffff  }
.Ltmp17:
0x33a: {  	s31 =	ssub.s32 s9, s13;
	p3 =	slt.s32 s17, $0x800770;
	v26 =	vadd.s32 s30, v6;
	[tilespmem:v30+s23+$0x0] =	vst.idx.msk $0xffff, v31;
	(pc) =	sbr.rel @p2 .LBB2_24-.Ltmp17, $4  }
0x33b: {  	s16 =	sadd.s32 s3, s25;
	s31 =	sand.u32 $0xFFFFFFF0, s31;
	s17 =	simm.s32 @!p3 $0x800770;
	v30 =	vadd.s32 s26, v13;
	v25 =	vld.idx.msk [tilespmem:v33+s29+$0x0], $0xffff;
	[tilespmem:s4+$0xFFFFFFE0] =	vst v28  }
0x33c: {  	p3 =	slt.s32 s31, $0x800770;
	s16 =	ssub.s32 s16, s17;
	[tilespmem:v24+s23+$0x0] =	vst.idx.msk $0xffff, v28;
	v24 =	vadd.s32 s10, v14;
	s10 =	smov.u32 s30  }
0x33d: {  	s5 =	sadd.s32 s20, s5;
	s31 =	simm.s32 @!p3 $0x800770;
	s17 =	ssub.s32 s16, s14;
	v29 =	vadd.s32 s15, v7;
	[tilespmem:s0+$0x20] =	vst v34;
	v28 =	vld.idx.msk [tilespmem:v35+s29+$0x0], $0xffff  }
0x33e: {  	s28 =	sadd.s32 $0x2, s28;
	v31 =	vadd.s32 s17, v0;
	s30 =	ssub.s32 s5, s31;
	[tilespmem:v32+s23+$0x0] =	vst.idx.msk $0xffff, v34  }
0x33f: {  	s3 =	ssub.s32 s30, s13  }
0x340: {  	s7 =	sadd.s32 s3, s25  }
0x341: {  	v32 =	vadd.s32 s7, v0;
	_ =	sdelay $0x2  }
0x342: {  	v31 =	vld.idx.msk [tilespmem:v31+s29+$0x0], $0xffff;
	[tilespmem:s4+$0x60] =	vst v27  }
0x343: {  	v33 =	vadd.s32 s22, v1;
	[tilespmem:v30+s23+$0x0] =	vst.idx.msk $0xffff, v27  }
0x344: {  	v34 =	vadd.s32 s17, v2;
	s5 =	sadd.s32 $0x1, s22;
	[tilespmem:s0+$0xFFFFFFB0] =	vst v25;
	v41 =	vld.idx.msk [tilespmem:v32+s29+$0x0], $0xffff  }
0x345: {  	v42 =	vadd.s32 s5, v1;
	[tilespmem:v29+s23+$0x0] =	vst.idx.msk $0xffff, v25  }
0x346: {  	s31 =	sadd.s32 $0x100, s0;
	v43 =	vadd.s32 s1, v15;
	v44 =	vadd.s32 s7, v2;
	[tilespmem:s4+$0xFFFFFFF0] =	vst v28  }
0x347: {  	v26 =	vld.idx.msk [tilespmem:v26+s29+$0x0], $0xffff;
	[tilespmem:s31+$0xFFFFFF80] =	vst v31  }
0x348: {  	v48 =	vadd.s32 s24, v7;
	[tilespmem:v33+s23+$0x0] =	vst.idx.msk $0xffff, v31  }
0x349: {  	v45 =	vld.idx.msk [tilespmem:v34+s29+$0x0], $0xffff;
	[tilespmem:s31+$0x0] =	vst v41  }
0x34a: {  	v46 =	vadd.s32 s22, v3;
	v50 =	vadd.s32 s11, v8;
	[tilespmem:v42+s23+$0x0] =	vst.idx.msk $0xffff, v41  }
0x34b: {  	v47 =	vadd.s32 s17, v4;
	[tilespmem:v43+s23+$0x0] =	vst.idx.msk $0xffff, v28;
	v49 =	vld.idx.msk [tilespmem:v44+s29+$0x0], $0xffff  }
0x34c: {  	v51 =	vadd.s32 s5, v3;
	[tilespmem:s0+$0x30] =	vst v26  }
0x34d: {  	v24 =	vld.idx.msk [tilespmem:v24+s29+$0x0], $0xffff;
	v52 =	vadd.s32 s7, v4;
	[tilespmem:v48+s23+$0x0] =	vst.idx.msk $0xffff, v26  }
0x34e: {  	v54 =	vadd.s32 s26, v15;
	[tilespmem:s31+$0xFFFFFF90] =	vst v45  }
0x34f: {  	v30 =	vld.idx.msk [tilespmem:v50+s29+$0x0], $0xffff;
	[tilespmem:v46+s23+$0x0] =	vst.idx.msk $0xffff, v45  }
0x350: {  	v56 =	vadd.s32 s10, v8;
	v29 =	vld.idx.msk [tilespmem:v47+s29+$0x0], $0xffff;
	[tilespmem:s31+$0x10] =	vst v49  }
0x351: {  	v53 =	vadd.s32 s22, v5;
	[tilespmem:v51+s23+$0x0] =	vst.idx.msk $0xffff, v49  }
0x352: {  	v55 =	vadd.s32 s17, v6;
	[tilespmem:s4+$0x70] =	vst v24;
	v25 =	vld.idx.msk [tilespmem:v52+s29+$0x0], $0xffff  }
0x353: {  	v57 =	vadd.s32 s5, v5;
	[tilespmem:v54+s23+$0x0] =	vst.idx.msk $0xffff, v24  }
0x354: {  	v58 =	vadd.s32 s15, v9;
	v59 =	vadd.s32 s7, v6;
	[tilespmem:s0+$0xFFFFFFC0] =	vst v30  }
0x355: {  	v28 =	vld.idx.msk [tilespmem:v56+s29+$0x0], $0xffff;
	[tilespmem:s31+$0xFFFFFFA0] =	vst v29  }
0x356: {  	v61 =	vadd.s32 s11, v10;
	v63 =	vadd.s32 s24, v9;
	[tilespmem:v53+s23+$0x0] =	vst.idx.msk $0xffff, v29  }
0x357: {  	v60 =	vld.idx.msk [tilespmem:v55+s29+$0x0], $0xffff;
	[tilespmem:s31+$0x20] =	vst v25  }
0x358: {  	v62 =	vadd.s32 s22, v7;
	v36 =	vadd.s32 s10, v10;
	[tilespmem:v57+s23+$0x0] =	vst.idx.msk $0xffff, v25  }
0x359: {  	v35 =	vadd.s32 s17, v8;
	[tilespmem:v58+s23+$0x0] =	vst.idx.msk $0xffff, v30;
	v26 =	vld.idx.msk [tilespmem:v59+s29+$0x0], $0xffff  }
0x35a: {  	v37 =	vadd.s32 s5, v7;
	[tilespmem:s0+$0x40] =	vst v28  }
0x35b: {  	v38 =	vadd.s32 s7, v8;
	v27 =	vld.idx.msk [tilespmem:v61+s29+$0x0], $0xffff;
	[tilespmem:v63+s23+$0x0] =	vst.idx.msk $0xffff, v28  }
0x35c: {  	v39 =	vadd.s32 s15, v11;
	[tilespmem:s31+$0xFFFFFFB0] =	vst v60  }
0x35d: {  	v40 =	vadd.s32 s11, v12;
	v30 =	vld.idx.msk [tilespmem:v36+s29+$0x0], $0xffff;
	[tilespmem:v62+s23+$0x0] =	vst.idx.msk $0xffff, v60  }
0x35e: {  	v25 =	vld.idx.msk [tilespmem:v35+s29+$0x0], $0xffff;
	[tilespmem:s31+$0x30] =	vst v26  }
0x35f: {  	v41 =	vadd.s32 s22, v9;
	[tilespmem:v37+s23+$0x0] =	vst.idx.msk $0xffff, v26  }
0x360: {  	v42 =	vadd.s32 s17, v10;
	[tilespmem:s0+$0xFFFFFFD0] =	vst v27;
	v24 =	vld.idx.msk [tilespmem:v38+s29+$0x0], $0xffff  }
0x361: {  	v43 =	vadd.s32 s5, v9;
	[tilespmem:v39+s23+$0x0] =	vst.idx.msk $0xffff, v27  }
0x362: {  	v45 =	vadd.s32 s7, v10;
	v28 =	vld.idx.msk [tilespmem:v40+s29+$0x0], $0xffff;
	[tilespmem:s0+$0x50] =	vst v30  }
0x363: {  	v47 =	vadd.s32 s15, v13;
	[tilespmem:s31+$0xFFFFFFC0] =	vst v25  }
0x364: {  	v48 =	vadd.s32 s11, v14;
	v44 =	vadd.s32 s24, v11;
	[tilespmem:v41+s23+$0x0] =	vst.idx.msk $0xffff, v25  }
0x365: {  	v46 =	vadd.s32 s10, v12;
	v26 =	vld.idx.msk [tilespmem:v42+s29+$0x0], $0xffff;
	[tilespmem:s31+$0x40] =	vst v24  }
0x366: {  	v49 =	vadd.s32 s22, v11;
	[tilespmem:v43+s23+$0x0] =	vst.idx.msk $0xffff, v24  }
0x367: {  	v50 =	vadd.s32 s17, v12;
	[tilespmem:s0+$0xFFFFFFE0] =	vst v28;
	v51 =	vld.idx.msk [tilespmem:v45+s29+$0x0], $0xffff  }
0x368: {  	v52 =	vadd.s32 s5, v11;
	[tilespmem:v47+s23+$0x0] =	vst.idx.msk $0xffff, v28  }
0x369: {  	[tilespmem:v44+s23+$0x0] =	vst.idx.msk $0xffff, v30;
	v53 =	vadd.s32 s7, v12;
	v32 =	vld.idx.msk [tilespmem:v48+s29+$0x0], $0xffff  }
0x36a: {  	v25 =	vld.idx.msk [tilespmem:v46+s29+$0x0], $0xffff;
	[tilespmem:s31+$0xFFFFFFD0] =	vst v26  }
0x36b: {  	v54 =	vadd.s32 s24, v13;
	[tilespmem:v49+s23+$0x0] =	vst.idx.msk $0xffff, v26  }
0x36c: {  	v55 =	vadd.s32 s10, v14;
	v26 =	vld.idx.msk [tilespmem:v50+s29+$0x0], $0xffff;
	[tilespmem:s31+$0x50] =	vst v51  }
0x36d: {  	v56 =	vadd.s32 s22, v13;
	[tilespmem:v52+s23+$0x0] =	vst.idx.msk $0xffff, v51  }
0x36e: {  	v57 =	vadd.s32 s17, v14;
	[tilespmem:s0+$0xFFFFFFF0] =	vst v32;
	v28 =	vld.idx.msk [tilespmem:v53+s29+$0x0], $0xffff  }
0x36f: {  	v58 =	vadd.s32 s5, v13;
	[tilespmem:s0+$0x60] =	vst v25  }
0x370: {  	v60 =	vadd.s32 s7, v14;
	v59 =	vadd.s32 s15, v15;
	[tilespmem:v54+s23+$0x0] =	vst.idx.msk $0xffff, v25  }
0x371: {  	v24 =	vld.idx.msk [tilespmem:v55+s29+$0x0], $0xffff;
	[tilespmem:s31+$0xFFFFFFE0] =	vst v26  }
0x372: {  	v61 =	vadd.s32 s24, v15;
	[tilespmem:v56+s23+$0x0] =	vst.idx.msk $0xffff, v26  }
0x373: {  	v26 =	vld.idx.msk [tilespmem:v57+s29+$0x0], $0xffff;
	[tilespmem:s31+$0x60] =	vst v28  }
0x374: {  	v62 =	vadd.s32 s22, v15;
	[tilespmem:v58+s23+$0x0] =	vst.idx.msk $0xffff, v28  }
0x375: {  	[tilespmem:v59+s23+$0x0] =	vst.idx.msk $0xffff, v32;
	v25 =	vld.idx.msk [tilespmem:v60+s29+$0x0], $0xffff  }
0x376: {  	[tilespmem:s0+$0x70] =	vst v24  }
0x377: {  	[tilespmem:v61+s23+$0x0] =	vst.idx.msk $0xffff, v24  }
0x378: {  	[tilespmem:s31+$0xFFFFFFF0] =	vst v26  }
0x379: {  	[tilespmem:v62+s23+$0x0] =	vst.idx.msk $0xffff, v26  }
0x37a: {  	[tilespmem:s31+$0x70] =	vst v25  }
0x37b: {  	s0 =	rddreg [dreg:$0x16]  }
0x37c: {  	s17 =	rddreg [dreg:$0x1c]  }
0x37d: {  	v63 =	vadd.s32 s5, v15;
	p2 =	sne.s32 s0, s17  }
.Ltmp18:
0x37e: {  	_ = 	snop;
	(pc) =	sbr.rel @p2 .LBB2_26-.Ltmp18, $2  }
0x37f: {  	_ =	sdelay $0x2  }
0x380: {  	[tilespmem:v63+s23+$0x0] =	vst.idx.msk $0xffff, v25;
	s15 =	sshll.u32 s0, $0x13  }
0x381: {  	s0 =	simm.s32 $0x81  }
0x382: {  	v24 =	vadd.s32 s0, v0;
	_ =	sdelay $0x2  }
0x383: {  	s16 =	simm.s32 $0xD080;
	s4 =	simm.s32 $0x0  }
0x384: {  	v25 =	vld [tilespmem:s16+$0x0];
	v26 =	vadd.s32 s4, v0  }
0x385: {  	v24 =	vld.idx.msk [tilespmem:v24+s23+$0x0], $0xffff;
	_ =	sdelay $0x1  }
0x386: {  	s1 =	simm.s32 $0x1  }
0x387: {  	v27 =	vadd.s32 s0, v2;
	v34 =	vmov s1  }
0x388: {  	vm0 =	vlt.u32 v34, v16;
	v26 =	vld.idx.msk [tilespmem:v26+s23+$0x0], $0xffff  }
0x389: {  	v24 =	vsel vm0, v25, v24;
	v25 =	vld [tilespmem:s16+$0xFFFFFF80];
	_ =	sdelay $0x1  }
0x38a: {  	v28 =	vld [tilespmem:s16+$0x10];
	v29 =	vadd.s32 s4, v2;
	[tilespmem:s16+$0x0] =	vst v24  }
0x38b: {  	v24 =	vmov s4;
	v27 =	vld.idx.msk [tilespmem:v27+s23+$0x0], $0xffff  }
0x38c: {  	v30 =	vld [tilespmem:s16+$0xFFFFFF90];
	vm0 =	vlt.u32 v24, v16  }
0x38d: {  	v31 =	vld [tilespmem:s16+$0xFFFFFFA0];
	v25 =	vsel vm0, v25, v26  }
0x38e: {  	v32 =	vld [tilespmem:s16+$0xFFFFFFC0];
	v26 =	vadd.s32 s0, v4;
	[tilespmem:s16+$0xFFFFFF80] =	vst v25  }
0x38f: {  	vm0 =	vlt.u32 v34, v17;
	v25 =	vld.idx.msk [tilespmem:v29+s23+$0x0], $0xffff  }
0x390: {  	v33 =	vld [tilespmem:s16+$0xFFFFFFD0];
	v27 =	vsel vm0, v28, v27  }
0x391: {  	v43 =	vld [tilespmem:s16+$0xFFFFFFE0];
	[tilespmem:s16+$0x10] =	vst v27;
	v27 =	vadd.s32 s4, v4  }
0x392: {  	v28 =	vld [tilespmem:s16+$0x20]  }
0x393: {  	vm0 =	vlt.u32 v24, v17;
	v26 =	vld.idx.msk [tilespmem:v26+s23+$0x0], $0xffff  }
0x394: {  	s17 =	simm.s32 $0xD180;
	v36 =	vld [tilespmem:s16+$0x40];
	v25 =	vsel vm0, v30, v25  }
0x395: {  	v38 =	vld [tilespmem:s17+$0xFFFFFF80];
	[tilespmem:s16+$0xFFFFFF90] =	vst v25;
	v25 =	vadd.s32 s0, v6  }
0x396: {  	v27 =	vld.idx.msk [tilespmem:v27+s23+$0x0], $0xffff  }
0x397: {  	v40 =	vld [tilespmem:s17+$0xFFFFFF90];
	vm0 =	vlt.u32 v34, v18  }
0x398: {  	v41 =	vld [tilespmem:s17+$0xFFFFFFA0];
	v26 =	vsel vm0, v28, v26  }
0x399: {  	[tilespmem:s16+$0x20] =	vst v26;
	v26 =	vld [tilespmem:s16+$0x30]  }
0x39a: {  	s3 =	simm.s32 $0x183;
	vm0 =	vlt.u32 v24, v18;
	v30 =	vld.idx.msk [tilespmem:v25+s23+$0x0], $0xffff  }
0x39b: {  	v42 =	vld [tilespmem:s17+$0x10];
	v25 =	vsel vm0, v31, v27;
	v27 =	vadd.s32 s3, v0  }
0x39c: {  	v44 =	vld [tilespmem:s17+$0xFFFFFFC0];
	v31 =	vadd.s32 s0, v8  }
0x39d: {  	s7 =	simm.s32 $0x102;
	v49 =	vld [tilespmem:s17+$0x20]  }
0x39e: {  	v35 =	vadd.s32 s7, v0;
	v56 =	vld [tilespmem:s17+$0x30];
	vm0 =	vlt.u32 v34, v19  }
0x39f: {  	v26 =	vsel vm0, v26, v30;
	v30 =	vld [tilespmem:s17+$0x0]  }
0x3a0: {  	v28 =	vadd.s32 s4, v6;
	[tilespmem:s16+$0x30] =	vst v26;
	v26 =	vld.idx.msk [tilespmem:v27+s23+$0x0], $0xffff  }
0x3a1: {  	v31 =	vld.idx.msk [tilespmem:v31+s23+$0x0], $0xffff  }
0x3a2: {  	s25 =	simm.s32 $0x3;
	v37 =	vadd.s32 s3, v2;
	v45 =	vld [tilespmem:s16+$0x70]  }
0x3a3: {  	v39 =	vadd.s32 s0, v10;
	v35 =	vld.idx.msk [tilespmem:v35+s23+$0x0], $0xffff;
	v27 =	vmov s25  }
0x3a4: {  	v29 =	vld [tilespmem:s16+$0xFFFFFFB0];
	[tilespmem:s16+$0xFFFFFFA0] =	vst v25;
	vm0 =	vlt.u32 v27, v16  }
0x3a5: {  	s26 =	simm.s32 $0x2;
	s1 =	simm.s32 $0xD280;
	v28 =	vld.idx.msk [tilespmem:v28+s23+$0x0], $0xffff;
	v26 =	vsel vm0, v30, v26;
	v30 =	vadd.s32 s7, v2;
	vm0 =	vlt.u32 v34, v20  }
0x3a6: {  	v60 =	vld [tilespmem:s1+$0x0];
	[tilespmem:s17+$0x0] =	vst v26;
	v26 =	vmov s26;
	v31 =	vsel vm0, v36, v31  }
0x3a7: {  	vm0 =	vlt.u32 v26, v16;
	v37 =	vld.idx.msk [tilespmem:v37+s23+$0x0], $0xffff;
	[tilespmem:s16+$0x40] =	vst v31  }
0x3a8: {  	v62 =	vadd.s32 s4, v8;
	v31 =	vsel vm0, v38, v35;
	v63 =	vld.idx.msk [tilespmem:v39+s23+$0x0], $0xffff  }
0x3a9: {  	vm0 =	vlt.u32 v24, v19;
	[tilespmem:s17+$0xFFFFFF80] =	vst v31;
	v31 =	vld [tilespmem:s16+$0x50]  }
0x3aa: {  	v28 =	vsel vm0, v29, v28;
	v29 =	vld.idx.msk [tilespmem:v30+s23+$0x0], $0xffff;
	v30 =	vadd.s32 s3, v4  }
0x3ab: {  	v25 =	vld [tilespmem:s16+$0xFFFFFFF0]  }
0x3ac: {  	v38 =	vld [tilespmem:s17+$0xFFFFFFB0];
	vm0 =	vlt.u32 v27, v17;
	[tilespmem:s16+$0xFFFFFFB0] =	vst v28;
	v28 =	vadd.s32 s0, v12  }
0x3ad: {  	v36 =	vld.idx.msk [tilespmem:v62+s23+$0x0], $0xffff;
	v37 =	vsel vm0, v42, v37  }
0x3ae: {  	v48 =	vadd.s32 s7, v4;
	v62 =	vld [tilespmem:s17+$0x40];
	vm0 =	vlt.u32 v34, v21;
	[tilespmem:s17+$0x10] =	vst v37  }
0x3af: {  	v50 =	vadd.s32 s4, v10;
	v31 =	vsel vm0, v31, v63;
	v51 =	vld.idx.msk [tilespmem:v30+s23+$0x0], $0xffff  }
0x3b0: {  	v52 =	vadd.s32 s3, v6;
	vm0 =	vlt.u32 v26, v17;
	[tilespmem:s16+$0x50] =	vst v31;
	v31 =	vld [tilespmem:s16+$0x60]  }
0x3b1: {  	v53 =	vadd.s32 s0, v14;
	s0 =	simm.s32 $0x285;
	v29 =	vsel vm0, v40, v29;
	vm0 =	vlt.u32 v24, v20;
	v28 =	vld.idx.msk [tilespmem:v28+s23+$0x0], $0xffff  }
0x3b2: {  	v57 =	vadd.s32 s0, v0;
	v42 =	vld [tilespmem:s1+$0xFFFFFFB0];
	[tilespmem:s17+$0xFFFFFF90] =	vst v29;
	v29 =	vsel vm0, v32, v36  }
0x3b3: {  	vm0 =	vlt.u32 v27, v18;
	v39 =	vld.idx.msk [tilespmem:v48+s23+$0x0], $0xffff;
	[tilespmem:s16+$0xFFFFFFC0] =	vst v29  }
0x3b4: {  	v35 =	vld.idx.msk [tilespmem:v50+s23+$0x0], $0xffff;
	v54 =	vsel vm0, v49, v51  }
0x3b5: {  	v30 =	vld [tilespmem:s17+$0xFFFFFFD0];
	vm0 =	vlt.u32 v34, v22;
	[tilespmem:s17+$0x20] =	vst v54  }
0x3b6: {  	v28 =	vsel vm0, v31, v28;
	v31 =	vadd.s32 s4, v12;
	v40 =	vld.idx.msk [tilespmem:v52+s23+$0x0], $0xffff  }
0x3b7: {  	v32 =	vld.idx.msk [tilespmem:v57+s23+$0x0], $0xffff;
	vm0 =	vlt.u32 v26, v18  }
0x3b8: {  	v58 =	vadd.s32 s3, v8;
	v29 =	vld [tilespmem:s17+$0xFFFFFFE0];
	[tilespmem:s16+$0x60] =	vst v28;
	v28 =	vsel vm0, v41, v39;
	vm0 =	vlt.u32 v24, v21  }
0x3b9: {  	s5 =	simm.s32 $0x204;
	v48 =	vld [tilespmem:s1+$0xFFFFFF90];
	v33 =	vsel vm0, v33, v35  }
0x3ba: {  	v59 =	vadd.s32 s5, v0;
	v50 =	vld [tilespmem:s1+$0xFFFFFFA0];
	vm0 =	vlt.u32 v27, v19;
	[tilespmem:s16+$0xFFFFFFD0] =	vst v33  }
0x3bb: {  	v46 =	vld.idx.msk [tilespmem:v31+s23+$0x0], $0xffff;
	v31 =	vsel vm0, v56, v40  }
0x3bc: {  	v55 =	vadd.s32 s7, v6;
	v49 =	vld [tilespmem:s1+$0x10];
	[tilespmem:s17+$0x30] =	vst v31  }
0x3bd: {  	s8 =	simm.s32 $0x5;
	v63 =	vadd.s32 s0, v2;
	v61 =	vld.idx.msk [tilespmem:v58+s23+$0x0], $0xffff  }
0x3be: {  	v52 =	vld [tilespmem:s1+$0xFFFFFF80];
	v31 =	vmov s8  }
0x3bf: {  	v47 =	vadd.s32 s3, v10;
	v33 =	vld.idx.msk [tilespmem:v59+s23+$0x0], $0xffff;
	vm0 =	vlt.u32 v31, v16  }
0x3c0: {  	v41 =	vld.idx.msk [tilespmem:v53+s23+$0x0], $0xffff;
	[tilespmem:s17+$0xFFFFFFA0] =	vst v28;
	v32 =	vsel vm0, v60, v32  }
0x3c1: {  	s31 =	simm.s32 $0x4;
	v53 =	vadd.s32 s5, v2;
	v37 =	vld.idx.msk [tilespmem:v55+s23+$0x0], $0xffff;
	vm0 =	vlt.u32 v27, v20;
	[tilespmem:s1+$0x0] =	vst v32  }
0x3c2: {  	v32 =	vmov s31;
	v40 =	vld.idx.msk [tilespmem:v63+s23+$0x0], $0xffff;
	v36 =	vsel vm0, v62, v61  }
0x3c3: {  	v54 =	vadd.s32 s7, v8;
	v55 =	vld [tilespmem:s17+$0x50];
	vm0 =	vlt.u32 v32, v16;
	[tilespmem:s17+$0x40] =	vst v36  }
0x3c4: {  	v57 =	vadd.s32 s0, v4;
	v33 =	vsel vm0, v52, v33;
	v36 =	vld.idx.msk [tilespmem:v47+s23+$0x0], $0xffff  }
0x3c5: {  	v28 =	vld [tilespmem:s17+$0xFFFFFFF0];
	vm0 =	vlt.u32 v26, v19;
	[tilespmem:s1+$0xFFFFFF80] =	vst v33  }
0x3c6: {  	v58 =	vadd.s32 s3, v12;
	v37 =	vsel vm0, v38, v37;
	vm0 =	vlt.u32 v31, v17;
	v56 =	vld.idx.msk [tilespmem:v53+s23+$0x0], $0xffff  }
0x3c7: {  	v61 =	vld [tilespmem:s1+$0x20];
	[tilespmem:s17+$0xFFFFFFB0] =	vst v37;
	v59 =	vsel vm0, v49, v40  }
0x3c8: {  	v60 =	vadd.s32 s5, v4;
	vm0 =	vlt.u32 v27, v21;
	v51 =	vld.idx.msk [tilespmem:v54+s23+$0x0], $0xffff;
	[tilespmem:s1+$0x10] =	vst v59  }
0x3c9: {  	v47 =	vld.idx.msk [tilespmem:v57+s23+$0x0], $0xffff;
	v33 =	vsel vm0, v55, v36  }
0x3ca: {  	v63 =	vld [tilespmem:s17+$0x60];
	vm0 =	vlt.u32 v32, v17;
	[tilespmem:s17+$0x50] =	vst v33  }
0x3cb: {  	v62 =	vsel vm0, v48, v56;
	v37 =	vld.idx.msk [tilespmem:v58+s23+$0x0], $0xffff  }
0x3cc: {  	v39 =	vadd.s32 s4, v14;
	v35 =	vld [tilespmem:s1+$0xFFFFFFC0];
	v52 =	vadd.s32 s7, v10;
	vm0 =	vlt.u32 v26, v20;
	[tilespmem:s1+$0xFFFFFF90] =	vst v62  }
0x3cd: {  	v38 =	vadd.s32 s5, v10;
	v59 =	vsel vm0, v44, v51;
	vm0 =	vlt.u32 v31, v18;
	v53 =	vld.idx.msk [tilespmem:v60+s23+$0x0], $0xffff  }
0x3ce: {  	v54 =	vld [tilespmem:s1+$0x30];
	v55 =	vadd.s32 s0, v6;
	[tilespmem:s17+$0xFFFFFFC0] =	vst v59;
	v61 =	vsel vm0, v61, v47;
	vm0 =	vlt.u32 v34, v23  }
0x3cf: {  	v44 =	vld [tilespmem:s1+$0xFFFFFFD0];
	v60 =	vadd.s32 s3, v14;
	v45 =	vsel vm0, v45, v41;
	vm0 =	vlt.u32 v27, v22;
	[tilespmem:s1+$0x20] =	vst v61  }
0x3d0: {  	v56 =	vadd.s32 s5, v6;
	v47 =	vld [tilespmem:s17+$0x70];
	[tilespmem:s16+$0x70] =	vst v45;
	v62 =	vsel vm0, v63, v37;
	vm0 =	vlt.u32 v24, v22  }
0x3d1: {  	v40 =	vadd.s32 s5, v8;
	v49 =	vld.idx.msk [tilespmem:v52+s23+$0x0], $0xffff;
	v43 =	vsel vm0, v43, v46;
	vm0 =	vlt.u32 v32, v18;
	[tilespmem:s17+$0x60] =	vst v62  }
0x3d2: {  	s10 =	simm.s32 $0x306;
	v36 =	vadd.s32 s7, v12;
	v33 =	vadd.s32 s7, v14;
	v41 =	vld [tilespmem:s1+$0xFFFFFFE0];
	v63 =	vsel vm0, v50, v53;
	[tilespmem:s16+$0xFFFFFFE0] =	vst v43  }
0x3d3: {  	s14 =	rddreg [dreg:$0x1];
	v48 =	vadd.s32 s10, v4;
	v51 =	vadd.s32 s10, v0;
	v34 =	vadd.s32 s5, v14;
	v55 =	vld.idx.msk [tilespmem:v55+s23+$0x0], $0xffff;
	[tilespmem:s1+$0xFFFFFFA0] =	vst v63  }
0x3d4: {  	s11 =	simm.s32 $0x387;
	s4 =	simm.s32 $0xD280;
	v52 =	vadd.s32 s10, v2;
	v37 =	vadd.s32 s5, v12;
	v46 =	vadd.s32 s10, v8;
	v45 =	vld.idx.msk [tilespmem:v60+s23+$0x0], $0xffff;
	s30 =	rddreg [dreg:$0x6]  }
0x3d5: {  	s8 =	simm.s32 $0x6;
	s3 =	simm.s32 $0x8;
	vm0 =	vlt.u32 v26, v21;
	v43 =	vadd.s32 s10, v6;
	v50 =	vadd.s32 s11, v0;
	v53 =	vld.idx.msk [tilespmem:v56+s23+$0x0], $0xffff;
	s28 =	rddreg [dreg:$0x7]  }
.LBB2_30:
0x3d6: {  	p2 =	slt.u32 s3, $0x7E;
	v56 =	vadd.s32 s10, v10;
	v57 =	vadd.s32 s0, v8;
	v60 =	vsel vm0, v30, v49;
	v49 =	vld.idx.msk [tilespmem:v39+s23+$0x0], $0xffff;
	v39 =	vmovc v33;
	v33 =	vmovc v34  }
0x3d7: {  	v58 =	vadd.s32 s10, v12;
	v34 =	vadd.s32 s10, v14;
	vm0 =	vlt.u32 v31, v19;
	v30 =	vmovc v44;
	v59 =	vld [tilespmem:s1+$0xFFFFFFF0];
	[tilespmem:s17+$0xFFFFFFD0] =	vst v60  }
0x3d8: {  	v44 =	vsel vm0, v54, v55;
	s1 =	sadd.s32 $0x100, s1;
	vm0 =	vlt.u32 v27, v23;
	v54 =	vld.idx.msk [tilespmem:v36+s23+$0x0], $0xffff;
	v36 =	vmovc v37;
	v37 =	vmov v58  }
0x3d9: {  	v27 =	vmov v31;
	v55 =	vld [tilespmem:s1+$0x0];
	[tilespmem:s4+$0x30] =	vst v44;
	v44 =	vsel vm0, v47, v45  }
0x3da: {  	vm0 =	vlt.u32 v32, v19;
	v45 =	vld.idx.msk [tilespmem:v50+s23+$0x0], $0xffff;
	[tilespmem:s17+$0x70] =	vst v44  }
0x3db: {  	v31 =	vsel vm0, v42, v53;
	vm0 =	vlt.u32 v24, v23;
	v24 =	vmovc v26;
	v26 =	vmov v32;
	v42 =	vld.idx.msk [tilespmem:v57+s23+$0x0], $0xffff  }
0x3dc: {  	[tilespmem:s4+$0xFFFFFFB0] =	vst v31;
	v44 =	vld [tilespmem:s4+$0x40];
	v31 =	vsel vm0, v25, v49;
	v25 =	vmov v28;
	v28 =	vmov v59  }
0x3dd: {  	s5 =	sadd.s32 $0x1, s8;
	v49 =	vadd.s32 s11, v2;
	vm0 =	vlt.u32 v24, v22;
	v47 =	vld.idx.msk [tilespmem:v51+s23+$0x0], $0xffff;
	[tilespmem:s16+$0xFFFFFFF0] =	vst v31;
	s16 =	smov.u32 s17;
	s17 =	smov.u32 s4  }
0x3de: {  	v31 =	vmov s5;
	v51 =	vadd.s32 s0, v10;
	v32 =	vsel vm0, v29, v54;
	v29 =	vmovc v41;
	s4 =	smov.u32 s1;
	v50 =	vld [tilespmem:s1+$0xFFFFFF80]  }
0x3df: {  	vm0 =	vlt.u32 v31, v16;
	v41 =	vld [tilespmem:s1+$0xFFFFFF90];
	[tilespmem:s16+$0xFFFFFFE0] =	vst v32  }
0x3e0: {  	v45 =	vsel vm0, v55, v45;
	vm0 =	vlt.u32 v27, v20;
	v53 =	vld [tilespmem:s1+$0xFFFFFFA0]  }
0x3e1: {  	v32 =	vmov s8;
	s8 =	smov.u32 s3;
	[tilespmem:s1+$0x0] =	vst v45;
	v45 =	vld [tilespmem:s1+$0x10];
	v42 =	vsel vm0, v44, v42  }
0x3e2: {  	vm0 =	vlt.u32 v32, v16;
	v44 =	vld.idx.msk [tilespmem:v49+s23+$0x0], $0xffff;
	[tilespmem:s17+$0x40] =	vst v42  }
0x3e3: {  	v42 =	vsel vm0, v50, v47;
	v47 =	vld.idx.msk [tilespmem:v51+s23+$0x0], $0xffff  }
0x3e4: {  	[tilespmem:s1+$0xFFFFFF80] =	vst v42;
	v49 =	vld [tilespmem:s17+$0x50]  }
0x3e5: {  	v51 =	vadd.s32 s11, v4;
	v50 =	vld.idx.msk [tilespmem:v52+s23+$0x0], $0xffff  }
0x3e6: {  	v52 =	vadd.s32 s0, v12;
	v42 =	vld [tilespmem:s1+$0xFFFFFFB0]  }
0x3e7: {  	vm0 =	vlt.u32 v31, v17;
	v54 =	vld.idx.msk [tilespmem:v40+s23+$0x0], $0xffff;
	v40 =	vmov v46  }
0x3e8: {  	v44 =	vsel vm0, v45, v44;
	vm0 =	vlt.u32 v27, v21;
	v46 =	vld [tilespmem:s1+$0xFFFFFFC0]  }
0x3e9: {  	[tilespmem:s1+$0x10] =	vst v44;
	v45 =	vld [tilespmem:s1+$0x20];
	v44 =	vsel vm0, v49, v47  }
0x3ea: {  	vm0 =	vlt.u32 v32, v17;
	v47 =	vld.idx.msk [tilespmem:v51+s23+$0x0], $0xffff;
	[tilespmem:s17+$0x50] =	vst v44  }
0x3eb: {  	v41 =	vsel vm0, v41, v50;
	v50 =	vld.idx.msk [tilespmem:v52+s23+$0x0], $0xffff  }
0x3ec: {  	vm0 =	vlt.u32 v26, v20;
	[tilespmem:s1+$0xFFFFFF90] =	vst v41;
	v51 =	vld [tilespmem:s17+$0x60]  }
0x3ed: {  	v52 =	vadd.s32 s11, v6;
	v41 =	vsel vm0, v35, v54;
	v48 =	vld.idx.msk [tilespmem:v48+s23+$0x0], $0xffff;
	v35 =	vmov v46  }
0x3ee: {  	v46 =	vadd.s32 s0, v14;
	s0 =	smov.u32 s11;
	v44 =	vld [tilespmem:s1+$0xFFFFFFD0];
	[tilespmem:s17+$0xFFFFFFC0] =	vst v41  }
0x3ef: {  	vm0 =	vlt.u32 v31, v18;
	v49 =	vld.idx.msk [tilespmem:v38+s23+$0x0], $0xffff;
	v38 =	vmov v56  }
0x3f0: {  	v45 =	vsel vm0, v45, v47;
	vm0 =	vlt.u32 v27, v22;
	v41 =	vld [tilespmem:s1+$0xFFFFFFE0]  }
.Ltmp19:
0x3f1: {  	[tilespmem:s1+$0x20] =	vst v45;
	v54 =	vld [tilespmem:s1+$0x30];
	v45 =	vsel vm0, v51, v50;
	(pc) =	sbr.rel @p2 .LBB2_30-.Ltmp19, $4  }
0x3f2: {  	vm0 =	vlt.u32 v32, v18;
	v55 =	vld.idx.msk [tilespmem:v52+s23+$0x0], $0xffff;
	[tilespmem:s17+$0x60] =	vst v45  }
0x3f3: {  	s10 =	sadd.s32 $0x102, s10;
	v47 =	vsel vm0, v53, v48;
	vm0 =	vlt.u32 v26, v21;
	v45 =	vld.idx.msk [tilespmem:v46+s23+$0x0], $0xffff  }
0x3f4: {  	s11 =	sadd.s32 $0x81, s10;
	v51 =	vadd.s32 s10, v0;
	v52 =	vadd.s32 s10, v2;
	v48 =	vadd.s32 s10, v4;
	[tilespmem:s1+$0xFFFFFFA0] =	vst v47;
	v47 =	vld [tilespmem:s17+$0x70]  }
0x3f5: {  	s3 =	sadd.s32 $0x2, s3;
	v50 =	vadd.s32 s11, v0;
	v46 =	vadd.s32 s10, v8;
	v53 =	vld.idx.msk [tilespmem:v43+s23+$0x0], $0xffff;
	v43 =	vadd.s32 s10, v6  }
0x3f6: {  	_ =	sdelay $0x3  }
0x3f7: {  	v57 =	vld.idx.msk [tilespmem:v50+s23+$0x0], $0xffff  }
0x3f8: {  	s3 =	sadd.s32 $0x100, s1;
	v59 =	vld.idx.msk [tilespmem:v51+s23+$0x0], $0xffff  }
0x3f9: {  	v56 =	vld [tilespmem:s3+$0x0]  }
0x3fa: {  	v60 =	vld [tilespmem:s3+$0xFFFFFF80]  }
0x3fb: {  	s5 =	sadd.s32 $0x1, s8  }
0x3fc: {  	v58 =	vadd.s32 s11, v2;
	v50 =	vmov s5  }
0x3fd: {  	v51 =	vmov s8;
	vm1 =	vlt.u32 v50, v16  }
0x3fe: {  	vm11 =	vlt.u32 v51, v16;
	v61 =	vsel vm1, v56, v57  }
0x3ff: {  	v56 =	vld [tilespmem:s3+$0x10];
	v59 =	vsel vm11, v60, v59;
	[tilespmem:s3+$0x0] =	vst v61  }
0x400: {  	[tilespmem:s3+$0xFFFFFF80] =	vst v59;
	v59 =	vld [tilespmem:s3+$0xFFFFFF90]  }
0x401: {  	v60 =	vadd.s32 s0, v8;
	v57 =	vld.idx.msk [tilespmem:v58+s23+$0x0], $0xffff  }
0x402: {  	v52 =	vld.idx.msk [tilespmem:v52+s23+$0x0], $0xffff  }
0x403: {  	vm13 =	vlt.u32 v31, v19;
	v58 =	vadd.s32 s11, v4  }
0x404: {  	v54 =	vsel vm13, v54, v55  }
0x405: {  	v62 =	vld [tilespmem:s3+$0x20];
	vm12 =	vlt.u32 v50, v17;
	[tilespmem:s4+$0x30] =	vst v54  }
0x406: {  	vm14 =	vlt.u32 v51, v17;
	v54 =	vld.idx.msk [tilespmem:v60+s23+$0x0], $0xffff;
	v56 =	vsel vm12, v56, v57  }
0x407: {  	v52 =	vsel vm14, v59, v52;
	v59 =	vld [tilespmem:s3+$0xFFFFFFA0];
	[tilespmem:s3+$0x10] =	vst v56  }
0x408: {  	v63 =	vld.idx.msk [tilespmem:v58+s23+$0x0], $0xffff  }
0x409: {  	[tilespmem:s3+$0xFFFFFF90] =	vst v52;
	v58 =	vld [tilespmem:s4+$0x40]  }
0x40a: {  	v48 =	vld.idx.msk [tilespmem:v48+s23+$0x0], $0xffff  }
0x40b: {  	v61 =	vadd.s32 s11, v6  }
0x40c: {  	vm15 =	vlt.u32 v50, v18  }
0x40d: {  	vm4 =	vlt.u32 v31, v20;
	v62 =	vsel vm15, v62, v63;
	v63 =	vadd.s32 s0, v10  }
0x40e: {  	vm5 =	vlt.u32 v51, v18;
	v60 =	vld [tilespmem:s3+$0x30];
	v54 =	vsel vm4, v58, v54;
	[tilespmem:s3+$0x20] =	vst v62  }
0x40f: {  	v48 =	vsel vm5, v59, v48;
	[tilespmem:s4+$0x40] =	vst v54;
	v54 =	vld [tilespmem:s1+$0xFFFFFFF0]  }
0x410: {  	[tilespmem:s3+$0xFFFFFFA0] =	vst v48;
	v61 =	vld.idx.msk [tilespmem:v61+s23+$0x0], $0xffff  }
0x411: {  	vm7 =	vlt.u32 v32, v19;
	v43 =	vld.idx.msk [tilespmem:v43+s23+$0x0], $0xffff  }
0x412: {  	v42 =	vsel vm7, v42, v53;
	v62 =	vadd.s32 s11, v8;
	v55 =	vld.idx.msk [tilespmem:v63+s23+$0x0], $0xffff  }
0x413: {  	[tilespmem:s4+$0xFFFFFFB0] =	vst v42;
	v63 =	vld [tilespmem:s3+$0xFFFFFFB0]  }
0x414: {  	vm6 =	vlt.u32 v50, v19;
	v40 =	vld.idx.msk [tilespmem:v40+s23+$0x0], $0xffff  }
0x415: {  	v57 =	vld [tilespmem:s4+$0x50];
	v59 =	vsel vm6, v60, v61  }
0x416: {  	v60 =	vld [tilespmem:s3+$0x40];
	[tilespmem:s3+$0x30] =	vst v59  }
0x417: {  	vm8 =	vlt.u32 v51, v19;
	v61 =	vadd.s32 s0, v12;
	v48 =	vld.idx.msk [tilespmem:v62+s23+$0x0], $0xffff  }
0x418: {  	v39 =	vld.idx.msk [tilespmem:v39+s23+$0x0], $0xffff;
	vm11 =	vlt.u32 v32, v20;
	v43 =	vsel vm8, v63, v43  }
0x419: {  	vm9 =	vlt.u32 v31, v21;
	v35 =	vsel vm11, v35, v40;
	v63 =	vld [tilespmem:s3+$0xFFFFFFC0];
	[tilespmem:s3+$0xFFFFFFB0] =	vst v43  }
0x41a: {  	[tilespmem:s4+$0xFFFFFFC0] =	vst v35;
	v62 =	vadd.s32 s11, v10;
	v55 =	vsel vm9, v57, v55;
	v46 =	vld.idx.msk [tilespmem:v46+s23+$0x0], $0xffff  }
0x41b: {  	vm10 =	vlt.u32 v50, v20;
	v38 =	vld.idx.msk [tilespmem:v38+s23+$0x0], $0xffff;
	[tilespmem:s4+$0x50] =	vst v55  }
0x41c: {  	v59 =	vadd.s32 s10, v10;
	v58 =	vsel vm10, v60, v48;
	v48 =	vld.idx.msk [tilespmem:v61+s23+$0x0], $0xffff  }
0x41d: {  	v60 =	vld [tilespmem:s3+$0x50]  }
0x41e: {  	vm12 =	vlt.u32 v51, v20;
	v61 =	vld [tilespmem:s4+$0x60];
	[tilespmem:s3+$0x40] =	vst v58  }
0x41f: {  	v42 =	vld.idx.msk [tilespmem:v62+s23+$0x0], $0xffff;
	v62 =	vsel vm12, v63, v46  }
0x420: {  	v30 =	vsel vm0, v30, v49;
	v63 =	vld [tilespmem:s3+$0xFFFFFFD0];
	[tilespmem:s3+$0xFFFFFFC0] =	vst v62  }
0x421: {  	[tilespmem:s17+$0xFFFFFFD0] =	vst v30;
	v55 =	vadd.s32 s11, v12;
	v40 =	vld.idx.msk [tilespmem:v59+s23+$0x0], $0xffff  }
0x422: {  	v36 =	vld.idx.msk [tilespmem:v36+s23+$0x0], $0xffff  }
0x423: {  	vm13 =	vlt.u32 v50, v21;
	v52 =	vld [tilespmem:s3+$0xFFFFFFF0];
	v57 =	vadd.s32 s10, v12  }
0x424: {  	vm14 =	vlt.u32 v31, v22;
	vm15 =	vlt.u32 v32, v21;
	v58 =	vld [tilespmem:s3+$0xFFFFFFE0];
	v42 =	vsel vm13, v60, v42  }
0x425: {  	vm4 =	vlt.u32 v51, v21;
	vm5 =	vlt.u32 v26, v22;
	v38 =	vsel vm15, v44, v38;
	v60 =	vld [tilespmem:s3+$0x60];
	[tilespmem:s3+$0x50] =	vst v42  }
0x426: {  	v56 =	vadd.s32 s0, v14;
	[tilespmem:s4+$0xFFFFFFD0] =	vst v38;
	v59 =	vsel vm14, v61, v48;
	v35 =	vld.idx.msk [tilespmem:v55+s23+$0x0], $0xffff;
	v61 =	vsel vm4, v63, v40  }
0x427: {  	v29 =	vsel vm5, v29, v36;
	v37 =	vld.idx.msk [tilespmem:v37+s23+$0x0], $0xffff;
	[tilespmem:s3+$0xFFFFFFD0] =	vst v61  }
0x428: {  	[tilespmem:s17+$0xFFFFFFE0] =	vst v29;
	v62 =	vadd.s32 s11, v14;
	v63 =	vld.idx.msk [tilespmem:v57+s23+$0x0], $0xffff  }
0x429: {  	v33 =	vld.idx.msk [tilespmem:v33+s23+$0x0], $0xffff  }
0x42a: {  	vm6 =	vlt.u32 v50, v22;
	v46 =	vld [tilespmem:s4+$0x70];
	v48 =	vadd.s32 s10, v14;
	[tilespmem:s4+$0x60] =	vst v59  }
0x42b: {  	vm7 =	vlt.u32 v32, v22;
	v30 =	vld.idx.msk [tilespmem:v56+s23+$0x0], $0xffff;
	v35 =	vsel vm6, v60, v35  }
0x42c: {  	vm8 =	vlt.u32 v51, v22;
	v53 =	vsel vm7, v41, v37;
	v56 =	vld [tilespmem:s3+$0x70];
	[tilespmem:s3+$0x60] =	vst v35  }
0x42d: {  	vm10 =	vlt.u32 v24, v23;
	[tilespmem:s4+$0xFFFFFFE0] =	vst v53;
	v55 =	vld.idx.msk [tilespmem:v62+s23+$0x0], $0xffff;
	v36 =	vsel vm8, v58, v63  }
0x42e: {  	v25 =	vsel vm10, v25, v39;
	vm12 =	vlt.u32 v26, v23;
	v58 =	vld.idx.msk [tilespmem:v34+s23+$0x0], $0xffff;
	[tilespmem:s3+$0xFFFFFFE0] =	vst v36  }
0x42f: {  	vm9 =	vlt.u32 v27, v23;
	[tilespmem:s16+$0xFFFFFFF0] =	vst v25;
	v61 =	vsel vm12, v28, v33;
	v59 =	vld.idx.msk [tilespmem:v48+s23+$0x0], $0xffff  }
0x430: {  	vm11 =	vlt.u32 v31, v23;
	v57 =	vsel vm9, v47, v45;
	[tilespmem:s17+$0xFFFFFFF0] =	vst v61  }
0x431: {  	vm13 =	vlt.u32 v50, v23;
	[tilespmem:s17+$0x70] =	vst v57;
	v60 =	vsel vm11, v46, v30  }
0x432: {  	vm14 =	vlt.u32 v32, v23;
	[tilespmem:s4+$0x70] =	vst v60;
	v62 =	vsel vm13, v56, v55  }
0x433: {  	vm15 =	vlt.u32 v51, v23;
	[tilespmem:s3+$0x70] =	vst v62;
	v24 =	vsel vm14, v54, v58  }
.Ltmp20:
0x434: {  	[tilespmem:s4+$0xFFFFFFF0] =	vst v24;
	v63 =	vsel vm15, v52, v59;
	(pc) =	sbr.rel .LBB2_32-.Ltmp20, $4  }
0x435: {  	[tilespmem:s3+$0xFFFFFFF0] =	vst v63  }
0x436: {  	s26 =	rddreg [dreg:$0x16]  }
0x437: {  	s1 =	simm.s32 $0xD000;
	s16 =	simm.s32 $0x8000;
	s0 =	sshll.u32 s26, $0xA  }
0x438: {  	s3 =	simm.s32 $0x400;
	s31 =	rddreg [dreg:$0xe];
	s0 =	sor.u32 s15, s0  }
.LBB2_26:
0x439: {  	s1 =	simm.s32 $0x0  }
0x43a: {  	s13 =	simm.s32 $0x81;
	v24 =	vadd.s32 s1, v0  }
0x43b: {  	v25 =	vadd.s32 s13, v0;
	_ =	sdelay $0x3  }
0x43c: {  	s19 =	simm.s32 $0x10;
	v24 =	vld.idx.msk [tilespmem:v24+s23+$0x0], $0xffff  }
0x43d: {  	s20 =	simm.s32 $0x91;
	v26 =	vadd.s32 s19, v0;
	v25 =	vld.idx.msk [tilespmem:v25+s23+$0x0], $0xffff  }
0x43e: {  	v27 =	vadd.s32 s20, v0;
	_ =	sdelay $0x1  }
0x43f: {  	s0 =	simm.s32 $0x15080;
	s30 =	rddreg [dreg:$0x6]  }
0x440: {  	s28 =	rddreg [dreg:$0x7];
	[tilespmem:s0+$0xFFFFFF80] =	vst v24  }
0x441: {  	s21 =	simm.s32 $0x20;
	[tilespmem:s0+$0x0] =	vst v25;
	v24 =	vld.idx.msk [tilespmem:v26+s23+$0x0], $0xffff  }
0x442: {  	s22 =	simm.s32 $0xA1;
	v25 =	vld.idx.msk [tilespmem:v27+s23+$0x0], $0xffff;
	v26 =	vadd.s32 s21, v0  }
0x443: {  	s4 =	simm.s32 $0x102;
	v27 =	vadd.s32 s22, v0  }
0x444: {  	s24 =	simm.s32 $0x183;
	v28 =	vadd.s32 s4, v0  }
0x445: {  	v29 =	vadd.s32 s24, v0  }
0x446: {  	[tilespmem:s0+$0xFFFFFF90] =	vst v24  }
0x447: {  	s25 =	simm.s32 $0x30;
	[tilespmem:s0+$0x10] =	vst v25;
	v24 =	vld.idx.msk [tilespmem:v26+s23+$0x0], $0xffff  }
0x448: {  	s26 =	simm.s32 $0xB1;
	v25 =	vld.idx.msk [tilespmem:v27+s23+$0x0], $0xffff;
	v26 =	vadd.s32 s25, v0  }
0x449: {  	s31 =	simm.s32 $0x112;
	v27 =	vld.idx.msk [tilespmem:v28+s23+$0x0], $0xffff;
	v28 =	vadd.s32 s26, v0  }
0x44a: {  	v30 =	vadd.s32 s31, v0;
	s4 =	simm.s32 $0x193;
	v29 =	vld.idx.msk [tilespmem:v29+s23+$0x0], $0xffff  }
0x44b: {  	v31 =	vadd.s32 s4, v0  }
0x44c: {  	s9 =	simm.s32 $0x204;
	[tilespmem:s0+$0xFFFFFFA0] =	vst v24  }
0x44d: {  	s5 =	simm.s32 $0x40;
	s1 =	simm.s32 $0x15180;
	v32 =	vadd.s32 s9, v0;
	[tilespmem:s0+$0x20] =	vst v25;
	v24 =	vld.idx.msk [tilespmem:v26+s23+$0x0], $0xffff  }
0x44e: {  	s7 =	simm.s32 $0xC1;
	[tilespmem:s1+$0xFFFFFF80] =	vst v27;
	v25 =	vld.idx.msk [tilespmem:v28+s23+$0x0], $0xffff;
	v26 =	vadd.s32 s5, v0  }
0x44f: {  	[tilespmem:s1+$0x0] =	vst v29;
	v27 =	vld.idx.msk [tilespmem:v30+s23+$0x0], $0xffff;
	s5 =	simm.s32 $0x122;
	v28 =	vadd.s32 s7, v0  }
0x450: {  	s8 =	simm.s32 $0x1A3;
	v29 =	vld.idx.msk [tilespmem:v31+s23+$0x0], $0xffff;
	v30 =	vadd.s32 s5, v0  }
0x451: {  	s10 =	simm.s32 $0x285;
	v31 =	vadd.s32 s8, v0  }
0x452: {  	v32 =	vld.idx.msk [tilespmem:v32+s23+$0x0], $0xffff;
	s21 =	simm.s32 $0x214;
	[tilespmem:s0+$0xFFFFFFB0] =	vst v24;
	v24 =	vadd.s32 s10, v0  }
0x453: {  	s11 =	simm.s32 $0x50;
	v34 =	vadd.s32 s21, v0;
	[tilespmem:s0+$0x30] =	vst v25;
	v26 =	vld.idx.msk [tilespmem:v26+s23+$0x0], $0xffff  }
0x454: {  	s13 =	simm.s32 $0xD1;
	[tilespmem:s1+$0xFFFFFF90] =	vst v27;
	v27 =	vadd.s32 s11, v0;
	v25 =	vld.idx.msk [tilespmem:v28+s23+$0x0], $0xffff  }
0x455: {  	s19 =	simm.s32 $0x132;
	[tilespmem:s1+$0x10] =	vst v29;
	v29 =	vadd.s32 s13, v0;
	v28 =	vld.idx.msk [tilespmem:v30+s23+$0x0], $0xffff  }
0x456: {  	s20 =	simm.s32 $0x1B3;
	s4 =	simm.s32 $0x15280;
	v30 =	vld.idx.msk [tilespmem:v31+s23+$0x0], $0xffff;
	v31 =	vadd.s32 s19, v0  }
0x457: {  	v33 =	vadd.s32 s20, v0;
	[tilespmem:s4+$0xFFFFFF80] =	vst v32;
	s22 =	simm.s32 $0x295;
	v24 =	vld.idx.msk [tilespmem:v24+s23+$0x0], $0xffff  }
0x458: {  	s31 =	simm.s32 $0x224;
	v61 =	vld.idx.msk [tilespmem:v34+s23+$0x0], $0xffff;
	[tilespmem:s0+$0xFFFFFFC0] =	vst v26;
	v26 =	vadd.s32 s22, v0  }
0x459: {  	s24 =	simm.s32 $0x60;
	v62 =	vadd.s32 s31, v0;
	[tilespmem:s0+$0x40] =	vst v25;
	v27 =	vld.idx.msk [tilespmem:v27+s23+$0x0], $0xffff  }
0x45a: {  	s25 =	simm.s32 $0xE1;
	[tilespmem:s1+$0xFFFFFFA0] =	vst v28;
	v28 =	vadd.s32 s24, v0;
	v25 =	vld.idx.msk [tilespmem:v29+s23+$0x0], $0xffff  }
0x45b: {  	s7 =	simm.s32 $0x142;
	[tilespmem:s1+$0x20] =	vst v30;
	v30 =	vadd.s32 s25, v0;
	v29 =	vld.idx.msk [tilespmem:v31+s23+$0x0], $0xffff  }
0x45c: {  	s26 =	simm.s32 $0x1C3;
	v60 =	vadd.s32 s7, v0;
	v31 =	vld.idx.msk [tilespmem:v33+s23+$0x0], $0xffff;
	[tilespmem:s4+$0x0] =	vst v24  }
0x45d: {  	[tilespmem:s4+$0xFFFFFF90] =	vst v61;
	s7 =	simm.s32 $0x2A5;
	v24 =	vadd.s32 s26, v0;
	v26 =	vld.idx.msk [tilespmem:v26+s23+$0x0], $0xffff  }
0x45e: {  	s8 =	simm.s32 $0x306;
	v33 =	vld.idx.msk [tilespmem:v62+s23+$0x0], $0xffff;
	[tilespmem:s0+$0xFFFFFFD0] =	vst v27;
	v27 =	vadd.s32 s7, v0  }
0x45f: {  	s9 =	simm.s32 $0x387;
	[tilespmem:s0+$0x50] =	vst v25;
	v25 =	vadd.s32 s8, v0;
	v28 =	vld.idx.msk [tilespmem:v28+s23+$0x0], $0xffff  }
0x460: {  	s19 =	simm.s32 $0x234;
	[tilespmem:s1+$0xFFFFFFB0] =	vst v29;
	v29 =	vld.idx.msk [tilespmem:v30+s23+$0x0], $0xffff;
	v30 =	vadd.s32 s9, v0  }
0x461: {  	s10 =	simm.s32 $0x70;
	v35 =	vadd.s32 s19, v0;
	[tilespmem:s1+$0x30] =	vst v31;
	v32 =	vld.idx.msk [tilespmem:v60+s23+$0x0], $0xffff  }
0x462: {  	s11 =	simm.s32 $0x152;
	v31 =	vadd.s32 s10, v0;
	v24 =	vld.idx.msk [tilespmem:v24+s23+$0x0], $0xffff;
	[tilespmem:s4+$0x10] =	vst v26  }
0x463: {  	s13 =	simm.s32 $0x1D3;
	v26 =	vadd.s32 s11, v0;
	v27 =	vld.idx.msk [tilespmem:v27+s23+$0x0], $0xffff  }
0x464: {  	s3 =	simm.s32 $0xF1;
	v63 =	vadd.s32 s13, v0;
	[tilespmem:s4+$0xFFFFFFA0] =	vst v33;
	v25 =	vld.idx.msk [tilespmem:v25+s23+$0x0], $0xffff  }
0x465: {  	v40 =	vadd.s32 s3, v0;
	s20 =	simm.s32 $0x2B5;
	[tilespmem:s0+$0xFFFFFFE0] =	vst v28;
	v30 =	vld.idx.msk [tilespmem:v30+s23+$0x0], $0xffff  }
0x466: {  	v36 =	vadd.s32 s20, v0;
	s21 =	simm.s32 $0x316;
	[tilespmem:s0+$0x60] =	vst v29;
	v28 =	vld.idx.msk [tilespmem:v35+s23+$0x0], $0xffff  }
0x467: {  	v37 =	vadd.s32 s21, v0;
	s22 =	simm.s32 $0x397;
	[tilespmem:s1+$0xFFFFFFC0] =	vst v32;
	v31 =	vld.idx.msk [tilespmem:v31+s23+$0x0], $0xffff  }
0x468: {  	s24 =	simm.s32 $0x162;
	v38 =	vadd.s32 s22, v0;
	s10 =	simm.s32 $0x15380;
	[tilespmem:s1+$0x40] =	vst v24;
	v39 =	vld.idx.msk [tilespmem:v26+s23+$0x0], $0xffff  }
0x469: {  	s25 =	simm.s32 $0x1E3;
	v24 =	vld.idx.msk [tilespmem:v63+s23+$0x0], $0xffff;
	[tilespmem:s10+$0xFFFFFF80] =	vst v25;
	v25 =	vadd.s32 s24, v0  }
0x46a: {  	s14 =	rddreg [dreg:$0x1];
	s26 =	simm.s32 $0x244;
	v26 =	vadd.s32 s25, v0;
	[tilespmem:s4+$0x20] =	vst v27;
	v27 =	vld.idx.msk [tilespmem:v40+s23+$0x0], $0xffff  }
0x46b: {  	s16 =	simm.s32 $0x8000;
	s3 =	simm.s32 $0x1F3;
	s31 =	simm.s32 $0x2C5;
	v29 =	vld.idx.msk [tilespmem:v36+s23+$0x0], $0xffff;
	[tilespmem:s10+$0x0] =	vst v30;
	v30 =	vadd.s32 s26, v0  }
0x46c: {  	s5 =	simm.s32 $0x6;
	s8 =	simm.s32 $0x3F7;
	s11 =	simm.s32 $0x326;
	v32 =	vld.idx.msk [tilespmem:v37+s23+$0x0], $0xffff;
	[tilespmem:s0+$0xFFFFFFF0] =	vst v31;
	v31 =	vadd.s32 s31, v0  }
0x46d: {  	s7 =	simm.s32 $0x4F9;
	s9 =	simm.s32 $0x2F5;
	v34 =	vadd.s32 s11, v0;
	s11 =	simm.s32 $0x3A7;
	v33 =	vld.idx.msk [tilespmem:v38+s23+$0x0], $0xffff;
	[tilespmem:s1+$0xFFFFFFD0] =	vst v39  }
.LBB2_27:
0x46e: {  	s13 =	sadd.s32 $0xFFFFFF0F, s7;
	s5 =	sadd.s32 $0x2, s5;
	v35 =	vadd.s32 s11, v0;
	v25 =	vld.idx.msk [tilespmem:v25+s23+$0x0], $0xffff;
	[tilespmem:s1+$0x50] =	vst v24  }
0x46f: {  	s11 =	sadd.s32 $0xFFFFFF90, s7;
	v24 =	vadd.s32 s13, v0;
	p2 =	slt.u32 s5, $0x7E;
	[tilespmem:s4+$0xFFFFFFB0] =	vst v28;
	v26 =	vld.idx.msk [tilespmem:v26+s23+$0x0], $0xffff  }
0x470: {  	v28 =	vadd.s32 s11, v0;
	s11 =	sadd.s32 $0xFFFFFF7F, s3;
	v30 =	vld.idx.msk [tilespmem:v30+s23+$0x0], $0xffff;
	[tilespmem:s4+$0x30] =	vst v29  }
0x471: {  	s13 =	sadd.s32 $0xFFFFFF5F, s9;
	[tilespmem:s10+$0xFFFFFF90] =	vst v32;
	v29 =	vld.idx.msk [tilespmem:v31+s23+$0x0], $0xffff;
	v31 =	vadd.s32 s11, v0  }
0x472: {  	s11 =	sadd.s32 $0xFFFFFFE0, s9;
	v32 =	vld.idx.msk [tilespmem:v34+s23+$0x0], $0xffff;
	[tilespmem:s10+$0x10] =	vst v33;
	v33 =	vadd.s32 s13, v0  }
0x473: {  	s13 =	sadd.s32 $0xFFFFFF3F, s8;
	v34 =	vld.idx.msk [tilespmem:v35+s23+$0x0], $0xffff;
	v35 =	vadd.s32 s11, v0;
	[tilespmem:s0+$0x70] =	vst v27;
	s0 =	smov.u32 s1;
	s1 =	smov.u32 s4  }
0x474: {  	v36 =	vadd.s32 s13, v0;
	s11 =	sadd.s32 $0xFFFFFFC0, s8;
	s4 =	smov.u32 s10;
	v27 =	vld.idx.msk [tilespmem:v24+s23+$0x0], $0xffff;
	[tilespmem:s0+$0xFFFFFFE0] =	vst v25  }
0x475: {  	s13 =	sadd.s32 $0xFFFFFF1F, s7;
	v38 =	vadd.s32 s11, v0;
	v37 =	vld.idx.msk [tilespmem:v28+s23+$0x0], $0xffff;
	[tilespmem:s0+$0x60] =	vst v26  }
0x476: {  	v39 =	vadd.s32 s13, v0;
	s11 =	sadd.s32 $0xFFFFFFA0, s7;
	[tilespmem:s1+$0xFFFFFFC0] =	vst v30;
	v40 =	vld.idx.msk [tilespmem:v31+s23+$0x0], $0xffff  }
0x477: {  	v42 =	vadd.s32 s3, v0;
	s3 =	smov.u32 s9;
	s9 =	smov.u32 s8;
	s8 =	smov.u32 s7;
	v31 =	vadd.s32 s11, v0;
	v41 =	vld.idx.msk [tilespmem:v33+s23+$0x0], $0xffff;
	[tilespmem:s1+$0x40] =	vst v29  }
0x478: {  	s11 =	sadd.s32 $0xFFFFFF6F, s3;
	[tilespmem:s10+$0xFFFFFFA0] =	vst v32;
	v24 =	vld.idx.msk [tilespmem:v35+s23+$0x0], $0xffff  }
.Ltmp21:
0x479: {  	v25 =	vadd.s32 s11, v0;
	s11 =	sadd.s32 $0xFFFFFFF0, s3;
	s10 =	sadd.s32 $0x100, s10;
	v28 =	vld.idx.msk [tilespmem:v36+s23+$0x0], $0xffff;
	[tilespmem:s4+$0x20] =	vst v34;
	(pc) =	sbr.rel @p2 .LBB2_27-.Ltmp21, $4  }
0x47a: {  	s13 =	sadd.s32 $0xFFFFFF4F, s9;
	v26 =	vadd.s32 s11, v0;
	[tilespmem:s10+$0xFFFFFF80] =	vst v27;
	v29 =	vld.idx.msk [tilespmem:v38+s23+$0x0], $0xffff  }
0x47b: {  	v30 =	vadd.s32 s13, v0;
	s11 =	sadd.s32 $0xFFFFFFD0, s9;
	v32 =	vld.idx.msk [tilespmem:v39+s23+$0x0], $0xffff;
	[tilespmem:s10+$0x0] =	vst v37  }
0x47c: {  	s13 =	sadd.s32 $0xFFFFFF2F, s7;
	v33 =	vld.idx.msk [tilespmem:v31+s23+$0x0], $0xffff;
	v31 =	vadd.s32 s11, v0;
	[tilespmem:s0+$0xFFFFFFF0] =	vst v40  }
0x47d: {  	s7 =	sadd.s32 $0x102, s7;
	v34 =	vadd.s32 s13, v0;
	s11 =	sadd.s32 $0xFFFFFFB0, s8;
	[tilespmem:s1+$0xFFFFFFD0] =	vst v41;
	v27 =	vld.idx.msk [tilespmem:v42+s23+$0x0], $0xffff  }
0x47e: {  	v35 =	vadd.s32 s11, v0;
	_ =	sdelay $0x2  }
0x47f: {  	[tilespmem:s10+$0xFFFFFF90] =	vst v32  }
0x480: {  	s5 =	sadd.s32 $0xFFFFFF3F, s8;
	v32 =	vld.idx.msk [tilespmem:v34+s23+$0x0], $0xffff;
	[tilespmem:s10+$0x10] =	vst v33  }
0x481: {  	s19 =	sadd.s32 $0xFFFFFFC0, s8;
	v40 =	vadd.s32 s5, v0;
	v33 =	vld.idx.msk [tilespmem:v35+s23+$0x0], $0xffff  }
0x482: {  	v41 =	vadd.s32 s19, v0;
	_ =	sdelay $0x2  }
0x483: {  	[tilespmem:s10+$0xFFFFFFA0] =	vst v32  }
0x484: {  	s20 =	sadd.s32 $0xFFFFFF4F, s8;
	v32 =	vld.idx.msk [tilespmem:v40+s23+$0x0], $0xffff;
	[tilespmem:s10+$0x20] =	vst v33  }
0x485: {  	s21 =	sadd.s32 $0xFFFFFFD0, s8;
	v42 =	vadd.s32 s20, v0;
	v33 =	vld.idx.msk [tilespmem:v41+s23+$0x0], $0xffff  }
0x486: {  	v43 =	vadd.s32 s21, v0  }
0x487: {  	[tilespmem:s4+$0xFFFFFFB0] =	vst v28  }
0x488: {  	s22 =	sadd.s32 $0xFFFFFF5F, s9;
	v28 =	vld.idx.msk [tilespmem:v30+s23+$0x0], $0xffff;
	[tilespmem:s4+$0x30] =	vst v29  }
0x489: {  	s24 =	sadd.s32 $0xFFFFFFE0, s9;
	v44 =	vadd.s32 s22, v0;
	v29 =	vld.idx.msk [tilespmem:v31+s23+$0x0], $0xffff;
	[tilespmem:s10+$0xFFFFFFB0] =	vst v32  }
0x48a: {  	s25 =	sadd.s32 $0xFFFFFF5F, s8;
	v45 =	vadd.s32 s24, v0;
	v32 =	vld.idx.msk [tilespmem:v42+s23+$0x0], $0xffff;
	[tilespmem:s10+$0x30] =	vst v33  }
0x48b: {  	s26 =	sadd.s32 $0xFFFFFFE0, s8;
	v46 =	vadd.s32 s25, v0;
	v33 =	vld.idx.msk [tilespmem:v43+s23+$0x0], $0xffff  }
0x48c: {  	v47 =	vadd.s32 s26, v0  }
0x48d: {  	[tilespmem:s4+$0xFFFFFFC0] =	vst v28  }
0x48e: {  	s7 =	sadd.s32 $0xFFFFFF6F, s9;
	v28 =	vld.idx.msk [tilespmem:v44+s23+$0x0], $0xffff;
	[tilespmem:s4+$0x40] =	vst v29  }
0x48f: {  	s11 =	sadd.s32 $0xFFFFFFF0, s9;
	v48 =	vadd.s32 s7, v0;
	v29 =	vld.idx.msk [tilespmem:v45+s23+$0x0], $0xffff;
	[tilespmem:s10+$0xFFFFFFC0] =	vst v32  }
0x490: {  	s13 =	sadd.s32 $0xFFFFFF6F, s8;
	v49 =	vadd.s32 s11, v0;
	v32 =	vld.idx.msk [tilespmem:v46+s23+$0x0], $0xffff;
	[tilespmem:s10+$0x40] =	vst v33  }
0x491: {  	[tilespmem:s1+$0x50] =	vst v24;
	v51 =	vadd.s32 s13, v0;
	s19 =	sadd.s32 $0xFFFFFFF0, s8;
	v50 =	vld.idx.msk [tilespmem:v47+s23+$0x0], $0xffff  }
0x492: {  	v25 =	vld.idx.msk [tilespmem:v25+s23+$0x0], $0xffff;
	s7 =	sadd.s32 $0xFFFFFF7F, s3;
	v52 =	vadd.s32 s19, v0;
	[tilespmem:s0+$0x70] =	vst v27  }
0x493: {  	v26 =	vld.idx.msk [tilespmem:v26+s23+$0x0], $0xffff;
	v53 =	vadd.s32 s7, v0;
	[tilespmem:s4+$0xFFFFFFD0] =	vst v28  }
0x494: {  	v54 =	vadd.s32 s3, v0;
	s20 =	sadd.s32 $0xFFFFFF7F, s9;
	v30 =	vld.idx.msk [tilespmem:v48+s23+$0x0], $0xffff;
	[tilespmem:s4+$0x50] =	vst v29  }
0x495: {  	v55 =	vadd.s32 s20, v0;
	v29 =	vld.idx.msk [tilespmem:v49+s23+$0x0], $0xffff;
	[tilespmem:s10+$0xFFFFFFD0] =	vst v32  }
0x496: {  	v56 =	vadd.s32 s9, v0;
	s21 =	sadd.s32 $0xFFFFFF7F, s8;
	v33 =	vld.idx.msk [tilespmem:v51+s23+$0x0], $0xffff;
	[tilespmem:s10+$0x50] =	vst v50  }
0x497: {  	v57 =	vadd.s32 s21, v0;
	[tilespmem:s1+$0xFFFFFFE0] =	vst v25;
	v24 =	vld.idx.msk [tilespmem:v52+s23+$0x0], $0xffff  }
0x498: {  	v59 =	vadd.s32 s8, v0;
	[tilespmem:s1+$0x60] =	vst v26;
	v58 =	vld.idx.msk [tilespmem:v53+s23+$0x0], $0xffff  }
0x499: {  	v28 =	vld.idx.msk [tilespmem:v54+s23+$0x0], $0xffff;
	[tilespmem:s4+$0xFFFFFFE0] =	vst v30  }
0x49a: {  	[tilespmem:s4+$0x60] =	vst v29;
	v60 =	vld.idx.msk [tilespmem:v55+s23+$0x0], $0xffff  }
0x49b: {  	v61 =	vld.idx.msk [tilespmem:v56+s23+$0x0], $0xffff;
	[tilespmem:s10+$0xFFFFFFE0] =	vst v33  }
0x49c: {  	v62 =	vld.idx.msk [tilespmem:v57+s23+$0x0], $0xffff;
	[tilespmem:s10+$0x60] =	vst v24  }
0x49d: {  	[tilespmem:s1+$0xFFFFFFF0] =	vst v58;
	v63 =	vld.idx.msk [tilespmem:v59+s23+$0x0], $0xffff  }
0x49e: {  	[tilespmem:s1+$0x70] =	vst v28  }
0x49f: {  	s22 =	sshll.u32 s17, $0xA;
	[tilespmem:s4+$0xFFFFFFF0] =	vst v60  }
0x4a0: {  	s0 =	sor.u32 s15, s22;
	[tilespmem:s4+$0x70] =	vst v61  }
0x4a1: {  	s3 =	simm.s32 $0x400;
	s0 =	sshrl.u32 s0, $0x3;
	[tilespmem:s10+$0xFFFFFFF0] =	vst v62  }
.Ltmp22:
0x4a2: {  	s24 =	simm.s32 $0xD000;
	s0 =	sadd.s32 s14, s0;
	[tilespmem:s10+$0x70] =	vst v63;
	(pc) =	sbr.rel .LBB2_32-.Ltmp22, $4  }
0x4a3: {  	[hbm4b:s0+s3] =	stream.strided.scatter [tilespmem:s24], [sflag:$0x4], $0x4000, s16, s3, $0x38;
	[tilespmem:$0x1D080] =	vst v63  }
0x4a4: {  	s26 =	rddreg [dreg:$0x16]  }
0x4a5: {  	s25 =	sshll.u32 s17, $0x13;
	s1 =	sshll.u32 s26, $0xA  }
0x4a6: {  	s31 =	rddreg [dreg:$0xe];
	s0 =	sadd.s32 s1, s25;
	s1 =	simm.s32 $0x15000  }
.LBB2_35:
0x4a7: {  	_ =	sfence.sel $0x180000  }
0x4a8: {  	[bflag:$0x0] =	sbarrier.arrive $0xFFFF  }
0x4a9: {  	_ =	strace $0x90000047  }
0x4aa: {  	s0 =	stileid.u32;
	[bflag:$0x2] =	sbarrier.arrive $0xFFFF  }
0x4ab: {  	p0 =	sne.s32 s0, $0x0;
	s0 =	rddreg [dreg:$0x2]  }
0x4ac: {  	s0 =	sadd.s32 @!p0 $0x100000, s0  }
0x4ad: {  	[sflag:s0] =	ssyncadd.tile.s32 @!p0 $0x1;
	_ =	shalt  }
.Lfunc_end2:
_tile_overlayer_lowered:
.L_overlay_start_2:
0x4ae: {  	(tag) =	ssettag $0x2  }
0x4af: {  	s0 =	rddreg [dreg:$0x0];
	s2 =	stileid.u32  }
0x4b0: {  	s1 =	rddreg [dreg:$0x1];
	p0 =	sne.s32 s2, $0x0  }
0x4b1: {  	s3 =	rddreg [dreg:$0x2];
	[bflag:$0x3] =	sbarrier.arrive $0xFFFF;
	s2 =	simm.s32 @!p0 $0x1C05  }
0x4b2: {  	[timem:s3], [sflag:s2] =	dma.local @!p0 [hbm:s0], s1  }
0x4b3: {  	s0 =	simm.s32 @!p0 $0x5  }
0x4b4: {  	_ =	swait.ge @!p0 [sflag:s0], s1  }
0x4b5: {  	s1 =	ssub.s32 @!p0 $0x0, s1;
	[sflag:s0] =	ssyncset.done @!p0 $0x0  }
0x4b6: {  	[sflag:s0] =	ssyncadd.s32 @!p0 s1  }
0x4b7: {  	[bflag:$0x3] =	sbarrier.arrive $0xFFFF  }
0x4b8: {  	_ =	shalt  }

</sc_bundles>
